<compile_context>
chip_gen: v7x
topology: tpu7x:2x2x1
jax: 0.10.2.dev20260603
libtpu: 0.0.44.dev20260713+nightly
codegen_flags: <defaults>
</compile_context>

<pallas_src>
import functools

import jax
import jax.numpy as jnp
from jax import lax
from jax.experimental import pallas as pl
from jax.experimental.pallas import tpu as pltpu
from jax.experimental.pallas import tpu_sc as plsc

N_NODES = 10000
N_EDGES = 320000
EDGE_CHUNK = 80
NUM_WORKERS = 32
SUBCORES = 16


def _sc_segment_add(h, src2, dst2):
    n, f = h.shape
    nblk = src2.shape[0] // NUM_WORKERS
    sb = 25
    nsup = nblk // sb
    rz = n // SUBCORES
    nzb = (n + EDGE_CHUNK - 1) // EDGE_CHUNK
    mesh = plsc.VectorSubcoreMesh(core_axis_name="c", subcore_axis_name="s")

    @functools.partial(
        pl.kernel,
        mesh=mesh,
        out_type=jax.ShapeDtypeStruct((2, n, f), jnp.float32),
        compiler_params=pltpu.CompilerParams(use_tc_tiling_on_sc=False),
        scratch_types=[
            pltpu.VMEM_SHARED((n, f), jnp.float32),
            pltpu.VMEM((sb, EDGE_CHUNK), jnp.int32),
            pltpu.VMEM((sb, EDGE_CHUNK), jnp.int32),
            pltpu.VMEM((EDGE_CHUNK, f), jnp.float32),
            pltpu.VMEM((EDGE_CHUNK, f), jnp.float32),
            pltpu.VMEM((EDGE_CHUNK, f), jnp.float32),
            pltpu.VMEM((EDGE_CHUNK, f), jnp.float32),
            pltpu.SemaphoreType.DMA,
            pltpu.SemaphoreType.DMA,
            pltpu.SemaphoreType.DMA,
            pltpu.SemaphoreType.DMA,
            pltpu.SemaphoreType.DMA,
            pltpu.SemaphoreType.DMA,
            pltpu.SemaphoreType.DMA,
            pltpu.SemaphoreType.DMA,
        ],
    )
    def k(h_hbm, src_hbm, dst_hbm, out_hbm, acc,
          src_v, dst_v, rows0, rows1, rows2, rows3,
          g0, g1, g2, g3, s0, s1, s2, s3):
        c = lax.axis_index("c")
        s = lax.axis_index("s")
        wid = c * SUBCORES + s

        bufs = (rows0, rows1, rows2, rows3)
        gsems = (g0, g1, g2, g3)
        ssems = (s0, s1, s2, s3)

        @pl.loop(0, EDGE_CHUNK)
        def _(r):
            @pl.loop(0, f // 16)
            def _(q):
                rows0[r, pl.ds(q * 16, 16)] = jnp.zeros((16,), jnp.float32)

        nzi = (nzb + SUBCORES - 1) // SUBCORES

        @pl.loop(0, (nzi + 3) // 4)
        def _(gg):
            for q in range(4):
                blk = s + SUBCORES * (gg * 4 + q)

                @pl.when(blk < nzb)
                def _():
                    pltpu.async_copy(
                        rows0, acc.at[pl.ds(blk * EDGE_CHUNK, EDGE_CHUNK)],
                        gsems[q])
            for q in range(4):
                blk = s + SUBCORES * (gg * 4 + q)

                @pl.when(blk < nzb)
                def _():
                    pltpu.make_async_copy(
                        rows0, acc.at[pl.ds(blk * EDGE_CHUNK, EDGE_CHUNK)],
                        gsems[q]).wait()

        plsc.subcore_barrier()

        def start_g(j, buf, sem):
            pltpu.async_copy(h_hbm.at[src_v.at[j]], buf, sem)

        def wait_g(j, buf, sem):
            pltpu.make_async_copy(h_hbm.at[src_v.at[j]], buf, sem).wait()

        def start_s(j, buf, sem):
            pltpu.async_copy(buf, acc.at[dst_v.at[j]], sem, add=True)

        def wait_s(j, buf, sem):
            pltpu.make_async_copy(buf, acc.at[dst_v.at[j]], sem).wait()

        @pl.loop(0, nsup)
        def _(t):
            base = wid * nblk + t * sb
            pltpu.sync_copy(src_hbm.at[pl.ds(base, sb)], src_v)
            pltpu.sync_copy(dst_hbm.at[pl.ds(base, sb)], dst_v)
            for q in range(4):
                start_g(q, bufs[q], gsems[q])

            @pl.loop(0, (sb - 1) // 4)
            def _(p):
                j0 = 4 * p
                for q in range(4):
                    wait_g(j0 + q, bufs[q], gsems[q])
                    start_s(j0 + q, bufs[q], ssems[q])
                for q in range(4):
                    wait_s(j0 + q, bufs[q], ssems[q])
                    jn = j0 + 4 + q

                    @pl.when(jn < sb)
                    def _():
                        start_g(jn, bufs[q], gsems[q])

            wait_g(sb - 1, rows0, g0)
            pltpu.sync_copy(rows0, acc.at[dst_v.at[sb - 1]], add=True)

        plsc.subcore_barrier()
        pltpu.sync_copy(acc.at[pl.ds(s * rz, rz)], out_hbm.at[c, pl.ds(s * rz, rz)])

    return k(h, src2, dst2)


_TC_PARAMS = pltpu.CompilerParams(vmem_limit_bytes=60 * 1024 * 1024)


def _project0(x, cdk, W0a):
    n, fx = x.shape
    fc = cdk.shape[1]
    hdim = W0a.shape[1]

    def body(x_ref, c_ref, wa_ref, o_ref):
        o_ref[...] = (
            jnp.dot(x_ref[...], wa_ref[0:fx, :],
                    preferred_element_type=jnp.float32)
            + jnp.dot(c_ref[...], wa_ref[fx:fx + fc, :],
                      preferred_element_type=jnp.float32))

    return pl.pallas_call(
        body,
        out_shape=jax.ShapeDtypeStruct((n, hdim), jnp.float32),
        compiler_params=_TC_PARAMS,
    )(x, cdk, W0a)


def _dense_mid(u, agg, ba, Wb, bb, g, be, Wnext):
    n, hdim = u.shape

    def body(u_ref, agg_ref, ba_ref, wb_ref, bb_ref, g_ref, be_ref, wn_ref,
             o_ref):
        t = jnp.maximum(u_ref[...] + agg_ref[0] + agg_ref[1] + ba_ref[...],
                        0.0)
        m2 = (jnp.dot(t, wb_ref[...], preferred_element_type=jnp.float32)
              + bb_ref[...])
        mean = jnp.mean(m2, axis=0, keepdims=True)
        var = jnp.mean(m2 * m2, axis=0, keepdims=True) - mean * mean
        scale = g_ref[...] * lax.rsqrt(var + 1e-5)
        shift = be_ref[...] - mean * scale
        v = m2 * scale + shift
        h1 = jnp.where(v > 0, v, jnp.exp(jnp.minimum(v, 0.0)) - 1.0)
        o_ref[...] = jnp.dot(h1, wn_ref[...],
                             preferred_element_type=jnp.float32)

    return pl.pallas_call(
        body,
        out_shape=jax.ShapeDtypeStruct((n, Wnext.shape[1]), jnp.float32),
        compiler_params=_TC_PARAMS,
    )(u, agg, ba.reshape(1, -1), Wb, bb.reshape(1, -1),
      g.reshape(1, -1), be.reshape(1, -1), Wnext)


def _dense_head(u, agg, ba, Wb, bb, g, be, Wlin, blin):
    n, hdim = u.shape

    def body(u_ref, agg_ref, ba_ref, wb_ref, bb_ref, g_ref, be_ref,
             w_ref, b_ref, o_ref):
        t = jnp.maximum(u_ref[...] + agg_ref[0] + agg_ref[1] + ba_ref[...],
                        0.0)
        m2 = (jnp.dot(t, wb_ref[...], preferred_element_type=jnp.float32)
              + bb_ref[...])
        mean = jnp.mean(m2, axis=0, keepdims=True)
        var = jnp.mean(m2 * m2, axis=0, keepdims=True) - mean * mean
        scale = g_ref[...] * lax.rsqrt(var + 1e-5)
        shift = be_ref[...] - mean * scale
        v = m2 * scale + shift
        v = jnp.where(v > 0, v, jnp.exp(jnp.minimum(v, 0.0)) - 1.0)
        logit = jnp.sum(v * w_ref[...], axis=1, keepdims=True) + b_ref[...]
        o_ref[...] = 1.0 / (1.0 + jnp.exp(-logit))

    return pl.pallas_call(
        body,
        out_shape=jax.ShapeDtypeStruct((n, 1), jnp.float32),
        compiler_params=_TC_PARAMS,
    )(u, agg, ba.reshape(1, -1), Wb, bb.reshape(1, -1),
      g.reshape(1, -1), be.reshape(1, -1),
      Wlin.reshape(1, -1), blin.reshape(1, 1))


def kernel(x, cdk_desc, edge_index, W0a, b0a, W0b, b0b, g0, be0,
           W1a, b1a, W1b, b1b, g1, be1, Wlin, blin):
    src2 = edge_index[0].reshape(N_EDGES // EDGE_CHUNK, EDGE_CHUNK)
    dst2 = edge_index[1].reshape(N_EDGES // EDGE_CHUNK, EDGE_CHUNK)

    u0 = _project0(x, cdk_desc, W0a)
    agg0 = _sc_segment_add(u0, src2, dst2)
    u1 = _dense_mid(u0, agg0, b0a, W0b, b0b, g0, be0, W1a)
    agg1 = _sc_segment_add(u1, src2, dst2)
    out = _dense_head(u1, agg1, b1a, W1b, b1b, g1, be1, Wlin, blin)
    return out.reshape(-1)

# --- scband reference (transcript-rebuilt; emitter-appended) ---
"""Pipeline reference for scband-ginmodel-cdk-82179904242301 (READ-ONLY COPY).

The authoritative reference and input builder live on the scoring server;
editing this copy changes nothing except your own understanding.
"""

import jax, jax.numpy as jnp
import numpy as np

N = 10000
E = 320000
IN_CH = 128
CDK = 32
H = 128

def _linear_init(key, shape):
    fan_in = shape[0]
    bound = 1.0 / np.sqrt(fan_in)
    return jax.random.uniform(key, shape, dtype=jnp.float32, minval=-bound, maxval=bound)

def setup_inputs(seed: int = 0):
    key = jax.random.key(seed)
    ks = jax.random.split(key, 20)
    inp = {}
    inp["x"] = jax.random.normal(ks[0], (N, IN_CH), dtype=jnp.float32)
    inp["cdk_desc"] = jax.random.normal(ks[1], (N, CDK), dtype=jnp.float32)
    inp["edge_index"] = jax.random.randint(ks[2], (2, E), 0, N, dtype=jnp.int32)
    inp["W0a"] = _linear_init(ks[3], (IN_CH + CDK, H)); inp["b0a"] = jnp.zeros((H,), jnp.float32)
    inp["W0b"] = _linear_init(ks[4], (H, H)); inp["b0b"] = jnp.zeros((H,), jnp.float32)
    inp["g0"] = jnp.ones((H,), jnp.float32); inp["be0"] = jnp.zeros((H,), jnp.float32)
    inp["W1a"] = _linear_init(ks[5], (H, H)); inp["b1a"] = jnp.zeros((H,), jnp.float32)
    inp["W1b"] = _linear_init(ks[6], (H, H)); inp["b1b"] = jnp.zeros((H,), jnp.float32)
    inp["g1"] = jnp.ones((H,), jnp.float32); inp["be1"] = jnp.zeros((H,), jnp.float32)
    inp["Wlin"] = _linear_init(ks[7], (H, 1)); inp["blin"] = jnp.zeros((1,), jnp.float32)
    return inp

def _gin_layer(h, src, dst, Wa, ba, Wb, bb, g, be):
    # GINConv with eps=0: mlp((1+eps)*x + sum_{j in N(i)} x_j)
    agg = jnp.zeros(h.shape, h.dtype).at[dst].add(h[src])
    m = h + agg
    m = jax.nn.relu(m @ Wa + ba) @ Wb + bb
    # BatchNorm over nodes (training-mode batch statistics, eps=1e-5)
    mean = jnp.mean(m, axis=0)
    var = jnp.var(m, axis=0)
    m = (m - mean) / jnp.sqrt(var + 1e-5) * g + be
    # ELU activation; dropout treated as identity (deterministic eval)
    return jax.nn.elu(m)

def reference(x, cdk_desc, edge_index, W0a, b0a, W0b, b0b, g0, be0, W1a, b1a, W1b, b1b, g1, be1, Wlin, blin):
    src = edge_index[0]
    dst = edge_index[1]
    h = jnp.concatenate([x, cdk_desc], axis=-1)
    h = _gin_layer(h, src, dst, W0a, b0a, W0b, b0b, g0, be0)
    h = _gin_layer(h, src, dst, W1a, b1a, W1b, b1b, g1, be1)
    out = h @ Wlin + blin
    return jax.nn.sigmoid(out).squeeze()

if __name__ == "__main__":
    import jax
    _d = setup_inputs()
    print(jax.jit(kernel)(*tuple(_d.values())))

</pallas_src>

<mosaic_0001>
#map = affine_map<(d0, d1) -> (0, 0)>
#map1 = affine_map<(d0, d1) -> (0, 0, 0)>
module attributes {stable_mosaic.version = 14 : i64} {
  func.func @k(%arg0: i32, %arg1: i32, %arg2: memref<10000x128xf32, #tpu.memory_space<hbm>>, %arg3: memref<4000x80xi32, #tpu.memory_space<hbm>>, %arg4: memref<4000x80xi32, #tpu.memory_space<hbm>>, %arg5: memref<2x10000x128xf32, #tpu.memory_space<hbm>>, %arg6: memref<10000x128xf32, #tpu.memory_space<vmem_shared>>, %arg7: memref<25x80xi32, #tpu.memory_space<vmem>>, %arg8: memref<25x80xi32, #tpu.memory_space<vmem>>, %arg9: memref<80x128xf32, #tpu.memory_space<vmem>>, %arg10: memref<80x128xf32, #tpu.memory_space<vmem>>, %arg11: memref<80x128xf32, #tpu.memory_space<vmem>>, %arg12: memref<80x128xf32, #tpu.memory_space<vmem>>, %arg13: memref<!tpu.dma_semaphore, #tpu.memory_space<semaphore_mem>>, %arg14: memref<!tpu.dma_semaphore, #tpu.memory_space<semaphore_mem>>, %arg15: memref<!tpu.dma_semaphore, #tpu.memory_space<semaphore_mem>>, %arg16: memref<!tpu.dma_semaphore, #tpu.memory_space<semaphore_mem>>, %arg17: memref<!tpu.dma_semaphore, #tpu.memory_space<semaphore_mem>>, %arg18: memref<!tpu.dma_semaphore, #tpu.memory_space<semaphore_mem>>, %arg19: memref<!tpu.dma_semaphore, #tpu.memory_space<semaphore_mem>>, %arg20: memref<!tpu.dma_semaphore, #tpu.memory_space<semaphore_mem>>) attributes {dimension_semantics = [#tpu.dimension_semantics<core_parallel>, #tpu.dimension_semantics<subcore_parallel>], iteration_bounds = array<i64: 2, 16>, scalar_prefetch = 0 : i64, scratch_operands = 15 : i64, tpu.core_type = #tpu.core_type<sc_vector_subcore>, window_params = [{transform_indices = #map}, {transform_indices = #map}, {transform_indices = #map}, {transform_indices = #map1}]} {
    %mul3A = arith.constant 16 : i32
    %mul3A_0 = arith.muli %arg0, %mul3A : i32
    %add3A = arith.addi %mul3A_0, %arg1 : i32
    %scan3A = arith.constant 0 : i32
    %scan3A_1 = arith.constant 80 : i32
    %scan3A_2 = arith.addi %scan3A, %scan3A_1 : i32
    %scan3A_3 = arith.constant 1 : i32
    scf.for %scan3A_20 = %scan3A to %scan3A_2 step %scan3A_3  : i32 {
      %mul3A_21 = arith.constant 1 : i32
      %mul3A_22 = arith.muli %scan3A_20, %mul3A_21 : i32
      %add3A_23 = arith.constant 0 : i32
      %add3A_24 = arith.addi %add3A_23, %mul3A_22 : i32
      %scan3A_25 = arith.constant 0 : i32
      %scan3A_26 = arith.constant 8 : i32
      %scan3A_27 = arith.addi %scan3A_25, %scan3A_26 : i32
      %scan3A_28 = arith.constant 1 : i32
      scf.for %scan3A_30 = %scan3A_25 to %scan3A_27 step %scan3A_28  : i32 {
        %mul3A_31 = arith.constant 1 : i32
        %mul3A_32 = arith.muli %scan3A_30, %mul3A_31 : i32
        %add3A_33 = arith.constant 0 : i32
        %add3A_34 = arith.addi %add3A_33, %mul3A_32 : i32
        %broadcast_in_dim3A = arith.constant 0.000000e+00 : f32
        %broadcast_in_dim3A_35 = vector.broadcast %broadcast_in_dim3A : f32 to vector<16xf32>
        %mul3A_36 = arith.constant 16 : i32
        %mul3A_37 = arith.muli %add3A_34, %mul3A_36 : i32
        %swap3A = arith.index_cast %add3A_24 : i32 to index
        %swap3A_38 = arith.index_cast %mul3A_37 : i32 to index
        %swap3A_39 = tpu.vector_load %arg9[%swap3A, %swap3A_38] {strides = array<i32>} : memref<80x128xf32, #tpu.memory_space<vmem>>, vector<1x16xf32>,
        %swap3A_40 = vector.shape_cast %swap3A_39 : vector<1x16xf32> to vector<16xf32>
        %swap3A_41 = vector.shape_cast %broadcast_in_dim3A_35 : vector<16xf32> to vector<1x16xf32>
        tpu.vector_store %arg9[%swap3A, %swap3A_38], %swap3A_41 {strides = array<i32>} : memref<80x128xf32, #tpu.memory_space<vmem>>, vector<1x16xf32>,
      }
      %scan3A_29 = arith.constant 8 : i32
    }
    %scan3A_4 = arith.constant 80 : i32
    %scan3A_5 = arith.constant 0 : i32
    %scan3A_6 = arith.constant 2 : i32
    %scan3A_7 = arith.addi %scan3A_5, %scan3A_6 : i32
    %scan3A_8 = arith.constant 1 : i32
    scf.for %scan3A_20 = %scan3A_5 to %scan3A_7 step %scan3A_8  : i32 {
      %mul3A_21 = arith.constant 1 : i32
      %mul3A_22 = arith.muli %scan3A_20, %mul3A_21 : i32
      %add3A_23 = arith.constant 0 : i32
      %add3A_24 = arith.addi %add3A_23, %mul3A_22 : i32
      %mul3A_25 = arith.constant 4 : i32
      %mul3A_26 = arith.muli %add3A_24, %mul3A_25 : i32
      %add3A_27 = arith.constant 0 : i32
      %add3A_28 = arith.addi %mul3A_26, %add3A_27 : i32
      %mul3A_29 = arith.constant 16 : i32
      %mul3A_30 = arith.muli %mul3A_29, %add3A_28 : i32
      %add3A_31 = arith.addi %arg1, %mul3A_30 : i32
      %lt3A = arith.constant 125 : i32
      %lt3A_32 = arith.cmpi slt, %add3A_31, %lt3A : i32
      %convert_element_type3A = arith.extui %lt3A_32 : i1 to i32
      %cond3A = arith.constant 0 : i32
      %cond3A_33 = arith.cmpi ne, %convert_element_type3A, %cond3A : i32
      scf.if %cond3A_33 {
        %mul3A_118 = arith.constant 80 : i32
        %mul3A_119 = arith.muli %add3A_31, %mul3A_118 : i32
        %dma_start3A = arith.constant 0 : i32
        %dma_start3A_120 = tpu.memref_slice %arg6[%mul3A_119, %dma_start3A] : memref<10000x128xf32, #tpu.memory_space<vmem_shared>> -> memref<80x128xf32, #tpu.memory_space<vmem_shared>>
        %dma_start3A_121 = arith.constant 0 : i32
        %dma_start3A_122 = tpu.memref_slice %arg6[%mul3A_119, %dma_start3A_121] : memref<10000x128xf32, #tpu.memory_space<vmem_shared>> -> memref<80x128xf32, #tpu.memory_space<vmem_shared>>
        tpu.enqueue_dma source(%arg9 : memref<80x128xf32, #tpu.memory_space<vmem>>) target(%dma_start3A_122 : memref<80x128xf32, #tpu.memory_space<vmem_shared>>) target_semaphore(%arg13 : memref<!tpu.dma_semaphore, #tpu.memory_space<semaphore_mem>>)
      } else {
      }
      %mul3A_34 = arith.constant 4 : i32
      %mul3A_35 = arith.muli %add3A_24, %mul3A_34 : i32
      %add3A_36 = arith.constant 1 : i32
      %add3A_37 = arith.addi %mul3A_35, %add3A_36 : i32
      %mul3A_38 = arith.constant 16 : i32
      %mul3A_39 = arith.muli %mul3A_38, %add3A_37 : i32
      %add3A_40 = arith.addi %arg1, %mul3A_39 : i32
      %lt3A_41 = arith.constant 125 : i32
      %lt3A_42 = arith.cmpi slt, %add3A_40, %lt3A_41 : i32
      %convert_element_type3A_43 = arith.extui %lt3A_42 : i1 to i32
      %cond3A_44 = arith.constant 0 : i32
      %cond3A_45 = arith.cmpi ne, %convert_element_type3A_43, %cond3A_44 : i32
      scf.if %cond3A_45 {
        %mul3A_118 = arith.constant 80 : i32
        %mul3A_119 = arith.muli %add3A_40, %mul3A_118 : i32
        %dma_start3A = arith.constant 0 : i32
        %dma_start3A_120 = tpu.memref_slice %arg6[%mul3A_119, %dma_start3A] : memref<10000x128xf32, #tpu.memory_space<vmem_shared>> -> memref<80x128xf32, #tpu.memory_space<vmem_shared>>
        %dma_start3A_121 = arith.constant 0 : i32
        %dma_start3A_122 = tpu.memref_slice %arg6[%mul3A_119, %dma_start3A_121] : memref<10000x128xf32, #tpu.memory_space<vmem_shared>> -> memref<80x128xf32, #tpu.memory_space<vmem_shared>>
        tpu.enqueue_dma source(%arg9 : memref<80x128xf32, #tpu.memory_space<vmem>>) target(%dma_start3A_122 : memref<80x128xf32, #tpu.memory_space<vmem_shared>>) target_semaphore(%arg14 : memref<!tpu.dma_semaphore, #tpu.memory_space<semaphore_mem>>)
      } else {
      }
      %mul3A_46 = arith.constant 4 : i32
      %mul3A_47 = arith.muli %add3A_24, %mul3A_46 : i32
      %add3A_48 = arith.constant 2 : i32
      %add3A_49 = arith.addi %mul3A_47, %add3A_48 : i32
      %mul3A_50 = arith.constant 16 : i32
      %mul3A_51 = arith.muli %mul3A_50, %add3A_49 : i32
      %add3A_52 = arith.addi %arg1, %mul3A_51 : i32
      %lt3A_53 = arith.constant 125 : i32
      %lt3A_54 = arith.cmpi slt, %add3A_52, %lt3A_53 : i32
      %convert_element_type3A_55 = arith.extui %lt3A_54 : i1 to i32
      %cond3A_56 = arith.constant 0 : i32
      %cond3A_57 = arith.cmpi ne, %convert_element_type3A_55, %cond3A_56 : i32
      scf.if %cond3A_57 {
        %mul3A_118 = arith.constant 80 : i32
        %mul3A_119 = arith.muli %add3A_52, %mul3A_118 : i32
        %dma_start3A = arith.constant 0 : i32
        %dma_start3A_120 = tpu.memref_slice %arg6[%mul3A_119, %dma_start3A] : memref<10000x128xf32, #tpu.memory_space<vmem_shared>> -> memref<80x128xf32, #tpu.memory_space<vmem_shared>>
        %dma_start3A_121 = arith.constant 0 : i32
        %dma_start3A_122 = tpu.memref_slice %arg6[%mul3A_119, %dma_start3A_121] : memref<10000x128xf32, #tpu.memory_space<vmem_shared>> -> memref<80x128xf32, #tpu.memory_space<vmem_shared>>
        tpu.enqueue_dma source(%arg9 : memref<80x128xf32, #tpu.memory_space<vmem>>) target(%dma_start3A_122 : memref<80x128xf32, #tpu.memory_space<vmem_shared>>) target_semaphore(%arg15 : memref<!tpu.dma_semaphore, #tpu.memory_space<semaphore_mem>>)
      } else {
      }
      %mul3A_58 = arith.constant 4 : i32
      %mul3A_59 = arith.muli %add3A_24, %mul3A_58 : i32
      %add3A_60 = arith.constant 3 : i32
      %add3A_61 = arith.addi %mul3A_59, %add3A_60 : i32
      %mul3A_62 = arith.constant 16 : i32
      %mul3A_63 = arith.muli %mul3A_62, %add3A_61 : i32
      %add3A_64 = arith.addi %arg1, %mul3A_63 : i32
      %lt3A_65 = arith.constant 125 : i32
      %lt3A_66 = arith.cmpi slt, %add3A_64, %lt3A_65 : i32
      %convert_element_type3A_67 = arith.extui %lt3A_66 : i1 to i32
      %cond3A_68 = arith.constant 0 : i32
      %cond3A_69 = arith.cmpi ne, %convert_element_type3A_67, %cond3A_68 : i32
      scf.if %cond3A_69 {
        %mul3A_118 = arith.constant 80 : i32
        %mul3A_119 = arith.muli %add3A_64, %mul3A_118 : i32
        %dma_start3A = arith.constant 0 : i32
        %dma_start3A_120 = tpu.memref_slice %arg6[%mul3A_119, %dma_start3A] : memref<10000x128xf32, #tpu.memory_space<vmem_shared>> -> memref<80x128xf32, #tpu.memory_space<vmem_shared>>
        %dma_start3A_121 = arith.constant 0 : i32
        %dma_start3A_122 = tpu.memref_slice %arg6[%mul3A_119, %dma_start3A_121] : memref<10000x128xf32, #tpu.memory_space<vmem_shared>> -> memref<80x128xf32, #tpu.memory_space<vmem_shared>>
        tpu.enqueue_dma source(%arg9 : memref<80x128xf32, #tpu.memory_space<vmem>>) target(%dma_start3A_122 : memref<80x128xf32, #tpu.memory_space<vmem_shared>>) target_semaphore(%arg16 : memref<!tpu.dma_semaphore, #tpu.memory_space<semaphore_mem>>)
      } else {
      }
      %mul3A_70 = arith.constant 4 : i32
      %mul3A_71 = arith.muli %add3A_24, %mul3A_70 : i32
      %add3A_72 = arith.constant 0 : i32
      %add3A_73 = arith.addi %mul3A_71, %add3A_72 : i32
      %mul3A_74 = arith.constant 16 : i32
      %mul3A_75 = arith.muli %mul3A_74, %add3A_73 : i32
      %add3A_76 = arith.addi %arg1, %mul3A_75 : i32
      %lt3A_77 = arith.constant 125 : i32
      %lt3A_78 = arith.cmpi slt, %add3A_76, %lt3A_77 : i32
      %convert_element_type3A_79 = arith.extui %lt3A_78 : i1 to i32
      %cond3A_80 = arith.constant 0 : i32
      %cond3A_81 = arith.cmpi ne, %convert_element_type3A_79, %cond3A_80 : i32
      scf.if %cond3A_81 {
        %mul3A_118 = arith.constant 80 : i32
        %mul3A_119 = arith.muli %add3A_76, %mul3A_118 : i32
        %dma_wait3A = arith.constant 0 : i32
        %dma_wait3A_120 = tpu.memref_slice %arg6[%mul3A_119, %dma_wait3A] : memref<10000x128xf32, #tpu.memory_space<vmem_shared>> -> memref<80x128xf32, #tpu.memory_space<vmem_shared>>
        %dma_wait3A_121 = arith.constant 0 : i32
        %dma_wait3A_122 = tpu.memref_slice %arg6[%mul3A_119, %dma_wait3A_121] : memref<10000x128xf32, #tpu.memory_space<vmem_shared>> -> memref<80x128xf32, #tpu.memory_space<vmem_shared>>
        tpu.wait_dma2 semaphore(%arg13 : memref<!tpu.dma_semaphore, #tpu.memory_space<semaphore_mem>>) src(%arg9 : memref<80x128xf32, #tpu.memory_space<vmem>>) dst(%dma_wait3A_122 : memref<80x128xf32, #tpu.memory_space<vmem_shared>>)
      } else {
      }
      %mul3A_82 = arith.constant 4 : i32
      %mul3A_83 = arith.muli %add3A_24, %mul3A_82 : i32
      %add3A_84 = arith.constant 1 : i32
      %add3A_85 = arith.addi %mul3A_83, %add3A_84 : i32
      %mul3A_86 = arith.constant 16 : i32
      %mul3A_87 = arith.muli %mul3A_86, %add3A_85 : i32
      %add3A_88 = arith.addi %arg1, %mul3A_87 : i32
      %lt3A_89 = arith.constant 125 : i32
      %lt3A_90 = arith.cmpi slt, %add3A_88, %lt3A_89 : i32
      %convert_element_type3A_91 = arith.extui %lt3A_90 : i1 to i32
      %cond3A_92 = arith.constant 0 : i32
      %cond3A_93 = arith.cmpi ne, %convert_element_type3A_91, %cond3A_92 : i32
      scf.if %cond3A_93 {
        %mul3A_118 = arith.constant 80 : i32
        %mul3A_119 = arith.muli %add3A_88, %mul3A_118 : i32
        %dma_wait3A = arith.constant 0 : i32
        %dma_wait3A_120 = tpu.memref_slice %arg6[%mul3A_119, %dma_wait3A] : memref<10000x128xf32, #tpu.memory_space<vmem_shared>> -> memref<80x128xf32, #tpu.memory_space<vmem_shared>>
        %dma_wait3A_121 = arith.constant 0 : i32
        %dma_wait3A_122 = tpu.memref_slice %arg6[%mul3A_119, %dma_wait3A_121] : memref<10000x128xf32, #tpu.memory_space<vmem_shared>> -> memref<80x128xf32, #tpu.memory_space<vmem_shared>>
        tpu.wait_dma2 semaphore(%arg14 : memref<!tpu.dma_semaphore, #tpu.memory_space<semaphore_mem>>) src(%arg9 : memref<80x128xf32, #tpu.memory_space<vmem>>) dst(%dma_wait3A_122 : memref<80x128xf32, #tpu.memory_space<vmem_shared>>)
      } else {
      }
      %mul3A_94 = arith.constant 4 : i32
      %mul3A_95 = arith.muli %add3A_24, %mul3A_94 : i32
      %add3A_96 = arith.constant 2 : i32
      %add3A_97 = arith.addi %mul3A_95, %add3A_96 : i32
      %mul3A_98 = arith.constant 16 : i32
      %mul3A_99 = arith.muli %mul3A_98, %add3A_97 : i32
      %add3A_100 = arith.addi %arg1, %mul3A_99 : i32
      %lt3A_101 = arith.constant 125 : i32
      %lt3A_102 = arith.cmpi slt, %add3A_100, %lt3A_101 : i32
      %convert_element_type3A_103 = arith.extui %lt3A_102 : i1 to i32
      %cond3A_104 = arith.constant 0 : i32
      %cond3A_105 = arith.cmpi ne, %convert_element_type3A_103, %cond3A_104 : i32
      scf.if %cond3A_105 {
        %mul3A_118 = arith.constant 80 : i32
        %mul3A_119 = arith.muli %add3A_100, %mul3A_118 : i32
        %dma_wait3A = arith.constant 0 : i32
        %dma_wait3A_120 = tpu.memref_slice %arg6[%mul3A_119, %dma_wait3A] : memref<10000x128xf32, #tpu.memory_space<vmem_shared>> -> memref<80x128xf32, #tpu.memory_space<vmem_shared>>
        %dma_wait3A_121 = arith.constant 0 : i32
        %dma_wait3A_122 = tpu.memref_slice %arg6[%mul3A_119, %dma_wait3A_121] : memref<10000x128xf32, #tpu.memory_space<vmem_shared>> -> memref<80x128xf32, #tpu.memory_space<vmem_shared>>
        tpu.wait_dma2 semaphore(%arg15 : memref<!tpu.dma_semaphore, #tpu.memory_space<semaphore_mem>>) src(%arg9 : memref<80x128xf32, #tpu.memory_space<vmem>>) dst(%dma_wait3A_122 : memref<80x128xf32, #tpu.memory_space<vmem_shared>>)
      } else {
      }
      %mul3A_106 = arith.constant 4 : i32
      %mul3A_107 = arith.muli %add3A_24, %mul3A_106 : i32
      %add3A_108 = arith.constant 3 : i32
      %add3A_109 = arith.addi %mul3A_107, %add3A_108 : i32
      %mul3A_110 = arith.constant 16 : i32
      %mul3A_111 = arith.muli %mul3A_110, %add3A_109 : i32
      %add3A_112 = arith.addi %arg1, %mul3A_111 : i32
      %lt3A_113 = arith.constant 125 : i32
      %lt3A_114 = arith.cmpi slt, %add3A_112, %lt3A_113 : i32
      %convert_element_type3A_115 = arith.extui %lt3A_114 : i1 to i32
      %cond3A_116 = arith.constant 0 : i32
      %cond3A_117 = arith.cmpi ne, %convert_element_type3A_115, %cond3A_116 : i32
      scf.if %cond3A_117 {
        %mul3A_118 = arith.constant 80 : i32
        %mul3A_119 = arith.muli %add3A_112, %mul3A_118 : i32
        %dma_wait3A = arith.constant 0 : i32
        %dma_wait3A_120 = tpu.memref_slice %arg6[%mul3A_119, %dma_wait3A] : memref<10000x128xf32, #tpu.memory_space<vmem_shared>> -> memref<80x128xf32, #tpu.memory_space<vmem_shared>>
        %dma_wait3A_121 = arith.constant 0 : i32
        %dma_wait3A_122 = tpu.memref_slice %arg6[%mul3A_119, %dma_wait3A_121] : memref<10000x128xf32, #tpu.memory_space<vmem_shared>> -> memref<80x128xf32, #tpu.memory_space<vmem_shared>>
        tpu.wait_dma2 semaphore(%arg16 : memref<!tpu.dma_semaphore, #tpu.memory_space<semaphore_mem>>) src(%arg9 : memref<80x128xf32, #tpu.memory_space<vmem>>) dst(%dma_wait3A_122 : memref<80x128xf32, #tpu.memory_space<vmem_shared>>)
      } else {
      }
    }
    %scan3A_9 = arith.constant 2 : i32
    %barrier3A = arith.constant 0 : index
    tpu.barrier barrier_id(%barrier3A)
    %scan3A_10 = arith.constant 0 : i32
    %scan3A_11 = arith.constant 5 : i32
    %scan3A_12 = arith.addi %scan3A_10, %scan3A_11 : i32
    %scan3A_13 = arith.constant 1 : i32
    scf.for %scan3A_20 = %scan3A_10 to %scan3A_12 step %scan3A_13  : i32 {
      %mul3A_21 = arith.constant 1 : i32
      %mul3A_22 = arith.muli %scan3A_20, %mul3A_21 : i32
      %add3A_23 = arith.constant 0 : i32
      %add3A_24 = arith.addi %add3A_23, %mul3A_22 : i32
      %mul3A_25 = arith.constant 125 : i32
      %mul3A_26 = arith.muli %add3A, %mul3A_25 : i32
      %mul3A_27 = arith.constant 25 : i32
      %mul3A_28 = arith.muli %add3A_24, %mul3A_27 : i32
      %add3A_29 = arith.addi %mul3A_26, %mul3A_28 : i32
      "tpu.region"() ({
        %run_scoped3A_68 = tpu.sem_alloc : memref<!tpu.dma_semaphore, #tpu.memory_space<semaphore_mem>>
        %dma_start3A_69 = arith.constant 0 : i32
        %dma_start3A_70 = tpu.memref_slice %arg3[%add3A_29, %dma_start3A_69] : memref<4000x80xi32, #tpu.memory_space<hbm>> -> memref<25x80xi32, #tpu.memory_space<hbm>>
        %dma_start3A_71 = arith.constant 0 : i32
        %dma_start3A_72 = tpu.memref_slice %arg3[%add3A_29, %dma_start3A_71] : memref<4000x80xi32, #tpu.memory_space<hbm>> -> memref<25x80xi32, #tpu.memory_space<hbm>>
        tpu.enqueue_dma source(%dma_start3A_72 : memref<25x80xi32, #tpu.memory_space<hbm>>) target(%arg7 : memref<25x80xi32, #tpu.memory_space<vmem>>) target_semaphore(%run_scoped3A_68 : memref<!tpu.dma_semaphore, #tpu.memory_space<semaphore_mem>>)
        %dma_wait3A_73 = arith.constant 0 : i32
        %dma_wait3A_74 = tpu.memref_slice %arg3[%add3A_29, %dma_wait3A_73] : memref<4000x80xi32, #tpu.memory_space<hbm>> -> memref<25x80xi32, #tpu.memory_space<hbm>>
        %dma_wait3A_75 = arith.constant 0 : i32
        %dma_wait3A_76 = tpu.memref_slice %arg3[%add3A_29, %dma_wait3A_75] : memref<4000x80xi32, #tpu.memory_space<hbm>> -> memref<25x80xi32, #tpu.memory_space<hbm>>
        tpu.wait_dma2 semaphore(%run_scoped3A_68 : memref<!tpu.dma_semaphore, #tpu.memory_space<semaphore_mem>>) src(%dma_wait3A_76 : memref<25x80xi32, #tpu.memory_space<hbm>>) dst(%arg7 : memref<25x80xi32, #tpu.memory_space<vmem>>)
        tpu.yield
      }) : () -> ()
      "tpu.region"() ({
        %run_scoped3A_68 = tpu.sem_alloc : memref<!tpu.dma_semaphore, #tpu.memory_space<semaphore_mem>>
        %dma_start3A_69 = arith.constant 0 : i32
        %dma_start3A_70 = tpu.memref_slice %arg4[%add3A_29, %dma_start3A_69] : memref<4000x80xi32, #tpu.memory_space<hbm>> -> memref<25x80xi32, #tpu.memory_space<hbm>>
        %dma_start3A_71 = arith.constant 0 : i32
        %dma_start3A_72 = tpu.memref_slice %arg4[%add3A_29, %dma_start3A_71] : memref<4000x80xi32, #tpu.memory_space<hbm>> -> memref<25x80xi32, #tpu.memory_space<hbm>>
        tpu.enqueue_dma source(%dma_start3A_72 : memref<25x80xi32, #tpu.memory_space<hbm>>) target(%arg8 : memref<25x80xi32, #tpu.memory_space<vmem>>) target_semaphore(%run_scoped3A_68 : memref<!tpu.dma_semaphore, #tpu.memory_space<semaphore_mem>>)
        %dma_wait3A_73 = arith.constant 0 : i32
        %dma_wait3A_74 = tpu.memref_slice %arg4[%add3A_29, %dma_wait3A_73] : memref<4000x80xi32, #tpu.memory_space<hbm>> -> memref<25x80xi32, #tpu.memory_space<hbm>>
        %dma_wait3A_75 = arith.constant 0 : i32
        %dma_wait3A_76 = tpu.memref_slice %arg4[%add3A_29, %dma_wait3A_75] : memref<4000x80xi32, #tpu.memory_space<hbm>> -> memref<25x80xi32, #tpu.memory_space<hbm>>
        tpu.wait_dma2 semaphore(%run_scoped3A_68 : memref<!tpu.dma_semaphore, #tpu.memory_space<semaphore_mem>>) src(%dma_wait3A_76 : memref<25x80xi32, #tpu.memory_space<hbm>>) dst(%arg8 : memref<25x80xi32, #tpu.memory_space<vmem>>)
        tpu.yield
      }) : () -> ()
      %dma_start3A = arith.constant 0 : i32
      %dma_start3A_30 = arith.constant 0 : i32
      %dma_start3A_31 = tpu.memref_slice %arg7[%dma_start3A, %dma_start3A_30] : memref<25x80xi32, #tpu.memory_space<vmem>> -> memref<1x80xi32, #tpu.memory_space<vmem>>
      %dma_start3A_32 = tpu.memref_squeeze %dma_start3A_31 : memref<1x80xi32, #tpu.memory_space<vmem>> -> memref<80xi32, #tpu.memory_space<vmem>>
      %dma_start3A_33 = arith.constant 0 : i32
      %dma_start3A_34 = arith.constant 0 : i32
      %dma_start3A_35 = tpu.memref_slice %arg2[%dma_start3A_33, %dma_start3A_34] : memref<10000x128xf32, #tpu.memory_space<hbm>> -> memref<10000x128xf32, #tpu.memory_space<hbm>>
      tpu.enqueue_indirect_dma source(%dma_start3A_35 : memref<10000x128xf32, #tpu.memory_space<hbm>>) target(%arg9 : memref<80x128xf32, #tpu.memory_space<vmem>>) offsets(%dma_start3A_32 : memref<80xi32, #tpu.memory_space<vmem>>) semaphore(%arg13 : memref<!tpu.dma_semaphore, #tpu.memory_space<semaphore_mem>>)
      %dma_start3A_36 = arith.constant 1 : i32
      %dma_start3A_37 = arith.constant 0 : i32
      %dma_start3A_38 = tpu.memref_slice %arg7[%dma_start3A_36, %dma_start3A_37] : memref<25x80xi32, #tpu.memory_space<vmem>> -> memref<1x80xi32, #tpu.memory_space<vmem>>
      %dma_start3A_39 = tpu.memref_squeeze %dma_start3A_38 : memref<1x80xi32, #tpu.memory_space<vmem>> -> memref<80xi32, #tpu.memory_space<vmem>>
      %dma_start3A_40 = arith.constant 0 : i32
      %dma_start3A_41 = arith.constant 0 : i32
      %dma_start3A_42 = tpu.memref_slice %arg2[%dma_start3A_40, %dma_start3A_41] : memref<10000x128xf32, #tpu.memory_space<hbm>> -> memref<10000x128xf32, #tpu.memory_space<hbm>>
      tpu.enqueue_indirect_dma source(%dma_start3A_42 : memref<10000x128xf32, #tpu.memory_space<hbm>>) target(%arg10 : memref<80x128xf32, #tpu.memory_space<vmem>>) offsets(%dma_start3A_39 : memref<80xi32, #tpu.memory_space<vmem>>) semaphore(%arg14 : memref<!tpu.dma_semaphore, #tpu.memory_space<semaphore_mem>>)
      %dma_start3A_43 = arith.constant 2 : i32
      %dma_start3A_44 = arith.constant 0 : i32
      %dma_start3A_45 = tpu.memref_slice %arg7[%dma_start3A_43, %dma_start3A_44] : memref<25x80xi32, #tpu.memory_space<vmem>> -> memref<1x80xi32, #tpu.memory_space<vmem>>
      %dma_start3A_46 = tpu.memref_squeeze %dma_start3A_45 : memref<1x80xi32, #tpu.memory_space<vmem>> -> memref<80xi32, #tpu.memory_space<vmem>>
      %dma_start3A_47 = arith.constant 0 : i32
      %dma_start3A_48 = arith.constant 0 : i32
      %dma_start3A_49 = tpu.memref_slice %arg2[%dma_start3A_47, %dma_start3A_48] : memref<10000x128xf32, #tpu.memory_space<hbm>> -> memref<10000x128xf32, #tpu.memory_space<hbm>>
      tpu.enqueue_indirect_dma source(%dma_start3A_49 : memref<10000x128xf32, #tpu.memory_space<hbm>>) target(%arg11 : memref<80x128xf32, #tpu.memory_space<vmem>>) offsets(%dma_start3A_46 : memref<80xi32, #tpu.memory_space<vmem>>) semaphore(%arg15 : memref<!tpu.dma_semaphore, #tpu.memory_space<semaphore_mem>>)
      %dma_start3A_50 = arith.constant 3 : i32
      %dma_start3A_51 = arith.constant 0 : i32
      %dma_start3A_52 = tpu.memref_slice %arg7[%dma_start3A_50, %dma_start3A_51] : memref<25x80xi32, #tpu.memory_space<vmem>> -> memref<1x80xi32, #tpu.memory_space<vmem>>
      %dma_start3A_53 = tpu.memref_squeeze %dma_start3A_52 : memref<1x80xi32, #tpu.memory_space<vmem>> -> memref<80xi32, #tpu.memory_space<vmem>>
      %dma_start3A_54 = arith.constant 0 : i32
      %dma_start3A_55 = arith.constant 0 : i32
      %dma_start3A_56 = tpu.memref_slice %arg2[%dma_start3A_54, %dma_start3A_55] : memref<10000x128xf32, #tpu.memory_space<hbm>> -> memref<10000x128xf32, #tpu.memory_space<hbm>>
      tpu.enqueue_indirect_dma source(%dma_start3A_56 : memref<10000x128xf32, #tpu.memory_space<hbm>>) target(%arg12 : memref<80x128xf32, #tpu.memory_space<vmem>>) offsets(%dma_start3A_53 : memref<80xi32, #tpu.memory_space<vmem>>) semaphore(%arg16 : memref<!tpu.dma_semaphore, #tpu.memory_space<semaphore_mem>>)
      %scan3A_57 = arith.constant 0 : i32
      %scan3A_58 = arith.constant 6 : i32
      %scan3A_59 = arith.addi %scan3A_57, %scan3A_58 : i32
      %scan3A_60 = arith.constant 1 : i32
      scf.for %scan3A_68 = %scan3A_57 to %scan3A_59 step %scan3A_60  : i32 {
        %mul3A_69 = arith.constant 1 : i32
        %mul3A_70 = arith.muli %scan3A_68, %mul3A_69 : i32
        %add3A_71 = arith.constant 0 : i32
        %add3A_72 = arith.addi %add3A_71, %mul3A_70 : i32
        %mul3A_73 = arith.constant 4 : i32
        %mul3A_74 = arith.muli %mul3A_73, %add3A_72 : i32
        %add3A_75 = arith.constant 0 : i32
        %add3A_76 = arith.addi %mul3A_74, %add3A_75 : i32
        %dma_wait3A_77 = arith.constant 0 : i32
        %dma_wait3A_78 = tpu.memref_slice %arg7[%add3A_76, %dma_wait3A_77] : memref<25x80xi32, #tpu.memory_space<vmem>> -> memref<1x80xi32, #tpu.memory_space<vmem>>
        %dma_wait3A_79 = tpu.memref_squeeze %dma_wait3A_78 : memref<1x80xi32, #tpu.memory_space<vmem>> -> memref<80xi32, #tpu.memory_space<vmem>>
        %dma_wait3A_80 = arith.constant 0 : i32
        %dma_wait3A_81 = arith.constant 0 : i32
        %dma_wait3A_82 = tpu.memref_slice %arg2[%dma_wait3A_80, %dma_wait3A_81] : memref<10000x128xf32, #tpu.memory_space<hbm>> -> memref<10000x128xf32, #tpu.memory_space<hbm>>
        tpu.wait_indirect_dma semaphore(%arg13 : memref<!tpu.dma_semaphore, #tpu.memory_space<semaphore_mem>>) src(%dma_wait3A_82 : memref<10000x128xf32, #tpu.memory_space<hbm>>) dst(%arg9 : memref<80x128xf32, #tpu.memory_space<vmem>>)
        %add3A_83 = arith.constant 0 : i32
        %add3A_84 = arith.addi %mul3A_74, %add3A_83 : i32
        %dma_start3A_85 = arith.constant 0 : i32
        %dma_start3A_86 = tpu.memref_slice %arg8[%add3A_84, %dma_start3A_85] : memref<25x80xi32, #tpu.memory_space<vmem>> -> memref<1x80xi32, #tpu.memory_space<vmem>>
        %dma_start3A_87 = tpu.memref_squeeze %dma_start3A_86 : memref<1x80xi32, #tpu.memory_space<vmem>> -> memref<80xi32, #tpu.memory_space<vmem>>
        %dma_start3A_88 = arith.constant 0 : i32
        %dma_start3A_89 = arith.constant 0 : i32
        %dma_start3A_90 = tpu.memref_slice %arg6[%dma_start3A_88, %dma_start3A_89] : memref<10000x128xf32, #tpu.memory_space<vmem_shared>> -> memref<10000x128xf32, #tpu.memory_space<vmem_shared>>
        tpu.enqueue_indirect_dma source(%arg9 : memref<80x128xf32, #tpu.memory_space<vmem>>) target(%dma_start3A_90 : memref<10000x128xf32, #tpu.memory_space<vmem_shared>>) offsets(%dma_start3A_87 : memref<80xi32, #tpu.memory_space<vmem>>) semaphore(%arg17 : memref<!tpu.dma_semaphore, #tpu.memory_space<semaphore_mem>>) {add = true}
        %add3A_91 = arith.constant 1 : i32
        %add3A_92 = arith.addi %mul3A_74, %add3A_91 : i32
        %dma_wait3A_93 = arith.constant 0 : i32
        %dma_wait3A_94 = tpu.memref_slice %arg7[%add3A_92, %dma_wait3A_93] : memref<25x80xi32, #tpu.memory_space<vmem>> -> memref<1x80xi32, #tpu.memory_space<vmem>>
        %dma_wait3A_95 = tpu.memref_squeeze %dma_wait3A_94 : memref<1x80xi32, #tpu.memory_space<vmem>> -> memref<80xi32, #tpu.memory_space<vmem>>
        %dma_wait3A_96 = arith.constant 0 : i32
        %dma_wait3A_97 = arith.constant 0 : i32
        %dma_wait3A_98 = tpu.memref_slice %arg2[%dma_wait3A_96, %dma_wait3A_97] : memref<10000x128xf32, #tpu.memory_space<hbm>> -> memref<10000x128xf32, #tpu.memory_space<hbm>>
        tpu.wait_indirect_dma semaphore(%arg14 : memref<!tpu.dma_semaphore, #tpu.memory_space<semaphore_mem>>) src(%dma_wait3A_98 : memref<10000x128xf32, #tpu.memory_space<hbm>>) dst(%arg10 : memref<80x128xf32, #tpu.memory_space<vmem>>)
        %add3A_99 = arith.constant 1 : i32
        %add3A_100 = arith.addi %mul3A_74, %add3A_99 : i32
        %dma_start3A_101 = arith.constant 0 : i32
        %dma_start3A_102 = tpu.memref_slice %arg8[%add3A_100, %dma_start3A_101] : memref<25x80xi32, #tpu.memory_space<vmem>> -> memref<1x80xi32, #tpu.memory_space<vmem>>
        %dma_start3A_103 = tpu.memref_squeeze %dma_start3A_102 : memref<1x80xi32, #tpu.memory_space<vmem>> -> memref<80xi32, #tpu.memory_space<vmem>>
        %dma_start3A_104 = arith.constant 0 : i32
        %dma_start3A_105 = arith.constant 0 : i32
        %dma_start3A_106 = tpu.memref_slice %arg6[%dma_start3A_104, %dma_start3A_105] : memref<10000x128xf32, #tpu.memory_space<vmem_shared>> -> memref<10000x128xf32, #tpu.memory_space<vmem_shared>>
        tpu.enqueue_indirect_dma source(%arg10 : memref<80x128xf32, #tpu.memory_space<vmem>>) target(%dma_start3A_106 : memref<10000x128xf32, #tpu.memory_space<vmem_shared>>) offsets(%dma_start3A_103 : memref<80xi32, #tpu.memory_space<vmem>>) semaphore(%arg18 : memref<!tpu.dma_semaphore, #tpu.memory_space<semaphore_mem>>) {add = true}
        %add3A_107 = arith.constant 2 : i32
        %add3A_108 = arith.addi %mul3A_74, %add3A_107 : i32
        %dma_wait3A_109 = arith.constant 0 : i32
        %dma_wait3A_110 = tpu.memref_slice %arg7[%add3A_108, %dma_wait3A_109] : memref<25x80xi32, #tpu.memory_space<vmem>> -> memref<1x80xi32, #tpu.memory_space<vmem>>
        %dma_wait3A_111 = tpu.memref_squeeze %dma_wait3A_110 : memref<1x80xi32, #tpu.memory_space<vmem>> -> memref<80xi32, #tpu.memory_space<vmem>>
        %dma_wait3A_112 = arith.constant 0 : i32
        %dma_wait3A_113 = arith.constant 0 : i32
        %dma_wait3A_114 = tpu.memref_slice %arg2[%dma_wait3A_112, %dma_wait3A_113] : memref<10000x128xf32, #tpu.memory_space<hbm>> -> memref<10000x128xf32, #tpu.memory_space<hbm>>
        tpu.wait_indirect_dma semaphore(%arg15 : memref<!tpu.dma_semaphore, #tpu.memory_space<semaphore_mem>>) src(%dma_wait3A_114 : memref<10000x128xf32, #tpu.memory_space<hbm>>) dst(%arg11 : memref<80x128xf32, #tpu.memory_space<vmem>>)
        %add3A_115 = arith.constant 2 : i32
        %add3A_116 = arith.addi %mul3A_74, %add3A_115 : i32
        %dma_start3A_117 = arith.constant 0 : i32
        %dma_start3A_118 = tpu.memref_slice %arg8[%add3A_116, %dma_start3A_117] : memref<25x80xi32, #tpu.memory_space<vmem>> -> memref<1x80xi32, #tpu.memory_space<vmem>>
        %dma_start3A_119 = tpu.memref_squeeze %dma_start3A_118 : memref<1x80xi32, #tpu.memory_space<vmem>> -> memref<80xi32, #tpu.memory_space<vmem>>
        %dma_start3A_120 = arith.constant 0 : i32
        %dma_start3A_121 = arith.constant 0 : i32
        %dma_start3A_122 = tpu.memref_slice %arg6[%dma_start3A_120, %dma_start3A_121] : memref<10000x128xf32, #tpu.memory_space<vmem_shared>> -> memref<10000x128xf32, #tpu.memory_space<vmem_shared>>
        tpu.enqueue_indirect_dma source(%arg11 : memref<80x128xf32, #tpu.memory_space<vmem>>) target(%dma_start3A_122 : memref<10000x128xf32, #tpu.memory_space<vmem_shared>>) offsets(%dma_start3A_119 : memref<80xi32, #tpu.memory_space<vmem>>) semaphore(%arg19 : memref<!tpu.dma_semaphore, #tpu.memory_space<semaphore_mem>>) {add = true}
        %add3A_123 = arith.constant 3 : i32
        %add3A_124 = arith.addi %mul3A_74, %add3A_123 : i32
        %dma_wait3A_125 = arith.constant 0 : i32
        %dma_wait3A_126 = tpu.memref_slice %arg7[%add3A_124, %dma_wait3A_125] : memref<25x80xi32, #tpu.memory_space<vmem>> -> memref<1x80xi32, #tpu.memory_space<vmem>>
        %dma_wait3A_127 = tpu.memref_squeeze %dma_wait3A_126 : memref<1x80xi32, #tpu.memory_space<vmem>> -> memref<80xi32, #tpu.memory_space<vmem>>
        %dma_wait3A_128 = arith.constant 0 : i32
        %dma_wait3A_129 = arith.constant 0 : i32
        %dma_wait3A_130 = tpu.memref_slice %arg2[%dma_wait3A_128, %dma_wait3A_129] : memref<10000x128xf32, #tpu.memory_space<hbm>> -> memref<10000x128xf32, #tpu.memory_space<hbm>>
        tpu.wait_indirect_dma semaphore(%arg16 : memref<!tpu.dma_semaphore, #tpu.memory_space<semaphore_mem>>) src(%dma_wait3A_130 : memref<10000x128xf32, #tpu.memory_space<hbm>>) dst(%arg12 : memref<80x128xf32, #tpu.memory_space<vmem>>)
        %add3A_131 = arith.constant 3 : i32
        %add3A_132 = arith.addi %mul3A_74, %add3A_131 : i32
        %dma_start3A_133 = arith.constant 0 : i32
        %dma_start3A_134 = tpu.memref_slice %arg8[%add3A_132, %dma_start3A_133] : memref<25x80xi32, #tpu.memory_space<vmem>> -> memref<1x80xi32, #tpu.memory_space<vmem>>
        %dma_start3A_135 = tpu.memref_squeeze %dma_start3A_134 : memref<1x80xi32, #tpu.memory_space<vmem>> -> memref<80xi32, #tpu.memory_space<vmem>>
        %dma_start3A_136 = arith.constant 0 : i32
        %dma_start3A_137 = arith.constant 0 : i32
        %dma_start3A_138 = tpu.memref_slice %arg6[%dma_start3A_136, %dma_start3A_137] : memref<10000x128xf32, #tpu.memory_space<vmem_shared>> -> memref<10000x128xf32, #tpu.memory_space<vmem_shared>>
        tpu.enqueue_indirect_dma source(%arg12 : memref<80x128xf32, #tpu.memory_space<vmem>>) target(%dma_start3A_138 : memref<10000x128xf32, #tpu.memory_space<vmem_shared>>) offsets(%dma_start3A_135 : memref<80xi32, #tpu.memory_space<vmem>>) semaphore(%arg20 : memref<!tpu.dma_semaphore, #tpu.memory_space<semaphore_mem>>) {add = true}
        %add3A_139 = arith.constant 0 : i32
        %add3A_140 = arith.addi %mul3A_74, %add3A_139 : i32
        %dma_wait3A_141 = arith.constant 0 : i32
        %dma_wait3A_142 = tpu.memref_slice %arg8[%add3A_140, %dma_wait3A_141] : memref<25x80xi32, #tpu.memory_space<vmem>> -> memref<1x80xi32, #tpu.memory_space<vmem>>
        %dma_wait3A_143 = tpu.memref_squeeze %dma_wait3A_142 : memref<1x80xi32, #tpu.memory_space<vmem>> -> memref<80xi32, #tpu.memory_space<vmem>>
        %dma_wait3A_144 = arith.constant 0 : i32
        %dma_wait3A_145 = arith.constant 0 : i32
        %dma_wait3A_146 = tpu.memref_slice %arg6[%dma_wait3A_144, %dma_wait3A_145] : memref<10000x128xf32, #tpu.memory_space<vmem_shared>> -> memref<10000x128xf32, #tpu.memory_space<vmem_shared>>
        tpu.wait_indirect_dma semaphore(%arg17 : memref<!tpu.dma_semaphore, #tpu.memory_space<semaphore_mem>>) src(%arg9 : memref<80x128xf32, #tpu.memory_space<vmem>>) dst(%dma_wait3A_146 : memref<10000x128xf32, #tpu.memory_space<vmem_shared>>)
        %add3A_147 = arith.constant 4 : i32
        %add3A_148 = arith.addi %mul3A_74, %add3A_147 : i32
        %add3A_149 = arith.constant 0 : i32
        %add3A_150 = arith.addi %add3A_148, %add3A_149 : i32
        %lt3A = arith.constant 25 : i32
        %lt3A_151 = arith.cmpi slt, %add3A_150, %lt3A : i32
        %convert_element_type3A = arith.extui %lt3A_151 : i1 to i32
        %cond3A = arith.constant 0 : i32
        %cond3A_152 = arith.cmpi ne, %convert_element_type3A, %cond3A : i32
        scf.if %cond3A_152 {
          %dma_start3A_204 = arith.constant 0 : i32
          %dma_start3A_205 = tpu.memref_slice %arg7[%add3A_150, %dma_start3A_204] : memref<25x80xi32, #tpu.memory_space<vmem>> -> memref<1x80xi32, #tpu.memory_space<vmem>>
          %dma_start3A_206 = tpu.memref_squeeze %dma_start3A_205 : memref<1x80xi32, #tpu.memory_space<vmem>> -> memref<80xi32, #tpu.memory_space<vmem>>
          %dma_start3A_207 = arith.constant 0 : i32
          %dma_start3A_208 = arith.constant 0 : i32
          %dma_start3A_209 = tpu.memref_slice %arg2[%dma_start3A_207, %dma_start3A_208] : memref<10000x128xf32, #tpu.memory_space<hbm>> -> memref<10000x128xf32, #tpu.memory_space<hbm>>
          tpu.enqueue_indirect_dma source(%dma_start3A_209 : memref<10000x128xf32, #tpu.memory_space<hbm>>) target(%arg9 : memref<80x128xf32, #tpu.memory_space<vmem>>) offsets(%dma_start3A_206 : memref<80xi32, #tpu.memory_space<vmem>>) semaphore(%arg13 : memref<!tpu.dma_semaphore, #tpu.memory_space<semaphore_mem>>)
        } else {
        }
        %add3A_153 = arith.constant 1 : i32
        %add3A_154 = arith.addi %mul3A_74, %add3A_153 : i32
        %dma_wait3A_155 = arith.constant 0 : i32
        %dma_wait3A_156 = tpu.memref_slice %arg8[%add3A_154, %dma_wait3A_155] : memref<25x80xi32, #tpu.memory_space<vmem>> -> memref<1x80xi32, #tpu.memory_space<vmem>>
        %dma_wait3A_157 = tpu.memref_squeeze %dma_wait3A_156 : memref<1x80xi32, #tpu.memory_space<vmem>> -> memref<80xi32, #tpu.memory_space<vmem>>
        %dma_wait3A_158 = arith.constant 0 : i32
        %dma_wait3A_159 = arith.constant 0 : i32
        %dma_wait3A_160 = tpu.memref_slice %arg6[%dma_wait3A_158, %dma_wait3A_159] : memref<10000x128xf32, #tpu.memory_space<vmem_shared>> -> memref<10000x128xf32, #tpu.memory_space<vmem_shared>>
        tpu.wait_indirect_dma semaphore(%arg18 : memref<!tpu.dma_semaphore, #tpu.memory_space<semaphore_mem>>) src(%arg10 : memref<80x128xf32, #tpu.memory_space<vmem>>) dst(%dma_wait3A_160 : memref<10000x128xf32, #tpu.memory_space<vmem_shared>>)
        %add3A_161 = arith.constant 4 : i32
        %add3A_162 = arith.addi %mul3A_74, %add3A_161 : i32
        %add3A_163 = arith.constant 1 : i32
        %add3A_164 = arith.addi %add3A_162, %add3A_163 : i32
        %lt3A_165 = arith.constant 25 : i32
        %lt3A_166 = arith.cmpi slt, %add3A_164, %lt3A_165 : i32
        %convert_element_type3A_167 = arith.extui %lt3A_166 : i1 to i32
        %cond3A_168 = arith.constant 0 : i32
        %cond3A_169 = arith.cmpi ne, %convert_element_type3A_167, %cond3A_168 : i32
        scf.if %cond3A_169 {
          %dma_start3A_204 = arith.constant 0 : i32
          %dma_start3A_205 = tpu.memref_slice %arg7[%add3A_164, %dma_start3A_204] : memref<25x80xi32, #tpu.memory_space<vmem>> -> memref<1x80xi32, #tpu.memory_space<vmem>>
          %dma_start3A_206 = tpu.memref_squeeze %dma_start3A_205 : memref<1x80xi32, #tpu.memory_space<vmem>> -> memref<80xi32, #tpu.memory_space<vmem>>
          %dma_start3A_207 = arith.constant 0 : i32
          %dma_start3A_208 = arith.constant 0 : i32
          %dma_start3A_209 = tpu.memref_slice %arg2[%dma_start3A_207, %dma_start3A_208] : memref<10000x128xf32, #tpu.memory_space<hbm>> -> memref<10000x128xf32, #tpu.memory_space<hbm>>
          tpu.enqueue_indirect_dma source(%dma_start3A_209 : memref<10000x128xf32, #tpu.memory_space<hbm>>) target(%arg10 : memref<80x128xf32, #tpu.memory_space<vmem>>) offsets(%dma_start3A_206 : memref<80xi32, #tpu.memory_space<vmem>>) semaphore(%arg14 : memref<!tpu.dma_semaphore, #tpu.memory_space<semaphore_mem>>)
        } else {
        }
        %add3A_170 = arith.constant 2 : i32
        %add3A_171 = arith.addi %mul3A_74, %add3A_170 : i32
        %dma_wait3A_172 = arith.constant 0 : i32
        %dma_wait3A_173 = tpu.memref_slice %arg8[%add3A_171, %dma_wait3A_172] : memref<25x80xi32, #tpu.memory_space<vmem>> -> memref<1x80xi32, #tpu.memory_space<vmem>>
        %dma_wait3A_174 = tpu.memref_squeeze %dma_wait3A_173 : memref<1x80xi32, #tpu.memory_space<vmem>> -> memref<80xi32, #tpu.memory_space<vmem>>
        %dma_wait3A_175 = arith.constant 0 : i32
        %dma_wait3A_176 = arith.constant 0 : i32
        %dma_wait3A_177 = tpu.memref_slice %arg6[%dma_wait3A_175, %dma_wait3A_176] : memref<10000x128xf32, #tpu.memory_space<vmem_shared>> -> memref<10000x128xf32, #tpu.memory_space<vmem_shared>>
        tpu.wait_indirect_dma semaphore(%arg19 : memref<!tpu.dma_semaphore, #tpu.memory_space<semaphore_mem>>) src(%arg11 : memref<80x128xf32, #tpu.memory_space<vmem>>) dst(%dma_wait3A_177 : memref<10000x128xf32, #tpu.memory_space<vmem_shared>>)
        %add3A_178 = arith.constant 4 : i32
        %add3A_179 = arith.addi %mul3A_74, %add3A_178 : i32
        %add3A_180 = arith.constant 2 : i32
        %add3A_181 = arith.addi %add3A_179, %add3A_180 : i32
        %lt3A_182 = arith.constant 25 : i32
        %lt3A_183 = arith.cmpi slt, %add3A_181, %lt3A_182 : i32
        %convert_element_type3A_184 = arith.extui %lt3A_183 : i1 to i32
        %cond3A_185 = arith.constant 0 : i32
        %cond3A_186 = arith.cmpi ne, %convert_element_type3A_184, %cond3A_185 : i32
        scf.if %cond3A_186 {
          %dma_start3A_204 = arith.constant 0 : i32
          %dma_start3A_205 = tpu.memref_slice %arg7[%add3A_181, %dma_start3A_204] : memref<25x80xi32, #tpu.memory_space<vmem>> -> memref<1x80xi32, #tpu.memory_space<vmem>>
          %dma_start3A_206 = tpu.memref_squeeze %dma_start3A_205 : memref<1x80xi32, #tpu.memory_space<vmem>> -> memref<80xi32, #tpu.memory_space<vmem>>
          %dma_start3A_207 = arith.constant 0 : i32
          %dma_start3A_208 = arith.constant 0 : i32
          %dma_start3A_209 = tpu.memref_slice %arg2[%dma_start3A_207, %dma_start3A_208] : memref<10000x128xf32, #tpu.memory_space<hbm>> -> memref<10000x128xf32, #tpu.memory_space<hbm>>
          tpu.enqueue_indirect_dma source(%dma_start3A_209 : memref<10000x128xf32, #tpu.memory_space<hbm>>) target(%arg11 : memref<80x128xf32, #tpu.memory_space<vmem>>) offsets(%dma_start3A_206 : memref<80xi32, #tpu.memory_space<vmem>>) semaphore(%arg15 : memref<!tpu.dma_semaphore, #tpu.memory_space<semaphore_mem>>)
        } else {
        }
        %add3A_187 = arith.constant 3 : i32
        %add3A_188 = arith.addi %mul3A_74, %add3A_187 : i32
        %dma_wait3A_189 = arith.constant 0 : i32
        %dma_wait3A_190 = tpu.memref_slice %arg8[%add3A_188, %dma_wait3A_189] : memref<25x80xi32, #tpu.memory_space<vmem>> -> memref<1x80xi32, #tpu.memory_space<vmem>>
        %dma_wait3A_191 = tpu.memref_squeeze %dma_wait3A_190 : memref<1x80xi32, #tpu.memory_space<vmem>> -> memref<80xi32, #tpu.memory_space<vmem>>
        %dma_wait3A_192 = arith.constant 0 : i32
        %dma_wait3A_193 = arith.constant 0 : i32
        %dma_wait3A_194 = tpu.memref_slice %arg6[%dma_wait3A_192, %dma_wait3A_193] : memref<10000x128xf32, #tpu.memory_space<vmem_shared>> -> memref<10000x128xf32, #tpu.memory_space<vmem_shared>>
        tpu.wait_indirect_dma semaphore(%arg20 : memref<!tpu.dma_semaphore, #tpu.memory_space<semaphore_mem>>) src(%arg12 : memref<80x128xf32, #tpu.memory_space<vmem>>) dst(%dma_wait3A_194 : memref<10000x128xf32, #tpu.memory_space<vmem_shared>>)
        %add3A_195 = arith.constant 4 : i32
        %add3A_196 = arith.addi %mul3A_74, %add3A_195 : i32
        %add3A_197 = arith.constant 3 : i32
        %add3A_198 = arith.addi %add3A_196, %add3A_197 : i32
        %lt3A_199 = arith.constant 25 : i32
        %lt3A_200 = arith.cmpi slt, %add3A_198, %lt3A_199 : i32
        %convert_element_type3A_201 = arith.extui %lt3A_200 : i1 to i32
        %cond3A_202 = arith.constant 0 : i32
        %cond3A_203 = arith.cmpi ne, %convert_element_type3A_201, %cond3A_202 : i32
        scf.if %cond3A_203 {
          %dma_start3A_204 = arith.constant 0 : i32
          %dma_start3A_205 = tpu.memref_slice %arg7[%add3A_198, %dma_start3A_204] : memref<25x80xi32, #tpu.memory_space<vmem>> -> memref<1x80xi32, #tpu.memory_space<vmem>>
          %dma_start3A_206 = tpu.memref_squeeze %dma_start3A_205 : memref<1x80xi32, #tpu.memory_space<vmem>> -> memref<80xi32, #tpu.memory_space<vmem>>
          %dma_start3A_207 = arith.constant 0 : i32
          %dma_start3A_208 = arith.constant 0 : i32
          %dma_start3A_209 = tpu.memref_slice %arg2[%dma_start3A_207, %dma_start3A_208] : memref<10000x128xf32, #tpu.memory_space<hbm>> -> memref<10000x128xf32, #tpu.memory_space<hbm>>
          tpu.enqueue_indirect_dma source(%dma_start3A_209 : memref<10000x128xf32, #tpu.memory_space<hbm>>) target(%arg12 : memref<80x128xf32, #tpu.memory_space<vmem>>) offsets(%dma_start3A_206 : memref<80xi32, #tpu.memory_space<vmem>>) semaphore(%arg16 : memref<!tpu.dma_semaphore, #tpu.memory_space<semaphore_mem>>)
        } else {
        }
      }
      %scan3A_61 = arith.constant 6 : i32
      %dma_wait3A = arith.constant 24 : i32
      %dma_wait3A_62 = arith.constant 0 : i32
      %dma_wait3A_63 = tpu.memref_slice %arg7[%dma_wait3A, %dma_wait3A_62] : memref<25x80xi32, #tpu.memory_space<vmem>> -> memref<1x80xi32, #tpu.memory_space<vmem>>
      %dma_wait3A_64 = tpu.memref_squeeze %dma_wait3A_63 : memref<1x80xi32, #tpu.memory_space<vmem>> -> memref<80xi32, #tpu.memory_space<vmem>>
      %dma_wait3A_65 = arith.constant 0 : i32
      %dma_wait3A_66 = arith.constant 0 : i32
      %dma_wait3A_67 = tpu.memref_slice %arg2[%dma_wait3A_65, %dma_wait3A_66] : memref<10000x128xf32, #tpu.memory_space<hbm>> -> memref<10000x128xf32, #tpu.memory_space<hbm>>
      tpu.wait_indirect_dma semaphore(%arg13 : memref<!tpu.dma_semaphore, #tpu.memory_space<semaphore_mem>>) src(%dma_wait3A_67 : memref<10000x128xf32, #tpu.memory_space<hbm>>) dst(%arg9 : memref<80x128xf32, #tpu.memory_space<vmem>>)
      %run_scoped3A = arith.constant 24 : i32
      "tpu.region"() ({
        %run_scoped3A_68 = tpu.sem_alloc : memref<!tpu.dma_semaphore, #tpu.memory_space<semaphore_mem>>
        %dma_start3A_69 = arith.constant 0 : i32
        %dma_start3A_70 = tpu.memref_slice %arg8[%run_scoped3A, %dma_start3A_69] : memref<25x80xi32, #tpu.memory_space<vmem>> -> memref<1x80xi32, #tpu.memory_space<vmem>>
        %dma_start3A_71 = tpu.memref_squeeze %dma_start3A_70 : memref<1x80xi32, #tpu.memory_space<vmem>> -> memref<80xi32, #tpu.memory_space<vmem>>
        %dma_start3A_72 = arith.constant 0 : i32
        %dma_start3A_73 = arith.constant 0 : i32
        %dma_start3A_74 = tpu.memref_slice %arg6[%dma_start3A_72, %dma_start3A_73] : memref<10000x128xf32, #tpu.memory_space<vmem_shared>> -> memref<10000x128xf32, #tpu.memory_space<vmem_shared>>
        tpu.enqueue_indirect_dma source(%arg9 : memref<80x128xf32, #tpu.memory_space<vmem>>) target(%dma_start3A_74 : memref<10000x128xf32, #tpu.memory_space<vmem_shared>>) offsets(%dma_start3A_71 : memref<80xi32, #tpu.memory_space<vmem>>) semaphore(%run_scoped3A_68 : memref<!tpu.dma_semaphore, #tpu.memory_space<semaphore_mem>>) {add = true}
        %dma_wait3A_75 = arith.constant 0 : i32
        %dma_wait3A_76 = tpu.memref_slice %arg8[%run_scoped3A, %dma_wait3A_75] : memref<25x80xi32, #tpu.memory_space<vmem>> -> memref<1x80xi32, #tpu.memory_space<vmem>>
        %dma_wait3A_77 = tpu.memref_squeeze %dma_wait3A_76 : memref<1x80xi32, #tpu.memory_space<vmem>> -> memref<80xi32, #tpu.memory_space<vmem>>
        %dma_wait3A_78 = arith.constant 0 : i32
        %dma_wait3A_79 = arith.constant 0 : i32
        %dma_wait3A_80 = tpu.memref_slice %arg6[%dma_wait3A_78, %dma_wait3A_79] : memref<10000x128xf32, #tpu.memory_space<vmem_shared>> -> memref<10000x128xf32, #tpu.memory_space<vmem_shared>>
        tpu.wait_indirect_dma semaphore(%run_scoped3A_68 : memref<!tpu.dma_semaphore, #tpu.memory_space<semaphore_mem>>) src(%arg9 : memref<80x128xf32, #tpu.memory_space<vmem>>) dst(%dma_wait3A_80 : memref<10000x128xf32, #tpu.memory_space<vmem_shared>>)
        tpu.yield
      }) : () -> ()
    }
    %scan3A_14 = arith.constant 5 : i32
    %barrier3A_15 = arith.constant 0 : index
    tpu.barrier barrier_id(%barrier3A_15)
    %mul3A_16 = arith.constant 625 : i32
    %mul3A_17 = arith.muli %arg1, %mul3A_16 : i32
    %mul3A_18 = arith.constant 625 : i32
    %mul3A_19 = arith.muli %arg1, %mul3A_18 : i32
    "tpu.region"() ({
      %run_scoped3A = tpu.sem_alloc : memref<!tpu.dma_semaphore, #tpu.memory_space<semaphore_mem>>
      %dma_start3A = arith.constant 0 : i32
      %dma_start3A_20 = tpu.memref_slice %arg5[%arg0, %mul3A_19, %dma_start3A] : memref<2x10000x128xf32, #tpu.memory_space<hbm>> -> memref<1x625x128xf32, #tpu.memory_space<hbm>>
      %dma_start3A_21 = tpu.memref_squeeze %dma_start3A_20 : memref<1x625x128xf32, #tpu.memory_space<hbm>> -> memref<625x128xf32, #tpu.memory_space<hbm>>
      %dma_start3A_22 = arith.constant 0 : i32
      %dma_start3A_23 = tpu.memref_slice %arg6[%mul3A_17, %dma_start3A_22] : memref<10000x128xf32, #tpu.memory_space<vmem_shared>> -> memref<625x128xf32, #tpu.memory_space<vmem_shared>>
      tpu.enqueue_dma source(%dma_start3A_23 : memref<625x128xf32, #tpu.memory_space<vmem_shared>>) target(%dma_start3A_21 : memref<625x128xf32, #tpu.memory_space<hbm>>) target_semaphore(%run_scoped3A : memref<!tpu.dma_semaphore, #tpu.memory_space<semaphore_mem>>)
      %dma_wait3A = arith.constant 0 : i32
      %dma_wait3A_24 = tpu.memref_slice %arg5[%arg0, %mul3A_19, %dma_wait3A] : memref<2x10000x128xf32, #tpu.memory_space<hbm>> -> memref<1x625x128xf32, #tpu.memory_space<hbm>>
      %dma_wait3A_25 = tpu.memref_squeeze %dma_wait3A_24 : memref<1x625x128xf32, #tpu.memory_space<hbm>> -> memref<625x128xf32, #tpu.memory_space<hbm>>
      %dma_wait3A_26 = arith.constant 0 : i32
      %dma_wait3A_27 = tpu.memref_slice %arg6[%mul3A_17, %dma_wait3A_26] : memref<10000x128xf32, #tpu.memory_space<vmem_shared>> -> memref<625x128xf32, #tpu.memory_space<vmem_shared>>
      tpu.wait_dma2 semaphore(%run_scoped3A : memref<!tpu.dma_semaphore, #tpu.memory_space<semaphore_mem>>) src(%dma_wait3A_27 : memref<625x128xf32, #tpu.memory_space<vmem_shared>>) dst(%dma_wait3A_25 : memref<625x128xf32, #tpu.memory_space<hbm>>)
      tpu.yield
    }) : () -> ()
    return
  }
}

#map = affine_map<(d0, d1) -> (0, 0)>
#map1 = affine_map<(d0, d1) -> (0, 0, 0)>
module attributes {stable_mosaic.version = 14 : i64} {
  func.func @k(%arg0: i32, %arg1: i32, %arg2: memref<10000x128xf32, #tpu.memory_space<hbm>>, %arg3: memref<4000x80xi32, #tpu.memory_space<hbm>>, %arg4: memref<4000x80xi32, #tpu.memory_space<hbm>>, %arg5: memref<2x10000x128xf32, #tpu.memory_space<hbm>>, %arg6: memref<10000x128xf32, #tpu.memory_space<vmem_shared>>, %arg7: memref<25x80xi32, #tpu.memory_space<vmem>>, %arg8: memref<25x80xi32, #tpu.memory_space<vmem>>, %arg9: memref<80x128xf32, #tpu.memory_space<vmem>>, %arg10: memref<80x128xf32, #tpu.memory_space<vmem>>, %arg11: memref<80x128xf32, #tpu.memory_space<vmem>>, %arg12: memref<80x128xf32, #tpu.memory_space<vmem>>, %arg13: memref<!tpu.dma_semaphore, #tpu.memory_space<semaphore_mem>>, %arg14: memref<!tpu.dma_semaphore, #tpu.memory_space<semaphore_mem>>, %arg15: memref<!tpu.dma_semaphore, #tpu.memory_space<semaphore_mem>>, %arg16: memref<!tpu.dma_semaphore, #tpu.memory_space<semaphore_mem>>, %arg17: memref<!tpu.dma_semaphore, #tpu.memory_space<semaphore_mem>>, %arg18: memref<!tpu.dma_semaphore, #tpu.memory_space<semaphore_mem>>, %arg19: memref<!tpu.dma_semaphore, #tpu.memory_space<semaphore_mem>>, %arg20: memref<!tpu.dma_semaphore, #tpu.memory_space<semaphore_mem>>) attributes {dimension_semantics = [#tpu.dimension_semantics<core_parallel>, #tpu.dimension_semantics<subcore_parallel>], iteration_bounds = array<i64: 2, 16>, scalar_prefetch = 0 : i64, scratch_operands = 15 : i64, tpu.core_type = #tpu.core_type<sc_vector_subcore>, window_params = [{transform_indices = #map}, {transform_indices = #map}, {transform_indices = #map}, {transform_indices = #map1}]} {
    %mul3A = arith.constant 16 : i32
    %mul3A_0 = arith.muli %arg0, %mul3A : i32
    %add3A = arith.addi %mul3A_0, %arg1 : i32
    %scan3A = arith.constant 0 : i32
    %scan3A_1 = arith.constant 80 : i32
    %scan3A_2 = arith.addi %scan3A, %scan3A_1 : i32
    %scan3A_3 = arith.constant 1 : i32
    scf.for %scan3A_20 = %scan3A to %scan3A_2 step %scan3A_3  : i32 {
      %mul3A_21 = arith.constant 1 : i32
      %mul3A_22 = arith.muli %scan3A_20, %mul3A_21 : i32
      %add3A_23 = arith.constant 0 : i32
      %add3A_24 = arith.addi %add3A_23, %mul3A_22 : i32
      %scan3A_25 = arith.constant 0 : i32
      %scan3A_26 = arith.constant 8 : i32
      %scan3A_27 = arith.addi %scan3A_25, %scan3A_26 : i32
      %scan3A_28 = arith.constant 1 : i32
      scf.for %scan3A_30 = %scan3A_25 to %scan3A_27 step %scan3A_28  : i32 {
        %mul3A_31 = arith.constant 1 : i32
        %mul3A_32 = arith.muli %scan3A_30, %mul3A_31 : i32
        %add3A_33 = arith.constant 0 : i32
        %add3A_34 = arith.addi %add3A_33, %mul3A_32 : i32
        %broadcast_in_dim3A = arith.constant 0.000000e+00 : f32
        %broadcast_in_dim3A_35 = vector.broadcast %broadcast_in_dim3A : f32 to vector<16xf32>
        %mul3A_36 = arith.constant 16 : i32
        %mul3A_37 = arith.muli %add3A_34, %mul3A_36 : i32
        %swap3A = arith.index_cast %add3A_24 : i32 to index
        %swap3A_38 = arith.index_cast %mul3A_37 : i32 to index
        %swap3A_39 = tpu.vector_load %arg9[%swap3A, %swap3A_38] {strides = array<i32>} : memref<80x128xf32, #tpu.memory_space<vmem>>, vector<1x16xf32>,
        %swap3A_40 = vector.shape_cast %swap3A_39 : vector<1x16xf32> to vector<16xf32>
        %swap3A_41 = vector.shape_cast %broadcast_in_dim3A_35 : vector<16xf32> to vector<1x16xf32>
        tpu.vector_store %arg9[%swap3A, %swap3A_38], %swap3A_41 {strides = array<i32>} : memref<80x128xf32, #tpu.memory_space<vmem>>, vector<1x16xf32>,
      }
      %scan3A_29 = arith.constant 8 : i32
    }
    %scan3A_4 = arith.constant 80 : i32
    %scan3A_5 = arith.constant 0 : i32
    %scan3A_6 = arith.constant 2 : i32
    %scan3A_7 = arith.addi %scan3A_5, %scan3A_6 : i32
    %scan3A_8 = arith.constant 1 : i32
    scf.for %scan3A_20 = %scan3A_5 to %scan3A_7 step %scan3A_8  : i32 {
      %mul3A_21 = arith.constant 1 : i32
      %mul3A_22 = arith.muli %scan3A_20, %mul3A_21 : i32
      %add3A_23 = arith.constant 0 : i32
      %add3A_24 = arith.addi %add3A_23, %mul3A_22 : i32
      %mul3A_25 = arith.constant 4 : i32
      %mul3A_26 = arith.muli %add3A_24, %mul3A_25 : i32
      %add3A_27 = arith.constant 0 : i32
      %add3A_28 = arith.addi %mul3A_26, %add3A_27 : i32
      %mul3A_29 = arith.constant 16 : i32
      %mul3A_30 = arith.muli %mul3A_29, %add3A_28 : i32
      %add3A_31 = arith.addi %arg1, %mul3A_30 : i32
      %lt3A = arith.constant 125 : i32
      %lt3A_32 = arith.cmpi slt, %add3A_31, %lt3A : i32
      %convert_element_type3A = arith.extui %lt3A_32 : i1 to i32
      %cond3A = arith.constant 0 : i32
      %cond3A_33 = arith.cmpi ne, %convert_element_type3A, %cond3A : i32
      scf.if %cond3A_33 {
        %mul3A_118 = arith.constant 80 : i32
        %mul3A_119 = arith.muli %add3A_31, %mul3A_118 : i32
        %dma_start3A = arith.constant 0 : i32
        %dma_start3A_120 = tpu.memref_slice %arg6[%mul3A_119, %dma_start3A] : memref<10000x128xf32, #tpu.memory_space<vmem_shared>> -> memref<80x128xf32, #tpu.memory_space<vmem_shared>>
        %dma_start3A_121 = arith.constant 0 : i32
        %dma_start3A_122 = tpu.memref_slice %arg6[%mul3A_119, %dma_start3A_121] : memref<10000x128xf32, #tpu.memory_space<vmem_shared>> -> memref<80x128xf32, #tpu.memory_space<vmem_shared>>
        tpu.enqueue_dma source(%arg9 : memref<80x128xf32, #tpu.memory_space<vmem>>) target(%dma_start3A_122 : memref<80x128xf32, #tpu.memory_space<vmem_shared>>) target_semaphore(%arg13 : memref<!tpu.dma_semaphore, #tpu.memory_space<semaphore_mem>>)
      } else {
      }
      %mul3A_34 = arith.constant 4 : i32
      %mul3A_35 = arith.muli %add3A_24, %mul3A_34 : i32
      %add3A_36 = arith.constant 1 : i32
      %add3A_37 = arith.addi %mul3A_35, %add3A_36 : i32
      %mul3A_38 = arith.constant 16 : i32
      %mul3A_39 = arith.muli %mul3A_38, %add3A_37 : i32
      %add3A_40 = arith.addi %arg1, %mul3A_39 : i32
      %lt3A_41 = arith.constant 125 : i32
      %lt3A_42 = arith.cmpi slt, %add3A_40, %lt3A_41 : i32
      %convert_element_type3A_43 = arith.extui %lt3A_42 : i1 to i32
      %cond3A_44 = arith.constant 0 : i32
      %cond3A_45 = arith.cmpi ne, %convert_element_type3A_43, %cond3A_44 : i32
      scf.if %cond3A_45 {
        %mul3A_118 = arith.constant 80 : i32
        %mul3A_119 = arith.muli %add3A_40, %mul3A_118 : i32
        %dma_start3A = arith.constant 0 : i32
        %dma_start3A_120 = tpu.memref_slice %arg6[%mul3A_119, %dma_start3A] : memref<10000x128xf32, #tpu.memory_space<vmem_shared>> -> memref<80x128xf32, #tpu.memory_space<vmem_shared>>
        %dma_start3A_121 = arith.constant 0 : i32
        %dma_start3A_122 = tpu.memref_slice %arg6[%mul3A_119, %dma_start3A_121] : memref<10000x128xf32, #tpu.memory_space<vmem_shared>> -> memref<80x128xf32, #tpu.memory_space<vmem_shared>>
        tpu.enqueue_dma source(%arg9 : memref<80x128xf32, #tpu.memory_space<vmem>>) target(%dma_start3A_122 : memref<80x128xf32, #tpu.memory_space<vmem_shared>>) target_semaphore(%arg14 : memref<!tpu.dma_semaphore, #tpu.memory_space<semaphore_mem>>)
      } else {
      }
      %mul3A_46 = arith.constant 4 : i32
      %mul3A_47 = arith.muli %add3A_24, %mul3A_46 : i32
      %add3A_48 = arith.constant 2 : i32
      %add3A_49 = arith.addi %mul3A_47, %add3A_48 : i32
      %mul3A_50 = arith.constant 16 : i32
      %mul3A_51 = arith.muli %mul3A_50, %add3A_49 : i32
      %add3A_52 = arith.addi %arg1, %mul3A_51 : i32
      %lt3A_53 = arith.constant 125 : i32
      %lt3A_54 = arith.cmpi slt, %add3A_52, %lt3A_53 : i32
      %convert_element_type3A_55 = arith.extui %lt3A_54 : i1 to i32
      %cond3A_56 = arith.constant 0 : i32
      %cond3A_57 = arith.cmpi ne, %convert_element_type3A_55, %cond3A_56 : i32
      scf.if %cond3A_57 {
        %mul3A_118 = arith.constant 80 : i32
        %mul3A_119 = arith.muli %add3A_52, %mul3A_118 : i32
        %dma_start3A = arith.constant 0 : i32
        %dma_start3A_120 = tpu.memref_slice %arg6[%mul3A_119, %dma_start3A] : memref<10000x128xf32, #tpu.memory_space<vmem_shared>> -> memref<80x128xf32, #tpu.memory_space<vmem_shared>>
        %dma_start3A_121 = arith.constant 0 : i32
        %dma_start3A_122 = tpu.memref_slice %arg6[%mul3A_119, %dma_start3A_121] : memref<10000x128xf32, #tpu.memory_space<vmem_shared>> -> memref<80x128xf32, #tpu.memory_space<vmem_shared>>
        tpu.enqueue_dma source(%arg9 : memref<80x128xf32, #tpu.memory_space<vmem>>) target(%dma_start3A_122 : memref<80x128xf32, #tpu.memory_space<vmem_shared>>) target_semaphore(%arg15 : memref<!tpu.dma_semaphore, #tpu.memory_space<semaphore_mem>>)
      } else {
      }
      %mul3A_58 = arith.constant 4 : i32
      %mul3A_59 = arith.muli %add3A_24, %mul3A_58 : i32
      %add3A_60 = arith.constant 3 : i32
      %add3A_61 = arith.addi %mul3A_59, %add3A_60 : i32
      %mul3A_62 = arith.constant 16 : i32
      %mul3A_63 = arith.muli %mul3A_62, %add3A_61 : i32
      %add3A_64 = arith.addi %arg1, %mul3A_63 : i32
      %lt3A_65 = arith.constant 125 : i32
      %lt3A_66 = arith.cmpi slt, %add3A_64, %lt3A_65 : i32
      %convert_element_type3A_67 = arith.extui %lt3A_66 : i1 to i32
      %cond3A_68 = arith.constant 0 : i32
      %cond3A_69 = arith.cmpi ne, %convert_element_type3A_67, %cond3A_68 : i32
      scf.if %cond3A_69 {
        %mul3A_118 = arith.constant 80 : i32
        %mul3A_119 = arith.muli %add3A_64, %mul3A_118 : i32
        %dma_start3A = arith.constant 0 : i32
        %dma_start3A_120 = tpu.memref_slice %arg6[%mul3A_119, %dma_start3A] : memref<10000x128xf32, #tpu.memory_space<vmem_shared>> -> memref<80x128xf32, #tpu.memory_space<vmem_shared>>
        %dma_start3A_121 = arith.constant 0 : i32
        %dma_start3A_122 = tpu.memref_slice %arg6[%mul3A_119, %dma_start3A_121] : memref<10000x128xf32, #tpu.memory_space<vmem_shared>> -> memref<80x128xf32, #tpu.memory_space<vmem_shared>>
        tpu.enqueue_dma source(%arg9 : memref<80x128xf32, #tpu.memory_space<vmem>>) target(%dma_start3A_122 : memref<80x128xf32, #tpu.memory_space<vmem_shared>>) target_semaphore(%arg16 : memref<!tpu.dma_semaphore, #tpu.memory_space<semaphore_mem>>)
      } else {
      }
      %mul3A_70 = arith.constant 4 : i32
      %mul3A_71 = arith.muli %add3A_24, %mul3A_70 : i32
      %add3A_72 = arith.constant 0 : i32
      %add3A_73 = arith.addi %mul3A_71, %add3A_72 : i32
      %mul3A_74 = arith.constant 16 : i32
      %mul3A_75 = arith.muli %mul3A_74, %add3A_73 : i32
      %add3A_76 = arith.addi %arg1, %mul3A_75 : i32
      %lt3A_77 = arith.constant 125 : i32
      %lt3A_78 = arith.cmpi slt, %add3A_76, %lt3A_77 : i32
      %convert_element_type3A_79 = arith.extui %lt3A_78 : i1 to i32
      %cond3A_80 = arith.constant 0 : i32
      %cond3A_81 = arith.cmpi ne, %convert_element_type3A_79, %cond3A_80 : i32
      scf.if %cond3A_81 {
        %mul3A_118 = arith.constant 80 : i32
        %mul3A_119 = arith.muli %add3A_76, %mul3A_118 : i32
        %dma_wait3A = arith.constant 0 : i32
        %dma_wait3A_120 = tpu.memref_slice %arg6[%mul3A_119, %dma_wait3A] : memref<10000x128xf32, #tpu.memory_space<vmem_shared>> -> memref<80x128xf32, #tpu.memory_space<vmem_shared>>
        %dma_wait3A_121 = arith.constant 0 : i32
        %dma_wait3A_122 = tpu.memref_slice %arg6[%mul3A_119, %dma_wait3A_121] : memref<10000x128xf32, #tpu.memory_space<vmem_shared>> -> memref<80x128xf32, #tpu.memory_space<vmem_shared>>
        tpu.wait_dma2 semaphore(%arg13 : memref<!tpu.dma_semaphore, #tpu.memory_space<semaphore_mem>>) src(%arg9 : memref<80x128xf32, #tpu.memory_space<vmem>>) dst(%dma_wait3A_122 : memref<80x128xf32, #tpu.memory_space<vmem_shared>>)
      } else {
      }
      %mul3A_82 = arith.constant 4 : i32
      %mul3A_83 = arith.muli %add3A_24, %mul3A_82 : i32
      %add3A_84 = arith.constant 1 : i32
      %add3A_85 = arith.addi %mul3A_83, %add3A_84 : i32
      %mul3A_86 = arith.constant 16 : i32
      %mul3A_87 = arith.muli %mul3A_86, %add3A_85 : i32
      %add3A_88 = arith.addi %arg1, %mul3A_87 : i32
      %lt3A_89 = arith.constant 125 : i32
      %lt3A_90 = arith.cmpi slt, %add3A_88, %lt3A_89 : i32
      %convert_element_type3A_91 = arith.extui %lt3A_90 : i1 to i32
      %cond3A_92 = arith.constant 0 : i32
      %cond3A_93 = arith.cmpi ne, %convert_element_type3A_91, %cond3A_92 : i32
      scf.if %cond3A_93 {
        %mul3A_118 = arith.constant 80 : i32
        %mul3A_119 = arith.muli %add3A_88, %mul3A_118 : i32
        %dma_wait3A = arith.constant 0 : i32
        %dma_wait3A_120 = tpu.memref_slice %arg6[%mul3A_119, %dma_wait3A] : memref<10000x128xf32, #tpu.memory_space<vmem_shared>> -> memref<80x128xf32, #tpu.memory_space<vmem_shared>>
        %dma_wait3A_121 = arith.constant 0 : i32
        %dma_wait3A_122 = tpu.memref_slice %arg6[%mul3A_119, %dma_wait3A_121] : memref<10000x128xf32, #tpu.memory_space<vmem_shared>> -> memref<80x128xf32, #tpu.memory_space<vmem_shared>>
        tpu.wait_dma2 semaphore(%arg14 : memref<!tpu.dma_semaphore, #tpu.memory_space<semaphore_mem>>) src(%arg9 : memref<80x128xf32, #tpu.memory_space<vmem>>) dst(%dma_wait3A_122 : memref<80x128xf32, #tpu.memory_space<vmem_shared>>)
      } else {
      }
      %mul3A_94 = arith.constant 4 : i32
      %mul3A_95 = arith.muli %add3A_24, %mul3A_94 : i32
      %add3A_96 = arith.constant 2 : i32
      %add3A_97 = arith.addi %mul3A_95, %add3A_96 : i32
      %mul3A_98 = arith.constant 16 : i32
      %mul3A_99 = arith.muli %mul3A_98, %add3A_97 : i32
      %add3A_100 = arith.addi %arg1, %mul3A_99 : i32
      %lt3A_101 = arith.constant 125 : i32
      %lt3A_102 = arith.cmpi slt, %add3A_100, %lt3A_101 : i32
      %convert_element_type3A_103 = arith.extui %lt3A_102 : i1 to i32
      %cond3A_104 = arith.constant 0 : i32
      %cond3A_105 = arith.cmpi ne, %convert_element_type3A_103, %cond3A_104 : i32
      scf.if %cond3A_105 {
        %mul3A_118 = arith.constant 80 : i32
        %mul3A_119 = arith.muli %add3A_100, %mul3A_118 : i32
        %dma_wait3A = arith.constant 0 : i32
        %dma_wait3A_120 = tpu.memref_slice %arg6[%mul3A_119, %dma_wait3A] : memref<10000x128xf32, #tpu.memory_space<vmem_shared>> -> memref<80x128xf32, #tpu.memory_space<vmem_shared>>
        %dma_wait3A_121 = arith.constant 0 : i32
        %dma_wait3A_122 = tpu.memref_slice %arg6[%mul3A_119, %dma_wait3A_121] : memref<10000x128xf32, #tpu.memory_space<vmem_shared>> -> memref<80x128xf32, #tpu.memory_space<vmem_shared>>
        tpu.wait_dma2 semaphore(%arg15 : memref<!tpu.dma_semaphore, #tpu.memory_space<semaphore_mem>>) src(%arg9 : memref<80x128xf32, #tpu.memory_space<vmem>>) dst(%dma_wait3A_122 : memref<80x128xf32, #tpu.memory_space<vmem_shared>>)
      } else {
      }
      %mul3A_106 = arith.constant 4 : i32
      %mul3A_107 = arith.muli %add3A_24, %mul3A_106 : i32
      %add3A_108 = arith.constant 3 : i32
      %add3A_109 = arith.addi %mul3A_107, %add3A_108 : i32
      %mul3A_110 = arith.constant 16 : i32
      %mul3A_111 = arith.muli %mul3A_110, %add3A_109 : i32
      %add3A_112 = arith.addi %arg1, %mul3A_111 : i32
      %lt3A_113 = arith.constant 125 : i32
      %lt3A_114 = arith.cmpi slt, %add3A_112, %lt3A_113 : i32
      %convert_element_type3A_115 = arith.extui %lt3A_114 : i1 to i32
      %cond3A_116 = arith.constant 0 : i32
      %cond3A_117 = arith.cmpi ne, %convert_element_type3A_115, %cond3A_116 : i32
      scf.if %cond3A_117 {
        %mul3A_118 = arith.constant 80 : i32
        %mul3A_119 = arith.muli %add3A_112, %mul3A_118 : i32
        %dma_wait3A = arith.constant 0 : i32
        %dma_wait3A_120 = tpu.memref_slice %arg6[%mul3A_119, %dma_wait3A] : memref<10000x128xf32, #tpu.memory_space<vmem_shared>> -> memref<80x128xf32, #tpu.memory_space<vmem_shared>>
        %dma_wait3A_121 = arith.constant 0 : i32
        %dma_wait3A_122 = tpu.memref_slice %arg6[%mul3A_119, %dma_wait3A_121] : memref<10000x128xf32, #tpu.memory_space<vmem_shared>> -> memref<80x128xf32, #tpu.memory_space<vmem_shared>>
        tpu.wait_dma2 semaphore(%arg16 : memref<!tpu.dma_semaphore, #tpu.memory_space<semaphore_mem>>) src(%arg9 : memref<80x128xf32, #tpu.memory_space<vmem>>) dst(%dma_wait3A_122 : memref<80x128xf32, #tpu.memory_space<vmem_shared>>)
      } else {
      }
    }
    %scan3A_9 = arith.constant 2 : i32
    %barrier3A = arith.constant 0 : index
    tpu.barrier barrier_id(%barrier3A)
    %scan3A_10 = arith.constant 0 : i32
    %scan3A_11 = arith.constant 5 : i32
    %scan3A_12 = arith.addi %scan3A_10, %scan3A_11 : i32
    %scan3A_13 = arith.constant 1 : i32
    scf.for %scan3A_20 = %scan3A_10 to %scan3A_12 step %scan3A_13  : i32 {
      %mul3A_21 = arith.constant 1 : i32
      %mul3A_22 = arith.muli %scan3A_20, %mul3A_21 : i32
      %add3A_23 = arith.constant 0 : i32
      %add3A_24 = arith.addi %add3A_23, %mul3A_22 : i32
      %mul3A_25 = arith.constant 125 : i32
      %mul3A_26 = arith.muli %add3A, %mul3A_25 : i32
      %mul3A_27 = arith.constant 25 : i32
      %mul3A_28 = arith.muli %add3A_24, %mul3A_27 : i32
      %add3A_29 = arith.addi %mul3A_26, %mul3A_28 : i32
      "tpu.region"() ({
        %run_scoped3A_68 = tpu.sem_alloc : memref<!tpu.dma_semaphore, #tpu.memory_space<semaphore_mem>>
        %dma_start3A_69 = arith.constant 0 : i32
        %dma_start3A_70 = tpu.memref_slice %arg3[%add3A_29, %dma_start3A_69] : memref<4000x80xi32, #tpu.memory_space<hbm>> -> memref<25x80xi32, #tpu.memory_space<hbm>>
        %dma_start3A_71 = arith.constant 0 : i32
        %dma_start3A_72 = tpu.memref_slice %arg3[%add3A_29, %dma_start3A_71] : memref<4000x80xi32, #tpu.memory_space<hbm>> -> memref<25x80xi32, #tpu.memory_space<hbm>>
        tpu.enqueue_dma source(%dma_start3A_72 : memref<25x80xi32, #tpu.memory_space<hbm>>) target(%arg7 : memref<25x80xi32, #tpu.memory_space<vmem>>) target_semaphore(%run_scoped3A_68 : memref<!tpu.dma_semaphore, #tpu.memory_space<semaphore_mem>>)
        %dma_wait3A_73 = arith.constant 0 : i32
        %dma_wait3A_74 = tpu.memref_slice %arg3[%add3A_29, %dma_wait3A_73] : memref<4000x80xi32, #tpu.memory_space<hbm>> -> memref<25x80xi32, #tpu.memory_space<hbm>>
        %dma_wait3A_75 = arith.constant 0 : i32
        %dma_wait3A_76 = tpu.memref_slice %arg3[%add3A_29, %dma_wait3A_75] : memref<4000x80xi32, #tpu.memory_space<hbm>> -> memref<25x80xi32, #tpu.memory_space<hbm>>
        tpu.wait_dma2 semaphore(%run_scoped3A_68 : memref<!tpu.dma_semaphore, #tpu.memory_space<semaphore_mem>>) src(%dma_wait3A_76 : memref<25x80xi32, #tpu.memory_space<hbm>>) dst(%arg7 : memref<25x80xi32, #tpu.memory_space<vmem>>)
        tpu.yield
      }) : () -> ()
      "tpu.region"() ({
        %run_scoped3A_68 = tpu.sem_alloc : memref<!tpu.dma_semaphore, #tpu.memory_space<semaphore_mem>>
        %dma_start3A_69 = arith.constant 0 : i32
        %dma_start3A_70 = tpu.memref_slice %arg4[%add3A_29, %dma_start3A_69] : memref<4000x80xi32, #tpu.memory_space<hbm>> -> memref<25x80xi32, #tpu.memory_space<hbm>>
        %dma_start3A_71 = arith.constant 0 : i32
        %dma_start3A_72 = tpu.memref_slice %arg4[%add3A_29, %dma_start3A_71] : memref<4000x80xi32, #tpu.memory_space<hbm>> -> memref<25x80xi32, #tpu.memory_space<hbm>>
        tpu.enqueue_dma source(%dma_start3A_72 : memref<25x80xi32, #tpu.memory_space<hbm>>) target(%arg8 : memref<25x80xi32, #tpu.memory_space<vmem>>) target_semaphore(%run_scoped3A_68 : memref<!tpu.dma_semaphore, #tpu.memory_space<semaphore_mem>>)
        %dma_wait3A_73 = arith.constant 0 : i32
        %dma_wait3A_74 = tpu.memref_slice %arg4[%add3A_29, %dma_wait3A_73] : memref<4000x80xi32, #tpu.memory_space<hbm>> -> memref<25x80xi32, #tpu.memory_space<hbm>>
        %dma_wait3A_75 = arith.constant 0 : i32
        %dma_wait3A_76 = tpu.memref_slice %arg4[%add3A_29, %dma_wait3A_75] : memref<4000x80xi32, #tpu.memory_space<hbm>> -> memref<25x80xi32, #tpu.memory_space<hbm>>
        tpu.wait_dma2 semaphore(%run_scoped3A_68 : memref<!tpu.dma_semaphore, #tpu.memory_space<semaphore_mem>>) src(%dma_wait3A_76 : memref<25x80xi32, #tpu.memory_space<hbm>>) dst(%arg8 : memref<25x80xi32, #tpu.memory_space<vmem>>)
        tpu.yield
      }) : () -> ()
      %dma_start3A = arith.constant 0 : i32
      %dma_start3A_30 = arith.constant 0 : i32
      %dma_start3A_31 = tpu.memref_slice %arg7[%dma_start3A, %dma_start3A_30] : memref<25x80xi32, #tpu.memory_space<vmem>> -> memref<1x80xi32, #tpu.memory_space<vmem>>
      %dma_start3A_32 = tpu.memref_squeeze %dma_start3A_31 : memref<1x80xi32, #tpu.memory_space<vmem>> -> memref<80xi32, #tpu.memory_space<vmem>>
      %dma_start3A_33 = arith.constant 0 : i32
      %dma_start3A_34 = arith.constant 0 : i32
      %dma_start3A_35 = tpu.memref_slice %arg2[%dma_start3A_33, %dma_start3A_34] : memref<10000x128xf32, #tpu.memory_space<hbm>> -> memref<10000x128xf32, #tpu.memory_space<hbm>>
      tpu.enqueue_indirect_dma source(%dma_start3A_35 : memref<10000x128xf32, #tpu.memory_space<hbm>>) target(%arg9 : memref<80x128xf32, #tpu.memory_space<vmem>>) offsets(%dma_start3A_32 : memref<80xi32, #tpu.memory_space<vmem>>) semaphore(%arg13 : memref<!tpu.dma_semaphore, #tpu.memory_space<semaphore_mem>>)
      %dma_start3A_36 = arith.constant 1 : i32
      %dma_start3A_37 = arith.constant 0 : i32
      %dma_start3A_38 = tpu.memref_slice %arg7[%dma_start3A_36, %dma_start3A_37] : memref<25x80xi32, #tpu.memory_space<vmem>> -> memref<1x80xi32, #tpu.memory_space<vmem>>
      %dma_start3A_39 = tpu.memref_squeeze %dma_start3A_38 : memref<1x80xi32, #tpu.memory_space<vmem>> -> memref<80xi32, #tpu.memory_space<vmem>>
      %dma_start3A_40 = arith.constant 0 : i32
      %dma_start3A_41 = arith.constant 0 : i32
      %dma_start3A_42 = tpu.memref_slice %arg2[%dma_start3A_40, %dma_start3A_41] : memref<10000x128xf32, #tpu.memory_space<hbm>> -> memref<10000x128xf32, #tpu.memory_space<hbm>>
      tpu.enqueue_indirect_dma source(%dma_start3A_42 : memref<10000x128xf32, #tpu.memory_space<hbm>>) target(%arg10 : memref<80x128xf32, #tpu.memory_space<vmem>>) offsets(%dma_start3A_39 : memref<80xi32, #tpu.memory_space<vmem>>) semaphore(%arg14 : memref<!tpu.dma_semaphore, #tpu.memory_space<semaphore_mem>>)
      %dma_start3A_43 = arith.constant 2 : i32
      %dma_start3A_44 = arith.constant 0 : i32
      %dma_start3A_45 = tpu.memref_slice %arg7[%dma_start3A_43, %dma_start3A_44] : memref<25x80xi32, #tpu.memory_space<vmem>> -> memref<1x80xi32, #tpu.memory_space<vmem>>
      %dma_start3A_46 = tpu.memref_squeeze %dma_start3A_45 : memref<1x80xi32, #tpu.memory_space<vmem>> -> memref<80xi32, #tpu.memory_space<vmem>>
      %dma_start3A_47 = arith.constant 0 : i32
      %dma_start3A_48 = arith.constant 0 : i32
      %dma_start3A_49 = tpu.memref_slice %arg2[%dma_start3A_47, %dma_start3A_48] : memref<10000x128xf32, #tpu.memory_space<hbm>> -> memref<10000x128xf32, #tpu.memory_space<hbm>>
      tpu.enqueue_indirect_dma source(%dma_start3A_49 : memref<10000x128xf32, #tpu.memory_space<hbm>>) target(%arg11 : memref<80x128xf32, #tpu.memory_space<vmem>>) offsets(%dma_start3A_46 : memref<80xi32, #tpu.memory_space<vmem>>) semaphore(%arg15 : memref<!tpu.dma_semaphore, #tpu.memory_space<semaphore_mem>>)
      %dma_start3A_50 = arith.constant 3 : i32
      %dma_start3A_51 = arith.constant 0 : i32
      %dma_start3A_52 = tpu.memref_slice %arg7[%dma_start3A_50, %dma_start3A_51] : memref<25x80xi32, #tpu.memory_space<vmem>> -> memref<1x80xi32, #tpu.memory_space<vmem>>
      %dma_start3A_53 = tpu.memref_squeeze %dma_start3A_52 : memref<1x80xi32, #tpu.memory_space<vmem>> -> memref<80xi32, #tpu.memory_space<vmem>>
      %dma_start3A_54 = arith.constant 0 : i32
      %dma_start3A_55 = arith.constant 0 : i32
      %dma_start3A_56 = tpu.memref_slice %arg2[%dma_start3A_54, %dma_start3A_55] : memref<10000x128xf32, #tpu.memory_space<hbm>> -> memref<10000x128xf32, #tpu.memory_space<hbm>>
      tpu.enqueue_indirect_dma source(%dma_start3A_56 : memref<10000x128xf32, #tpu.memory_space<hbm>>) target(%arg12 : memref<80x128xf32, #tpu.memory_space<vmem>>) offsets(%dma_start3A_53 : memref<80xi32, #tpu.memory_space<vmem>>) semaphore(%arg16 : memref<!tpu.dma_semaphore, #tpu.memory_space<semaphore_mem>>)
      %scan3A_57 = arith.constant 0 : i32
      %scan3A_58 = arith.constant 6 : i32
      %scan3A_59 = arith.addi %scan3A_57, %scan3A_58 : i32
      %scan3A_60 = arith.constant 1 : i32
      scf.for %scan3A_68 = %scan3A_57 to %scan3A_59 step %scan3A_60  : i32 {
        %mul3A_69 = arith.constant 1 : i32
        %mul3A_70 = arith.muli %scan3A_68, %mul3A_69 : i32
        %add3A_71 = arith.constant 0 : i32
        %add3A_72 = arith.addi %add3A_71, %mul3A_70 : i32
        %mul3A_73 = arith.constant 4 : i32
        %mul3A_74 = arith.muli %mul3A_73, %add3A_72 : i32
        %add3A_75 = arith.constant 0 : i32
        %add3A_76 = arith.addi %mul3A_74, %add3A_75 : i32
        %dma_wait3A_77 = arith.constant 0 : i32
        %dma_wait3A_78 = tpu.memref_slice %arg7[%add3A_76, %dma_wait3A_77] : memref<25x80xi32, #tpu.memory_space<vmem>> -> memref<1x80xi32, #tpu.memory_space<vmem>>
        %dma_wait3A_79 = tpu.memref_squeeze %dma_wait3A_78 : memref<1x80xi32, #tpu.memory_space<vmem>> -> memref<80xi32, #tpu.memory_space<vmem>>
        %dma_wait3A_80 = arith.constant 0 : i32
        %dma_wait3A_81 = arith.constant 0 : i32
        %dma_wait3A_82 = tpu.memref_slice %arg2[%dma_wait3A_80, %dma_wait3A_81] : memref<10000x128xf32, #tpu.memory_space<hbm>> -> memref<10000x128xf32, #tpu.memory_space<hbm>>
        tpu.wait_indirect_dma semaphore(%arg13 : memref<!tpu.dma_semaphore, #tpu.memory_space<semaphore_mem>>) src(%dma_wait3A_82 : memref<10000x128xf32, #tpu.memory_space<hbm>>) dst(%arg9 : memref<80x128xf32, #tpu.memory_space<vmem>>)
        %add3A_83 = arith.constant 0 : i32
        %add3A_84 = arith.addi %mul3A_74, %add3A_83 : i32
        %dma_start3A_85 = arith.constant 0 : i32
        %dma_start3A_86 = tpu.memref_slice %arg8[%add3A_84, %dma_start3A_85] : memref<25x80xi32, #tpu.memory_space<vmem>> -> memref<1x80xi32, #tpu.memory_space<vmem>>
        %dma_start3A_87 = tpu.memref_squeeze %dma_start3A_86 : memref<1x80xi32, #tpu.memory_space<vmem>> -> memref<80xi32, #tpu.memory_space<vmem>>
        %dma_start3A_88 = arith.constant 0 : i32
        %dma_start3A_89 = arith.constant 0 : i32
        %dma_start3A_90 = tpu.memref_slice %arg6[%dma_start3A_88, %dma_start3A_89] : memref<10000x128xf32, #tpu.memory_space<vmem_shared>> -> memref<10000x128xf32, #tpu.memory_space<vmem_shared>>
        tpu.enqueue_indirect_dma source(%arg9 : memref<80x128xf32, #tpu.memory_space<vmem>>) target(%dma_start3A_90 : memref<10000x128xf32, #tpu.memory_space<vmem_shared>>) offsets(%dma_start3A_87 : memref<80xi32, #tpu.memory_space<vmem>>) semaphore(%arg17 : memref<!tpu.dma_semaphore, #tpu.memory_space<semaphore_mem>>) {add = true}
        %add3A_91 = arith.constant 1 : i32
        %add3A_92 = arith.addi %mul3A_74, %add3A_91 : i32
        %dma_wait3A_93 = arith.constant 0 : i32
        %dma_wait3A_94 = tpu.memref_slice %arg7[%add3A_92, %dma_wait3A_93] : memref<25x80xi32, #tpu.memory_space<vmem>> -> memref<1x80xi32, #tpu.memory_space<vmem>>
        %dma_wait3A_95 = tpu.memref_squeeze %dma_wait3A_94 : memref<1x80xi32, #tpu.memory_space<vmem>> -> memref<80xi32, #tpu.memory_space<vmem>>
        %dma_wait3A_96 = arith.constant 0 : i32
        %dma_wait3A_97 = arith.constant 0 : i32
        %dma_wait3A_98 = tpu.memref_slice %arg2[%dma_wait3A_96, %dma_wait3A_97] : memref<10000x128xf32, #tpu.memory_space<hbm>> -> memref<10000x128xf32, #tpu.memory_space<hbm>>
        tpu.wait_indirect_dma semaphore(%arg14 : memref<!tpu.dma_semaphore, #tpu.memory_space<semaphore_mem>>) src(%dma_wait3A_98 : memref<10000x128xf32, #tpu.memory_space<hbm>>) dst(%arg10 : memref<80x128xf32, #tpu.memory_space<vmem>>)
        %add3A_99 = arith.constant 1 : i32
        %add3A_100 = arith.addi %mul3A_74, %add3A_99 : i32
        %dma_start3A_101 = arith.constant 0 : i32
        %dma_start3A_102 = tpu.memref_slice %arg8[%add3A_100, %dma_start3A_101] : memref<25x80xi32, #tpu.memory_space<vmem>> -> memref<1x80xi32, #tpu.memory_space<vmem>>
        %dma_start3A_103 = tpu.memref_squeeze %dma_start3A_102 : memref<1x80xi32, #tpu.memory_space<vmem>> -> memref<80xi32, #tpu.memory_space<vmem>>
        %dma_start3A_104 = arith.constant 0 : i32
        %dma_start3A_105 = arith.constant 0 : i32
        %dma_start3A_106 = tpu.memref_slice %arg6[%dma_start3A_104, %dma_start3A_105] : memref<10000x128xf32, #tpu.memory_space<vmem_shared>> -> memref<10000x128xf32, #tpu.memory_space<vmem_shared>>
        tpu.enqueue_indirect_dma source(%arg10 : memref<80x128xf32, #tpu.memory_space<vmem>>) target(%dma_start3A_106 : memref<10000x128xf32, #tpu.memory_space<vmem_shared>>) offsets(%dma_start3A_103 : memref<80xi32, #tpu.memory_space<vmem>>) semaphore(%arg18 : memref<!tpu.dma_semaphore, #tpu.memory_space<semaphore_mem>>) {add = true}
        %add3A_107 = arith.constant 2 : i32
        %add3A_108 = arith.addi %mul3A_74, %add3A_107 : i32
        %dma_wait3A_109 = arith.constant 0 : i32
        %dma_wait3A_110 = tpu.memref_slice %arg7[%add3A_108, %dma_wait3A_109] : memref<25x80xi32, #tpu.memory_space<vmem>> -> memref<1x80xi32, #tpu.memory_space<vmem>>
        %dma_wait3A_111 = tpu.memref_squeeze %dma_wait3A_110 : memref<1x80xi32, #tpu.memory_space<vmem>> -> memref<80xi32, #tpu.memory_space<vmem>>
        %dma_wait3A_112 = arith.constant 0 : i32
        %dma_wait3A_113 = arith.constant 0 : i32
        %dma_wait3A_114 = tpu.memref_slice %arg2[%dma_wait3A_112, %dma_wait3A_113] : memref<10000x128xf32, #tpu.memory_space<hbm>> -> memref<10000x128xf32, #tpu.memory_space<hbm>>
        tpu.wait_indirect_dma semaphore(%arg15 : memref<!tpu.dma_semaphore, #tpu.memory_space<semaphore_mem>>) src(%dma_wait3A_114 : memref<10000x128xf32, #tpu.memory_space<hbm>>) dst(%arg11 : memref<80x128xf32, #tpu.memory_space<vmem>>)
        %add3A_115 = arith.constant 2 : i32
        %add3A_116 = arith.addi %mul3A_74, %add3A_115 : i32
        %dma_start3A_117 = arith.constant 0 : i32
        %dma_start3A_118 = tpu.memref_slice %arg8[%add3A_116, %dma_start3A_117] : memref<25x80xi32, #tpu.memory_space<vmem>> -> memref<1x80xi32, #tpu.memory_space<vmem>>
        %dma_start3A_119 = tpu.memref_squeeze %dma_start3A_118 : memref<1x80xi32, #tpu.memory_space<vmem>> -> memref<80xi32, #tpu.memory_space<vmem>>
        %dma_start3A_120 = arith.constant 0 : i32
        %dma_start3A_121 = arith.constant 0 : i32
        %dma_start3A_122 = tpu.memref_slice %arg6[%dma_start3A_120, %dma_start3A_121] : memref<10000x128xf32, #tpu.memory_space<vmem_shared>> -> memref<10000x128xf32, #tpu.memory_space<vmem_shared>>
        tpu.enqueue_indirect_dma source(%arg11 : memref<80x128xf32, #tpu.memory_space<vmem>>) target(%dma_start3A_122 : memref<10000x128xf32, #tpu.memory_space<vmem_shared>>) offsets(%dma_start3A_119 : memref<80xi32, #tpu.memory_space<vmem>>) semaphore(%arg19 : memref<!tpu.dma_semaphore, #tpu.memory_space<semaphore_mem>>) {add = true}
        %add3A_123 = arith.constant 3 : i32
        %add3A_124 = arith.addi %mul3A_74, %add3A_123 : i32
        %dma_wait3A_125 = arith.constant 0 : i32
        %dma_wait3A_126 = tpu.memref_slice %arg7[%add3A_124, %dma_wait3A_125] : memref<25x80xi32, #tpu.memory_space<vmem>> -> memref<1x80xi32, #tpu.memory_space<vmem>>
        %dma_wait3A_127 = tpu.memref_squeeze %dma_wait3A_126 : memref<1x80xi32, #tpu.memory_space<vmem>> -> memref<80xi32, #tpu.memory_space<vmem>>
        %dma_wait3A_128 = arith.constant 0 : i32
        %dma_wait3A_129 = arith.constant 0 : i32
        %dma_wait3A_130 = tpu.memref_slice %arg2[%dma_wait3A_128, %dma_wait3A_129] : memref<10000x128xf32, #tpu.memory_space<hbm>> -> memref<10000x128xf32, #tpu.memory_space<hbm>>
        tpu.wait_indirect_dma semaphore(%arg16 : memref<!tpu.dma_semaphore, #tpu.memory_space<semaphore_mem>>) src(%dma_wait3A_130 : memref<10000x128xf32, #tpu.memory_space<hbm>>) dst(%arg12 : memref<80x128xf32, #tpu.memory_space<vmem>>)
        %add3A_131 = arith.constant 3 : i32
        %add3A_132 = arith.addi %mul3A_74, %add3A_131 : i32
        %dma_start3A_133 = arith.constant 0 : i32
        %dma_start3A_134 = tpu.memref_slice %arg8[%add3A_132, %dma_start3A_133] : memref<25x80xi32, #tpu.memory_space<vmem>> -> memref<1x80xi32, #tpu.memory_space<vmem>>
        %dma_start3A_135 = tpu.memref_squeeze %dma_start3A_134 : memref<1x80xi32, #tpu.memory_space<vmem>> -> memref<80xi32, #tpu.memory_space<vmem>>
        %dma_start3A_136 = arith.constant 0 : i32
        %dma_start3A_137 = arith.constant 0 : i32
        %dma_start3A_138 = tpu.memref_slice %arg6[%dma_start3A_136, %dma_start3A_137] : memref<10000x128xf32, #tpu.memory_space<vmem_shared>> -> memref<10000x128xf32, #tpu.memory_space<vmem_shared>>
        tpu.enqueue_indirect_dma source(%arg12 : memref<80x128xf32, #tpu.memory_space<vmem>>) target(%dma_start3A_138 : memref<10000x128xf32, #tpu.memory_space<vmem_shared>>) offsets(%dma_start3A_135 : memref<80xi32, #tpu.memory_space<vmem>>) semaphore(%arg20 : memref<!tpu.dma_semaphore, #tpu.memory_space<semaphore_mem>>) {add = true}
        %add3A_139 = arith.constant 0 : i32
        %add3A_140 = arith.addi %mul3A_74, %add3A_139 : i32
        %dma_wait3A_141 = arith.constant 0 : i32
        %dma_wait3A_142 = tpu.memref_slice %arg8[%add3A_140, %dma_wait3A_141] : memref<25x80xi32, #tpu.memory_space<vmem>> -> memref<1x80xi32, #tpu.memory_space<vmem>>
        %dma_wait3A_143 = tpu.memref_squeeze %dma_wait3A_142 : memref<1x80xi32, #tpu.memory_space<vmem>> -> memref<80xi32, #tpu.memory_space<vmem>>
        %dma_wait3A_144 = arith.constant 0 : i32
        %dma_wait3A_145 = arith.constant 0 : i32
        %dma_wait3A_146 = tpu.memref_slice %arg6[%dma_wait3A_144, %dma_wait3A_145] : memref<10000x128xf32, #tpu.memory_space<vmem_shared>> -> memref<10000x128xf32, #tpu.memory_space<vmem_shared>>
        tpu.wait_indirect_dma semaphore(%arg17 : memref<!tpu.dma_semaphore, #tpu.memory_space<semaphore_mem>>) src(%arg9 : memref<80x128xf32, #tpu.memory_space<vmem>>) dst(%dma_wait3A_146 : memref<10000x128xf32, #tpu.memory_space<vmem_shared>>)
        %add3A_147 = arith.constant 4 : i32
        %add3A_148 = arith.addi %mul3A_74, %add3A_147 : i32
        %add3A_149 = arith.constant 0 : i32
        %add3A_150 = arith.addi %add3A_148, %add3A_149 : i32
        %lt3A = arith.constant 25 : i32
        %lt3A_151 = arith.cmpi slt, %add3A_150, %lt3A : i32
        %convert_element_type3A = arith.extui %lt3A_151 : i1 to i32
        %cond3A = arith.constant 0 : i32
        %cond3A_152 = arith.cmpi ne, %convert_element_type3A, %cond3A : i32
        scf.if %cond3A_152 {
          %dma_start3A_204 = arith.constant 0 : i32
          %dma_start3A_205 = tpu.memref_slice %arg7[%add3A_150, %dma_start3A_204] : memref<25x80xi32, #tpu.memory_space<vmem>> -> memref<1x80xi32, #tpu.memory_space<vmem>>
          %dma_start3A_206 = tpu.memref_squeeze %dma_start3A_205 : memref<1x80xi32, #tpu.memory_space<vmem>> -> memref<80xi32, #tpu.memory_space<vmem>>
          %dma_start3A_207 = arith.constant 0 : i32
          %dma_start3A_208 = arith.constant 0 : i32
          %dma_start3A_209 = tpu.memref_slice %arg2[%dma_start3A_207, %dma_start3A_208] : memref<10000x128xf32, #tpu.memory_space<hbm>> -> memref<10000x128xf32, #tpu.memory_space<hbm>>
          tpu.enqueue_indirect_dma source(%dma_start3A_209 : memref<10000x128xf32, #tpu.memory_space<hbm>>) target(%arg9 : memref<80x128xf32, #tpu.memory_space<vmem>>) offsets(%dma_start3A_206 : memref<80xi32, #tpu.memory_space<vmem>>) semaphore(%arg13 : memref<!tpu.dma_semaphore, #tpu.memory_space<semaphore_mem>>)
        } else {
        }
        %add3A_153 = arith.constant 1 : i32
        %add3A_154 = arith.addi %mul3A_74, %add3A_153 : i32
        %dma_wait3A_155 = arith.constant 0 : i32
        %dma_wait3A_156 = tpu.memref_slice %arg8[%add3A_154, %dma_wait3A_155] : memref<25x80xi32, #tpu.memory_space<vmem>> -> memref<1x80xi32, #tpu.memory_space<vmem>>
        %dma_wait3A_157 = tpu.memref_squeeze %dma_wait3A_156 : memref<1x80xi32, #tpu.memory_space<vmem>> -> memref<80xi32, #tpu.memory_space<vmem>>
        %dma_wait3A_158 = arith.constant 0 : i32
        %dma_wait3A_159 = arith.constant 0 : i32
        %dma_wait3A_160 = tpu.memref_slice %arg6[%dma_wait3A_158, %dma_wait3A_159] : memref<10000x128xf32, #tpu.memory_space<vmem_shared>> -> memref<10000x128xf32, #tpu.memory_space<vmem_shared>>
        tpu.wait_indirect_dma semaphore(%arg18 : memref<!tpu.dma_semaphore, #tpu.memory_space<semaphore_mem>>) src(%arg10 : memref<80x128xf32, #tpu.memory_space<vmem>>) dst(%dma_wait3A_160 : memref<10000x128xf32, #tpu.memory_space<vmem_shared>>)
        %add3A_161 = arith.constant 4 : i32
        %add3A_162 = arith.addi %mul3A_74, %add3A_161 : i32
        %add3A_163 = arith.constant 1 : i32
        %add3A_164 = arith.addi %add3A_162, %add3A_163 : i32
        %lt3A_165 = arith.constant 25 : i32
        %lt3A_166 = arith.cmpi slt, %add3A_164, %lt3A_165 : i32
        %convert_element_type3A_167 = arith.extui %lt3A_166 : i1 to i32
        %cond3A_168 = arith.constant 0 : i32
        %cond3A_169 = arith.cmpi ne, %convert_element_type3A_167, %cond3A_168 : i32
        scf.if %cond3A_169 {
          %dma_start3A_204 = arith.constant 0 : i32
          %dma_start3A_205 = tpu.memref_slice %arg7[%add3A_164, %dma_start3A_204] : memref<25x80xi32, #tpu.memory_space<vmem>> -> memref<1x80xi32, #tpu.memory_space<vmem>>
          %dma_start3A_206 = tpu.memref_squeeze %dma_start3A_205 : memref<1x80xi32, #tpu.memory_space<vmem>> -> memref<80xi32, #tpu.memory_space<vmem>>
          %dma_start3A_207 = arith.constant 0 : i32
          %dma_start3A_208 = arith.constant 0 : i32
          %dma_start3A_209 = tpu.memref_slice %arg2[%dma_start3A_207, %dma_start3A_208] : memref<10000x128xf32, #tpu.memory_space<hbm>> -> memref<10000x128xf32, #tpu.memory_space<hbm>>
          tpu.enqueue_indirect_dma source(%dma_start3A_209 : memref<10000x128xf32, #tpu.memory_space<hbm>>) target(%arg10 : memref<80x128xf32, #tpu.memory_space<vmem>>) offsets(%dma_start3A_206 : memref<80xi32, #tpu.memory_space<vmem>>) semaphore(%arg14 : memref<!tpu.dma_semaphore, #tpu.memory_space<semaphore_mem>>)
        } else {
        }
        %add3A_170 = arith.constant 2 : i32
        %add3A_171 = arith.addi %mul3A_74, %add3A_170 : i32
        %dma_wait3A_172 = arith.constant 0 : i32
        %dma_wait3A_173 = tpu.memref_slice %arg8[%add3A_171, %dma_wait3A_172] : memref<25x80xi32, #tpu.memory_space<vmem>> -> memref<1x80xi32, #tpu.memory_space<vmem>>
        %dma_wait3A_174 = tpu.memref_squeeze %dma_wait3A_173 : memref<1x80xi32, #tpu.memory_space<vmem>> -> memref<80xi32, #tpu.memory_space<vmem>>
        %dma_wait3A_175 = arith.constant 0 : i32
        %dma_wait3A_176 = arith.constant 0 : i32
        %dma_wait3A_177 = tpu.memref_slice %arg6[%dma_wait3A_175, %dma_wait3A_176] : memref<10000x128xf32, #tpu.memory_space<vmem_shared>> -> memref<10000x128xf32, #tpu.memory_space<vmem_shared>>
        tpu.wait_indirect_dma semaphore(%arg19 : memref<!tpu.dma_semaphore, #tpu.memory_space<semaphore_mem>>) src(%arg11 : memref<80x128xf32, #tpu.memory_space<vmem>>) dst(%dma_wait3A_177 : memref<10000x128xf32, #tpu.memory_space<vmem_shared>>)
        %add3A_178 = arith.constant 4 : i32
        %add3A_179 = arith.addi %mul3A_74, %add3A_178 : i32
        %add3A_180 = arith.constant 2 : i32
        %add3A_181 = arith.addi %add3A_179, %add3A_180 : i32
        %lt3A_182 = arith.constant 25 : i32
        %lt3A_183 = arith.cmpi slt, %add3A_181, %lt3A_182 : i32
        %convert_element_type3A_184 = arith.extui %lt3A_183 : i1 to i32
        %cond3A_185 = arith.constant 0 : i32
        %cond3A_186 = arith.cmpi ne, %convert_element_type3A_184, %cond3A_185 : i32
        scf.if %cond3A_186 {
          %dma_start3A_204 = arith.constant 0 : i32
          %dma_start3A_205 = tpu.memref_slice %arg7[%add3A_181, %dma_start3A_204] : memref<25x80xi32, #tpu.memory_space<vmem>> -> memref<1x80xi32, #tpu.memory_space<vmem>>
          %dma_start3A_206 = tpu.memref_squeeze %dma_start3A_205 : memref<1x80xi32, #tpu.memory_space<vmem>> -> memref<80xi32, #tpu.memory_space<vmem>>
          %dma_start3A_207 = arith.constant 0 : i32
          %dma_start3A_208 = arith.constant 0 : i32
          %dma_start3A_209 = tpu.memref_slice %arg2[%dma_start3A_207, %dma_start3A_208] : memref<10000x128xf32, #tpu.memory_space<hbm>> -> memref<10000x128xf32, #tpu.memory_space<hbm>>
          tpu.enqueue_indirect_dma source(%dma_start3A_209 : memref<10000x128xf32, #tpu.memory_space<hbm>>) target(%arg11 : memref<80x128xf32, #tpu.memory_space<vmem>>) offsets(%dma_start3A_206 : memref<80xi32, #tpu.memory_space<vmem>>) semaphore(%arg15 : memref<!tpu.dma_semaphore, #tpu.memory_space<semaphore_mem>>)
        } else {
        }
        %add3A_187 = arith.constant 3 : i32
        %add3A_188 = arith.addi %mul3A_74, %add3A_187 : i32
        %dma_wait3A_189 = arith.constant 0 : i32
        %dma_wait3A_190 = tpu.memref_slice %arg8[%add3A_188, %dma_wait3A_189] : memref<25x80xi32, #tpu.memory_space<vmem>> -> memref<1x80xi32, #tpu.memory_space<vmem>>
        %dma_wait3A_191 = tpu.memref_squeeze %dma_wait3A_190 : memref<1x80xi32, #tpu.memory_space<vmem>> -> memref<80xi32, #tpu.memory_space<vmem>>
        %dma_wait3A_192 = arith.constant 0 : i32
        %dma_wait3A_193 = arith.constant 0 : i32
        %dma_wait3A_194 = tpu.memref_slice %arg6[%dma_wait3A_192, %dma_wait3A_193] : memref<10000x128xf32, #tpu.memory_space<vmem_shared>> -> memref<10000x128xf32, #tpu.memory_space<vmem_shared>>
        tpu.wait_indirect_dma semaphore(%arg20 : memref<!tpu.dma_semaphore, #tpu.memory_space<semaphore_mem>>) src(%arg12 : memref<80x128xf32, #tpu.memory_space<vmem>>) dst(%dma_wait3A_194 : memref<10000x128xf32, #tpu.memory_space<vmem_shared>>)
        %add3A_195 = arith.constant 4 : i32
        %add3A_196 = arith.addi %mul3A_74, %add3A_195 : i32
        %add3A_197 = arith.constant 3 : i32
        %add3A_198 = arith.addi %add3A_196, %add3A_197 : i32
        %lt3A_199 = arith.constant 25 : i32
        %lt3A_200 = arith.cmpi slt, %add3A_198, %lt3A_199 : i32
        %convert_element_type3A_201 = arith.extui %lt3A_200 : i1 to i32
        %cond3A_202 = arith.constant 0 : i32
        %cond3A_203 = arith.cmpi ne, %convert_element_type3A_201, %cond3A_202 : i32
        scf.if %cond3A_203 {
          %dma_start3A_204 = arith.constant 0 : i32
          %dma_start3A_205 = tpu.memref_slice %arg7[%add3A_198, %dma_start3A_204] : memref<25x80xi32, #tpu.memory_space<vmem>> -> memref<1x80xi32, #tpu.memory_space<vmem>>
          %dma_start3A_206 = tpu.memref_squeeze %dma_start3A_205 : memref<1x80xi32, #tpu.memory_space<vmem>> -> memref<80xi32, #tpu.memory_space<vmem>>
          %dma_start3A_207 = arith.constant 0 : i32
          %dma_start3A_208 = arith.constant 0 : i32
          %dma_start3A_209 = tpu.memref_slice %arg2[%dma_start3A_207, %dma_start3A_208] : memref<10000x128xf32, #tpu.memory_space<hbm>> -> memref<10000x128xf32, #tpu.memory_space<hbm>>
          tpu.enqueue_indirect_dma source(%dma_start3A_209 : memref<10000x128xf32, #tpu.memory_space<hbm>>) target(%arg12 : memref<80x128xf32, #tpu.memory_space<vmem>>) offsets(%dma_start3A_206 : memref<80xi32, #tpu.memory_space<vmem>>) semaphore(%arg16 : memref<!tpu.dma_semaphore, #tpu.memory_space<semaphore_mem>>)
        } else {
        }
      }
      %scan3A_61 = arith.constant 6 : i32
      %dma_wait3A = arith.constant 24 : i32
      %dma_wait3A_62 = arith.constant 0 : i32
      %dma_wait3A_63 = tpu.memref_slice %arg7[%dma_wait3A, %dma_wait3A_62] : memref<25x80xi32, #tpu.memory_space<vmem>> -> memref<1x80xi32, #tpu.memory_space<vmem>>
      %dma_wait3A_64 = tpu.memref_squeeze %dma_wait3A_63 : memref<1x80xi32, #tpu.memory_space<vmem>> -> memref<80xi32, #tpu.memory_space<vmem>>
      %dma_wait3A_65 = arith.constant 0 : i32
      %dma_wait3A_66 = arith.constant 0 : i32
      %dma_wait3A_67 = tpu.memref_slice %arg2[%dma_wait3A_65, %dma_wait3A_66] : memref<10000x128xf32, #tpu.memory_space<hbm>> -> memref<10000x128xf32, #tpu.memory_space<hbm>>
      tpu.wait_indirect_dma semaphore(%arg13 : memref<!tpu.dma_semaphore, #tpu.memory_space<semaphore_mem>>) src(%dma_wait3A_67 : memref<10000x128xf32, #tpu.memory_space<hbm>>) dst(%arg9 : memref<80x128xf32, #tpu.memory_space<vmem>>)
      %run_scoped3A = arith.constant 24 : i32
      "tpu.region"() ({
        %run_scoped3A_68 = tpu.sem_alloc : memref<!tpu.dma_semaphore, #tpu.memory_space<semaphore_mem>>
        %dma_start3A_69 = arith.constant 0 : i32
        %dma_start3A_70 = tpu.memref_slice %arg8[%run_scoped3A, %dma_start3A_69] : memref<25x80xi32, #tpu.memory_space<vmem>> -> memref<1x80xi32, #tpu.memory_space<vmem>>
        %dma_start3A_71 = tpu.memref_squeeze %dma_start3A_70 : memref<1x80xi32, #tpu.memory_space<vmem>> -> memref<80xi32, #tpu.memory_space<vmem>>
        %dma_start3A_72 = arith.constant 0 : i32
        %dma_start3A_73 = arith.constant 0 : i32
        %dma_start3A_74 = tpu.memref_slice %arg6[%dma_start3A_72, %dma_start3A_73] : memref<10000x128xf32, #tpu.memory_space<vmem_shared>> -> memref<10000x128xf32, #tpu.memory_space<vmem_shared>>
        tpu.enqueue_indirect_dma source(%arg9 : memref<80x128xf32, #tpu.memory_space<vmem>>) target(%dma_start3A_74 : memref<10000x128xf32, #tpu.memory_space<vmem_shared>>) offsets(%dma_start3A_71 : memref<80xi32, #tpu.memory_space<vmem>>) semaphore(%run_scoped3A_68 : memref<!tpu.dma_semaphore, #tpu.memory_space<semaphore_mem>>) {add = true}
        %dma_wait3A_75 = arith.constant 0 : i32
        %dma_wait3A_76 = tpu.memref_slice %arg8[%run_scoped3A, %dma_wait3A_75] : memref<25x80xi32, #tpu.memory_space<vmem>> -> memref<1x80xi32, #tpu.memory_space<vmem>>
        %dma_wait3A_77 = tpu.memref_squeeze %dma_wait3A_76 : memref<1x80xi32, #tpu.memory_space<vmem>> -> memref<80xi32, #tpu.memory_space<vmem>>
        %dma_wait3A_78 = arith.constant 0 : i32
        %dma_wait3A_79 = arith.constant 0 : i32
        %dma_wait3A_80 = tpu.memref_slice %arg6[%dma_wait3A_78, %dma_wait3A_79] : memref<10000x128xf32, #tpu.memory_space<vmem_shared>> -> memref<10000x128xf32, #tpu.memory_space<vmem_shared>>
        tpu.wait_indirect_dma semaphore(%run_scoped3A_68 : memref<!tpu.dma_semaphore, #tpu.memory_space<semaphore_mem>>) src(%arg9 : memref<80x128xf32, #tpu.memory_space<vmem>>) dst(%dma_wait3A_80 : memref<10000x128xf32, #tpu.memory_space<vmem_shared>>)
        tpu.yield
      }) : () -> ()
    }
    %scan3A_14 = arith.constant 5 : i32
    %barrier3A_15 = arith.constant 0 : index
    tpu.barrier barrier_id(%barrier3A_15)
    %mul3A_16 = arith.constant 625 : i32
    %mul3A_17 = arith.muli %arg1, %mul3A_16 : i32
    %mul3A_18 = arith.constant 625 : i32
    %mul3A_19 = arith.muli %arg1, %mul3A_18 : i32
    "tpu.region"() ({
      %run_scoped3A = tpu.sem_alloc : memref<!tpu.dma_semaphore, #tpu.memory_space<semaphore_mem>>
      %dma_start3A = arith.constant 0 : i32
      %dma_start3A_20 = tpu.memref_slice %arg5[%arg0, %mul3A_19, %dma_start3A] : memref<2x10000x128xf32, #tpu.memory_space<hbm>> -> memref<1x625x128xf32, #tpu.memory_space<hbm>>
      %dma_start3A_21 = tpu.memref_squeeze %dma_start3A_20 : memref<1x625x128xf32, #tpu.memory_space<hbm>> -> memref<625x128xf32, #tpu.memory_space<hbm>>
      %dma_start3A_22 = arith.constant 0 : i32
      %dma_start3A_23 = tpu.memref_slice %arg6[%mul3A_17, %dma_start3A_22] : memref<10000x128xf32, #tpu.memory_space<vmem_shared>> -> memref<625x128xf32, #tpu.memory_space<vmem_shared>>
      tpu.enqueue_dma source(%dma_start3A_23 : memref<625x128xf32, #tpu.memory_space<vmem_shared>>) target(%dma_start3A_21 : memref<625x128xf32, #tpu.memory_space<hbm>>) target_semaphore(%run_scoped3A : memref<!tpu.dma_semaphore, #tpu.memory_space<semaphore_mem>>)
      %dma_wait3A = arith.constant 0 : i32
      %dma_wait3A_24 = tpu.memref_slice %arg5[%arg0, %mul3A_19, %dma_wait3A] : memref<2x10000x128xf32, #tpu.memory_space<hbm>> -> memref<1x625x128xf32, #tpu.memory_space<hbm>>
      %dma_wait3A_25 = tpu.memref_squeeze %dma_wait3A_24 : memref<1x625x128xf32, #tpu.memory_space<hbm>> -> memref<625x128xf32, #tpu.memory_space<hbm>>
      %dma_wait3A_26 = arith.constant 0 : i32
      %dma_wait3A_27 = tpu.memref_slice %arg6[%mul3A_17, %dma_wait3A_26] : memref<10000x128xf32, #tpu.memory_space<vmem_shared>> -> memref<625x128xf32, #tpu.memory_space<vmem_shared>>
      tpu.wait_dma2 semaphore(%run_scoped3A : memref<!tpu.dma_semaphore, #tpu.memory_space<semaphore_mem>>) src(%dma_wait3A_27 : memref<625x128xf32, #tpu.memory_space<vmem_shared>>) dst(%dma_wait3A_25 : memref<625x128xf32, #tpu.memory_space<hbm>>)
      tpu.yield
    }) : () -> ()
    return
  }
}

module attributes {stable_mosaic.version = 14 : i64} {
  func.func @body(%arg0: memref<10000x128xf32, #tpu.memory_space<vmem>>, %arg1: memref<2x10000x128xf32, #tpu.memory_space<vmem>>, %arg2: memref<1x128xf32, #tpu.memory_space<vmem>>, %arg3: memref<128x128xf32, #tpu.memory_space<vmem>>, %arg4: memref<1x128xf32, #tpu.memory_space<vmem>>, %arg5: memref<1x128xf32, #tpu.memory_space<vmem>>, %arg6: memref<1x128xf32, #tpu.memory_space<vmem>>, %arg7: memref<128x128xf32, #tpu.memory_space<vmem>>, %arg8: memref<10000x128xf32, #tpu.memory_space<vmem>>) attributes {dimension_semantics = [], scalar_prefetch = 0 : i64, scratch_operands = 0 : i64, tpu.core_type = #tpu.core_type<tc>} {
    %get3A = arith.constant 0 : index
    %get3A_0 = arith.constant 0 : index
    %get3A_1 = vector.load %arg0[%get3A, %get3A_0] : memref<10000x128xf32, #tpu.memory_space<vmem>>, vector<10000x128xf32>
    %get3A_2 = arith.constant 0 : index
    %get3A_3 = arith.constant 0 : index
    %get3A_4 = arith.constant 0 : index
    %get3A_5 = vector.load %arg1[%get3A_2, %get3A_3, %get3A_4] : memref<2x10000x128xf32, #tpu.memory_space<vmem>>, vector<1x10000x128xf32>
    %get3A_6 = vector.shape_cast %get3A_5 : vector<1x10000x128xf32> to vector<10000x128xf32>
    %add3A = arith.addf %get3A_1, %get3A_6 : vector<10000x128xf32>
    %get3A_7 = arith.constant 1 : index
    %get3A_8 = arith.constant 0 : index
    %get3A_9 = arith.constant 0 : index
    %get3A_10 = vector.load %arg1[%get3A_7, %get3A_8, %get3A_9] : memref<2x10000x128xf32, #tpu.memory_space<vmem>>, vector<1x10000x128xf32>
    %get3A_11 = vector.shape_cast %get3A_10 : vector<1x10000x128xf32> to vector<10000x128xf32>
    %add3A_12 = arith.addf %add3A, %get3A_11 : vector<10000x128xf32>
    %get3A_13 = arith.constant 0 : index
    %get3A_14 = arith.constant 0 : index
    %get3A_15 = vector.load %arg2[%get3A_13, %get3A_14] : memref<1x128xf32, #tpu.memory_space<vmem>>, vector<1x128xf32>
    %add3A_16 = vector.broadcast %get3A_15 : vector<1x128xf32> to vector<10000x128xf32>
    %add3A_17 = arith.addf %add3A_12, %add3A_16 : vector<10000x128xf32>
    %max3A = arith.constant 0.000000e+00 : f32
    %max3A_18 = vector.broadcast %max3A : f32 to vector<10000x128xf32>
    %max3A_19 = arith.maximumf %add3A_17, %max3A_18 : vector<10000x128xf32>
    %get3A_20 = arith.constant 0 : index
    %get3A_21 = arith.constant 0 : index
    %get3A_22 = vector.load %arg3[%get3A_20, %get3A_21] : memref<128x128xf32, #tpu.memory_space<vmem>>, vector<128x128xf32>
    %dot_general3A = arith.constant dense<0.000000e+00> : vector<10000x128xf32>
    %dot_general3A_23 = tpu.matmul %max3A_19, %get3A_22, %dot_general3A {dimension_numbers = #tpu.dot_dimension_numbers<[1], [0], [0], [1], [0, 0, 1, 1], [], []>, transpose_lhs_hint = false} : vector<10000x128xf32>, vector<128x128xf32>, vector<10000x128xf32> -> vector<10000x128xf32>
    %get3A_24 = arith.constant 0 : index
    %get3A_25 = arith.constant 0 : index
    %get3A_26 = vector.load %arg4[%get3A_24, %get3A_25] : memref<1x128xf32, #tpu.memory_space<vmem>>, vector<1x128xf32>
    %add3A_27 = vector.broadcast %get3A_26 : vector<1x128xf32> to vector<10000x128xf32>
    %add3A_28 = arith.addf %dot_general3A_23, %add3A_27 : vector<10000x128xf32>
    %reduce_sum3A = arith.constant dense<0.000000e+00> : vector<128xf32>
    %reduce_sum3A_29 = vector.multi_reduction <add>, %add3A_28, %reduce_sum3A [0] : vector<10000x128xf32> to vector<128xf32>
    %broadcast_in_dim3A = vector.shape_cast %reduce_sum3A_29 : vector<128xf32> to vector<1x128xf32>
    %div3A = arith.constant 1.000000e+04 : f32
    %div3A_30 = vector.broadcast %div3A : f32 to vector<1x128xf32>
    %div3A_31 = arith.divf %broadcast_in_dim3A, %div3A_30 : vector<1x128xf32>
    %mul3A = arith.mulf %add3A_28, %add3A_28 : vector<10000x128xf32>
    %reduce_sum3A_32 = arith.constant dense<0.000000e+00> : vector<128xf32>
    %reduce_sum3A_33 = vector.multi_reduction <add>, %mul3A, %reduce_sum3A_32 [0] : vector<10000x128xf32> to vector<128xf32>
    %broadcast_in_dim3A_34 = vector.shape_cast %reduce_sum3A_33 : vector<128xf32> to vector<1x128xf32>
    %div3A_35 = arith.constant 1.000000e+04 : f32
    %div3A_36 = vector.broadcast %div3A_35 : f32 to vector<1x128xf32>
    %div3A_37 = arith.divf %broadcast_in_dim3A_34, %div3A_36 : vector<1x128xf32>
    %mul3A_38 = arith.mulf %div3A_31, %div3A_31 : vector<1x128xf32>
    %sub3A = arith.subf %div3A_37, %mul3A_38 : vector<1x128xf32>
    %get3A_39 = arith.constant 0 : index
    %get3A_40 = arith.constant 0 : index
    %get3A_41 = vector.load %arg5[%get3A_39, %get3A_40] : memref<1x128xf32, #tpu.memory_space<vmem>>, vector<1x128xf32>
    %add3A_42 = arith.constant 9.99999974E-6 : f32
    %add3A_43 = vector.broadcast %add3A_42 : f32 to vector<1x128xf32>
    %add3A_44 = arith.addf %sub3A, %add3A_43 : vector<1x128xf32>
    %rsqrt3A = math.rsqrt %add3A_44 : vector<1x128xf32>
    %mul3A_45 = arith.mulf %get3A_41, %rsqrt3A : vector<1x128xf32>
    %get3A_46 = arith.constant 0 : index
    %get3A_47 = arith.constant 0 : index
    %get3A_48 = vector.load %arg6[%get3A_46, %get3A_47] : memref<1x128xf32, #tpu.memory_space<vmem>>, vector<1x128xf32>
    %mul3A_49 = arith.mulf %div3A_31, %mul3A_45 : vector<1x128xf32>
    %sub3A_50 = arith.subf %get3A_48, %mul3A_49 : vector<1x128xf32>
    %mul3A_51 = vector.broadcast %mul3A_45 : vector<1x128xf32> to vector<10000x128xf32>
    %mul3A_52 = arith.mulf %add3A_28, %mul3A_51 : vector<10000x128xf32>
    %add3A_53 = vector.broadcast %sub3A_50 : vector<1x128xf32> to vector<10000x128xf32>
    %add3A_54 = arith.addf %mul3A_52, %add3A_53 : vector<10000x128xf32>
    %gt3A = arith.constant 0.000000e+00 : f32
    %gt3A_55 = vector.broadcast %gt3A : f32 to vector<10000x128xf32>
    %gt3A_56 = arith.cmpf ogt, %add3A_54, %gt3A_55 : vector<10000x128xf32>
    %min3A = arith.constant 0.000000e+00 : f32
    %min3A_57 = vector.broadcast %min3A : f32 to vector<10000x128xf32>
    %min3A_58 = arith.minimumf %add3A_54, %min3A_57 : vector<10000x128xf32>
    %exp3A = math.exp %min3A_58 : vector<10000x128xf32>
    %sub3A_59 = arith.constant 1.000000e+00 : f32
    %sub3A_60 = vector.broadcast %sub3A_59 : f32 to vector<10000x128xf32>
    %sub3A_61 = arith.subf %exp3A, %sub3A_60 : vector<10000x128xf32>
    %select_n3A = arith.select %gt3A_56, %add3A_54, %sub3A_61 : vector<10000x128xi1>, vector<10000x128xf32>
    %get3A_62 = arith.constant 0 : index
    %get3A_63 = arith.constant 0 : index
    %get3A_64 = vector.load %arg7[%get3A_62, %get3A_63] : memref<128x128xf32, #tpu.memory_space<vmem>>, vector<128x128xf32>
    %dot_general3A_65 = arith.constant dense<0.000000e+00> : vector<10000x128xf32>
    %dot_general3A_66 = tpu.matmul %select_n3A, %get3A_64, %dot_general3A_65 {dimension_numbers = #tpu.dot_dimension_numbers<[1], [0], [0], [1], [0, 0, 1, 1], [], []>, transpose_lhs_hint = false} : vector<10000x128xf32>, vector<128x128xf32>, vector<10000x128xf32> -> vector<10000x128xf32>
    %swap3A = arith.constant 0 : index
    %swap3A_67 = arith.constant 0 : index
    %swap3A_68 = vector.load %arg8[%swap3A, %swap3A_67] : memref<10000x128xf32, #tpu.memory_space<vmem>>, vector<10000x128xf32>
    tpu.vector_store %arg8[%swap3A, %swap3A_67], %dot_general3A_66 {strides = array<i32>} : memref<10000x128xf32, #tpu.memory_space<vmem>>, vector<10000x128xf32>,
    return
  }
}

module attributes {stable_mosaic.version = 14 : i64} {
  func.func @body(%arg0: memref<10000x128xf32, #tpu.memory_space<vmem>>, %arg1: memref<10000x32xf32, #tpu.memory_space<vmem>>, %arg2: memref<160x128xf32, #tpu.memory_space<vmem>>, %arg3: memref<10000x128xf32, #tpu.memory_space<vmem>>) attributes {dimension_semantics = [], scalar_prefetch = 0 : i64, scratch_operands = 0 : i64, tpu.core_type = #tpu.core_type<tc>} {
    %get3A = arith.constant 0 : index
    %get3A_0 = arith.constant 0 : index
    %get3A_1 = vector.load %arg0[%get3A, %get3A_0] : memref<10000x128xf32, #tpu.memory_space<vmem>>, vector<10000x128xf32>
    %get3A_2 = arith.constant 0 : index
    %get3A_3 = arith.constant 0 : index
    %get3A_4 = vector.load %arg2[%get3A_2, %get3A_3] : memref<160x128xf32, #tpu.memory_space<vmem>>, vector<128x128xf32>
    %dot_general3A = arith.constant dense<0.000000e+00> : vector<10000x128xf32>
    %dot_general3A_5 = tpu.matmul %get3A_1, %get3A_4, %dot_general3A {dimension_numbers = #tpu.dot_dimension_numbers<[1], [0], [0], [1], [0, 0, 1, 1], [], []>, transpose_lhs_hint = false} : vector<10000x128xf32>, vector<128x128xf32>, vector<10000x128xf32> -> vector<10000x128xf32>
    %get3A_6 = arith.constant 0 : index
    %get3A_7 = arith.constant 0 : index
    %get3A_8 = vector.load %arg1[%get3A_6, %get3A_7] : memref<10000x32xf32, #tpu.memory_space<vmem>>, vector<10000x32xf32>
    %get3A_9 = arith.constant 128 : index
    %get3A_10 = arith.constant 0 : index
    %get3A_11 = vector.load %arg2[%get3A_9, %get3A_10] : memref<160x128xf32, #tpu.memory_space<vmem>>, vector<32x128xf32>
    %dot_general3A_12 = arith.constant dense<0.000000e+00> : vector<10000x128xf32>
    %dot_general3A_13 = tpu.matmul %get3A_8, %get3A_11, %dot_general3A_12 {dimension_numbers = #tpu.dot_dimension_numbers<[1], [0], [0], [1], [0, 0, 1, 1], [], []>, transpose_lhs_hint = false} : vector<10000x32xf32>, vector<32x128xf32>, vector<10000x128xf32> -> vector<10000x128xf32>
    %add3A = arith.addf %dot_general3A_5, %dot_general3A_13 : vector<10000x128xf32>
    %swap3A = arith.constant 0 : index
    %swap3A_14 = arith.constant 0 : index
    %swap3A_15 = vector.load %arg3[%swap3A, %swap3A_14] : memref<10000x128xf32, #tpu.memory_space<vmem>>, vector<10000x128xf32>
    tpu.vector_store %arg3[%swap3A, %swap3A_14], %add3A {strides = array<i32>} : memref<10000x128xf32, #tpu.memory_space<vmem>>, vector<10000x128xf32>,
    return
  }
}

module attributes {stable_mosaic.version = 14 : i64} {
  func.func @body(%arg0: memref<10000x128xf32, #tpu.memory_space<vmem>>, %arg1: memref<2x10000x128xf32, #tpu.memory_space<vmem>>, %arg2: memref<1x128xf32, #tpu.memory_space<vmem>>, %arg3: memref<128x128xf32, #tpu.memory_space<vmem>>, %arg4: memref<1x128xf32, #tpu.memory_space<vmem>>, %arg5: memref<1x128xf32, #tpu.memory_space<vmem>>, %arg6: memref<1x128xf32, #tpu.memory_space<vmem>>, %arg7: memref<1x128xf32, #tpu.memory_space<vmem>>, %arg8: memref<1x1xf32, #tpu.memory_space<vmem>>, %arg9: memref<10000x1xf32, #tpu.memory_space<vmem>>) attributes {dimension_semantics = [], scalar_prefetch = 0 : i64, scratch_operands = 0 : i64, tpu.core_type = #tpu.core_type<tc>} {
    %get3A = arith.constant 0 : index
    %get3A_0 = arith.constant 0 : index
    %get3A_1 = vector.load %arg0[%get3A, %get3A_0] : memref<10000x128xf32, #tpu.memory_space<vmem>>, vector<10000x128xf32>
    %get3A_2 = arith.constant 0 : index
    %get3A_3 = arith.constant 0 : index
    %get3A_4 = arith.constant 0 : index
    %get3A_5 = vector.load %arg1[%get3A_2, %get3A_3, %get3A_4] : memref<2x10000x128xf32, #tpu.memory_space<vmem>>, vector<1x10000x128xf32>
    %get3A_6 = vector.shape_cast %get3A_5 : vector<1x10000x128xf32> to vector<10000x128xf32>
    %add3A = arith.addf %get3A_1, %get3A_6 : vector<10000x128xf32>
    %get3A_7 = arith.constant 1 : index
    %get3A_8 = arith.constant 0 : index
    %get3A_9 = arith.constant 0 : index
    %get3A_10 = vector.load %arg1[%get3A_7, %get3A_8, %get3A_9] : memref<2x10000x128xf32, #tpu.memory_space<vmem>>, vector<1x10000x128xf32>
    %get3A_11 = vector.shape_cast %get3A_10 : vector<1x10000x128xf32> to vector<10000x128xf32>
    %add3A_12 = arith.addf %add3A, %get3A_11 : vector<10000x128xf32>
    %get3A_13 = arith.constant 0 : index
    %get3A_14 = arith.constant 0 : index
    %get3A_15 = vector.load %arg2[%get3A_13, %get3A_14] : memref<1x128xf32, #tpu.memory_space<vmem>>, vector<1x128xf32>
    %add3A_16 = vector.broadcast %get3A_15 : vector<1x128xf32> to vector<10000x128xf32>
    %add3A_17 = arith.addf %add3A_12, %add3A_16 : vector<10000x128xf32>
    %max3A = arith.constant 0.000000e+00 : f32
    %max3A_18 = vector.broadcast %max3A : f32 to vector<10000x128xf32>
    %max3A_19 = arith.maximumf %add3A_17, %max3A_18 : vector<10000x128xf32>
    %get3A_20 = arith.constant 0 : index
    %get3A_21 = arith.constant 0 : index
    %get3A_22 = vector.load %arg3[%get3A_20, %get3A_21] : memref<128x128xf32, #tpu.memory_space<vmem>>, vector<128x128xf32>
    %dot_general3A = arith.constant dense<0.000000e+00> : vector<10000x128xf32>
    %dot_general3A_23 = tpu.matmul %max3A_19, %get3A_22, %dot_general3A {dimension_numbers = #tpu.dot_dimension_numbers<[1], [0], [0], [1], [0, 0, 1, 1], [], []>, transpose_lhs_hint = false} : vector<10000x128xf32>, vector<128x128xf32>, vector<10000x128xf32> -> vector<10000x128xf32>
    %get3A_24 = arith.constant 0 : index
    %get3A_25 = arith.constant 0 : index
    %get3A_26 = vector.load %arg4[%get3A_24, %get3A_25] : memref<1x128xf32, #tpu.memory_space<vmem>>, vector<1x128xf32>
    %add3A_27 = vector.broadcast %get3A_26 : vector<1x128xf32> to vector<10000x128xf32>
    %add3A_28 = arith.addf %dot_general3A_23, %add3A_27 : vector<10000x128xf32>
    %reduce_sum3A = arith.constant dense<0.000000e+00> : vector<128xf32>
    %reduce_sum3A_29 = vector.multi_reduction <add>, %add3A_28, %reduce_sum3A [0] : vector<10000x128xf32> to vector<128xf32>
    %broadcast_in_dim3A = vector.shape_cast %reduce_sum3A_29 : vector<128xf32> to vector<1x128xf32>
    %div3A = arith.constant 1.000000e+04 : f32
    %div3A_30 = vector.broadcast %div3A : f32 to vector<1x128xf32>
    %div3A_31 = arith.divf %broadcast_in_dim3A, %div3A_30 : vector<1x128xf32>
    %mul3A = arith.mulf %add3A_28, %add3A_28 : vector<10000x128xf32>
    %reduce_sum3A_32 = arith.constant dense<0.000000e+00> : vector<128xf32>
    %reduce_sum3A_33 = vector.multi_reduction <add>, %mul3A, %reduce_sum3A_32 [0] : vector<10000x128xf32> to vector<128xf32>
    %broadcast_in_dim3A_34 = vector.shape_cast %reduce_sum3A_33 : vector<128xf32> to vector<1x128xf32>
    %div3A_35 = arith.constant 1.000000e+04 : f32
    %div3A_36 = vector.broadcast %div3A_35 : f32 to vector<1x128xf32>
    %div3A_37 = arith.divf %broadcast_in_dim3A_34, %div3A_36 : vector<1x128xf32>
    %mul3A_38 = arith.mulf %div3A_31, %div3A_31 : vector<1x128xf32>
    %sub3A = arith.subf %div3A_37, %mul3A_38 : vector<1x128xf32>
    %get3A_39 = arith.constant 0 : index
    %get3A_40 = arith.constant 0 : index
    %get3A_41 = vector.load %arg5[%get3A_39, %get3A_40] : memref<1x128xf32, #tpu.memory_space<vmem>>, vector<1x128xf32>
    %add3A_42 = arith.constant 9.99999974E-6 : f32
    %add3A_43 = vector.broadcast %add3A_42 : f32 to vector<1x128xf32>
    %add3A_44 = arith.addf %sub3A, %add3A_43 : vector<1x128xf32>
    %rsqrt3A = math.rsqrt %add3A_44 : vector<1x128xf32>
    %mul3A_45 = arith.mulf %get3A_41, %rsqrt3A : vector<1x128xf32>
    %get3A_46 = arith.constant 0 : index
    %get3A_47 = arith.constant 0 : index
    %get3A_48 = vector.load %arg6[%get3A_46, %get3A_47] : memref<1x128xf32, #tpu.memory_space<vmem>>, vector<1x128xf32>
    %mul3A_49 = arith.mulf %div3A_31, %mul3A_45 : vector<1x128xf32>
    %sub3A_50 = arith.subf %get3A_48, %mul3A_49 : vector<1x128xf32>
    %mul3A_51 = vector.broadcast %mul3A_45 : vector<1x128xf32> to vector<10000x128xf32>
    %mul3A_52 = arith.mulf %add3A_28, %mul3A_51 : vector<10000x128xf32>
    %add3A_53 = vector.broadcast %sub3A_50 : vector<1x128xf32> to vector<10000x128xf32>
    %add3A_54 = arith.addf %mul3A_52, %add3A_53 : vector<10000x128xf32>
    %gt3A = arith.constant 0.000000e+00 : f32
    %gt3A_55 = vector.broadcast %gt3A : f32 to vector<10000x128xf32>
    %gt3A_56 = arith.cmpf ogt, %add3A_54, %gt3A_55 : vector<10000x128xf32>
    %min3A = arith.constant 0.000000e+00 : f32
    %min3A_57 = vector.broadcast %min3A : f32 to vector<10000x128xf32>
    %min3A_58 = arith.minimumf %add3A_54, %min3A_57 : vector<10000x128xf32>
    %exp3A = math.exp %min3A_58 : vector<10000x128xf32>
    %sub3A_59 = arith.constant 1.000000e+00 : f32
    %sub3A_60 = vector.broadcast %sub3A_59 : f32 to vector<10000x128xf32>
    %sub3A_61 = arith.subf %exp3A, %sub3A_60 : vector<10000x128xf32>
    %select_n3A = arith.select %gt3A_56, %add3A_54, %sub3A_61 : vector<10000x128xi1>, vector<10000x128xf32>
    %get3A_62 = arith.constant 0 : index
    %get3A_63 = arith.constant 0 : index
    %get3A_64 = vector.load %arg7[%get3A_62, %get3A_63] : memref<1x128xf32, #tpu.memory_space<vmem>>, vector<1x128xf32>
    %mul3A_65 = vector.broadcast %get3A_64 : vector<1x128xf32> to vector<10000x128xf32>
    %mul3A_66 = arith.mulf %select_n3A, %mul3A_65 : vector<10000x128xf32>
    %reduce_sum3A_67 = arith.constant dense<0.000000e+00> : vector<10000xf32>
    %reduce_sum3A_68 = vector.multi_reduction <add>, %mul3A_66, %reduce_sum3A_67 [1] : vector<10000x128xf32> to vector<10000xf32>
    %broadcast_in_dim3A_69 = vector.shape_cast %reduce_sum3A_68 : vector<10000xf32> to vector<10000x1xf32>
    %get3A_70 = arith.constant 0 : index
    %get3A_71 = arith.constant 0 : index
    %get3A_72 = vector.load %arg8[%get3A_70, %get3A_71] : memref<1x1xf32, #tpu.memory_space<vmem>>, vector<1x1xf32>
    %add3A_73 = vector.broadcast %get3A_72 : vector<1x1xf32> to vector<10000x1xf32>
    %add3A_74 = arith.addf %broadcast_in_dim3A_69, %add3A_73 : vector<10000x1xf32>
    %neg3A = arith.constant 0.000000e+00 : f32
    %neg3A_75 = vector.broadcast %neg3A : f32 to vector<10000x1xf32>
    %neg3A_76 = arith.subf %neg3A_75, %add3A_74 : vector<10000x1xf32>
    %exp3A_77 = math.exp %neg3A_76 : vector<10000x1xf32>
    %add3A_78 = arith.constant 1.000000e+00 : f32
    %add3A_79 = vector.broadcast %add3A_78 : f32 to vector<10000x1xf32>
    %add3A_80 = arith.addf %add3A_79, %exp3A_77 : vector<10000x1xf32>
    %div3A_81 = arith.constant 1.000000e+00 : f32
    %div3A_82 = vector.broadcast %div3A_81 : f32 to vector<10000x1xf32>
    %div3A_83 = arith.divf %div3A_82, %add3A_80 : vector<10000x1xf32>
    %swap3A = arith.constant 0 : index
    %swap3A_84 = arith.constant 0 : index
    %swap3A_85 = vector.load %arg9[%swap3A, %swap3A_84] : memref<10000x1xf32, #tpu.memory_space<vmem>>, vector<10000x1xf32>
    tpu.vector_store %arg9[%swap3A, %swap3A_84], %div3A_83 {strides = array<i32>} : memref<10000x1xf32, #tpu.memory_space<vmem>>, vector<10000x1xf32>,
    return
  }
}

</mosaic_0001>

<sc_bundles>
// kernel: kernel.10.cloned.1.call-start
scs
__scs_entry_jumppad:
0x0: {  	(pc) =	sbr.rel $0x88, $3  }
0x1: {  	(tag) =	ssettag $0x0;
	lr =	simm.s32 $0x1  }
0x2: {  	[smem:$0x3F90] =	sst lr;
	_ =	strace $0xD0000000  }
0x3: {  	_ = 	snop  }
0x4: {  	_ = 	snop  }
0x5: {  	_ = 	snop  }
0x6: {  	_ = 	snop  }
0x7: {  	_ = 	snop  }
__scs_overlays_trampoline_lowered:
0x8: {  	[smem:$0x3F9F] =	sst s0  }
0x9: {  	[smem:$0x3FA0] =	sst s1  }
0xa: {  	[smem:$0x3FA1] =	sst s2  }
0xb: {  	[smem:$0x3FA2] =	sst s3  }
0xc: {  	[smem:$0x3FA3] =	sst s4  }
0xd: {  	[smem:$0x3FA4] =	sst s5  }
0xe: {  	[smem:$0x3FA5] =	sst s6  }
0xf: {  	[smem:$0x3FA6] =	sst s7  }
0x10: {  	[smem:$0x3FA7] =	sst s8  }
0x11: {  	[smem:$0x3FA8] =	sst s9;
	s0 =	simm.s32 @!p0 $0x0  }
0x12: {  	s1 =	sld [smem:$0x3F8E];
	s0 =	simm.s32 @p0 $0x1  }
0x13: {  	[smem:$0x3FA9] =	sst s0;
	s0 =	simm.s32 @!p1 $0x0  }
0x14: {  	s2 =	sld [smem:$0x3F8D];
	s0 =	simm.s32 @p1 $0x1  }
0x15: {  	[smem:$0x3FAA] =	sst s0;
	s0 =	simm.s32 @!p2 $0x0  }
0x16: {  	s3 =	sld [smem:$0x3FDB];
	s0 =	simm.s32 @p2 $0x1  }
0x17: {  	s4 =	simm.s32 $0x1BF5;
	[smem:$0x3FAC] =	sst s0  }
0x18: {  	s0 =	sld [smem:$0x3F8F];
	_ =	swait.ge [sflag:s4], $0x0  }
0x19: {  	s7 =	sld [smem:$0x3F90]  }
0x1a: {  	s8 =	sadd.s32 $0xFFFFE003, lr  }
0x1b: {  	s9 =	sadd.s32 $0xFFFFFEF7, lr;
	s5 =	simm.s32 $0xFFFFFFFF;
	p2 =	slt.u32 s8, $0xFFFFF086  }
0x1c: {  	p1 =	slt.u32 s9, $0xF7A;
	s5 =	simm.s32 @!p2 $0x0  }
0x1d: {  	s5 =	simm.s32 @p1 $0x1;
	p0 =	seq.s32 s7, s2  }
0x1e: {  	s7 =	smul.u32 @!p0 $0xF7A, s2;
	p2 =	seq.s32 @!p0 s5, $0x0  }
0x1f: {  	s9 =	smul.u32 $0xF7A, s1;
	s8 =	simm.s32 @!p0 $0x1BF5;
	p2 =	por !p2, p0  }
0x20: {  	[sflag:s8] =	ssyncset.s32 @!p0 $0xFFFFF086;
	s6 =	sadd.s32 @!p0 s3, s7;
	s7 =	simm.s32 @!p0 $0x108  }
0x21: {  	s3 =	sadd.s32 s3, s9;
	s6 =	sadd.s32 @!p0 $0x88, s6;
	s7 =	simm.s32 @p2 $0x1082  }
0x22: {  	[simem:s7], [sflag:s8] =	dma.local @!p0 [hbm:s6], $0xF7A  }
0x23: {  	s9 =	sor.u32 $0xD0000000, s2;
	s6 =	simm.s32 $0x108;
	_ =	swait.ge @!p0 [sflag:s8], $0x0  }
0x24: {  	s3 =	sadd.s32 $0x88, s3;
	s6 =	simm.s32 @!p1 $0x1082;
	[sflag:s4] =	ssyncset.s32 $0xFFFFF086  }
0x25: {  	[simem:s6], [sflag:s4] =	dma.local [hbm:s3], $0xF7A  }
0x26: {  	[smem:$0x3F90] =	sst s1;
	(tag) =	ssettag s2;
	_ =	strace s9  }
0x27: {  	s1 =	sld [smem:$0x3FA0]  }
0x28: {  	s2 =	sld [smem:$0x3FA1]  }
0x29: {  	s4 =	sld [smem:$0x3FA3]  }
0x2a: {  	p0 =	seq.s32 s5, $0x0;
	s5 =	sld [smem:$0x3FA4]  }
0x2b: {  	s6 =	sld [smem:$0x3FA5]  }
0x2c: {  	s7 =	sld [smem:$0x3FA6]  }
0x2d: {  	s3 =	simm.s32 $0x108;
	s8 =	sld [smem:$0x3FA7]  }
0x2e: {  	s3 =	simm.s32 @!p0 $0x1082;
	s9 =	sld [smem:$0x3FA8]  }
0x2f: {  	lr =	sadd.s32 s0, s3;
	s0 =	sld [smem:$0x3F9F]  }
0x30: {  	s3 =	sld [smem:$0x3FA2]  }
0x31: {  	[smem:$0x3FAB] =	sst s10  }
0x32: {  	s10 =	sld [smem:$0x3FA9];
	_ =	sdelay $0x3  }
0x33: {  	p0 =	seq.s32 s10, $0x1;
	s10 =	sld [smem:$0x3FAB];
	_ =	sdelay $0x3  }
0x34: {  	[smem:$0x3FAB] =	sst s10  }
0x35: {  	s10 =	sld [smem:$0x3FAA];
	_ =	sdelay $0x3  }
0x36: {  	p1 =	seq.s32 s10, $0x1;
	s10 =	sld [smem:$0x3FAB];
	_ =	sdelay $0x3  }
0x37: {  	[smem:$0x3FAB] =	sst s10  }
0x38: {  	s10 =	sld [smem:$0x3FAC]  }
0x39: {  	_ = 	snop;
	(pc) =	sbr.ind lr, $3  }
0x3a: {  	_ = 	snop  }
0x3b: {  	_ = 	snop  }
0x3c: {  	p2 =	seq.s32 s10, $0x1;
	s10 =	sld [smem:$0x3FAB]  }
0x3d: {  	_ =	shalt  }
0x3e: {  	_ =	shalt  }
0x3f: {  	_ =	shalt  }
0x40: {  	_ =	shalt  }
0x41: {  	_ =	shalt  }
0x42: {  	_ =	shalt  }
0x43: {  	_ =	shalt  }
0x44: {  	_ =	shalt  }
0x45: {  	_ =	shalt  }
0x46: {  	_ =	shalt  }
0x47: {  	_ =	shalt  }
0x48: {  	_ =	shalt  }
0x49: {  	_ =	shalt  }
0x4a: {  	_ =	shalt  }
0x4b: {  	_ =	shalt  }
0x4c: {  	_ =	shalt  }
0x4d: {  	_ =	shalt  }
0x4e: {  	_ =	shalt  }
0x4f: {  	_ =	shalt  }
0x50: {  	_ =	shalt  }
0x51: {  	_ =	shalt  }
0x52: {  	_ =	shalt  }
0x53: {  	_ =	shalt  }
0x54: {  	_ =	shalt  }
0x55: {  	_ =	shalt  }
0x56: {  	_ =	shalt  }
0x57: {  	_ =	shalt  }
0x58: {  	_ =	shalt  }
0x59: {  	_ =	shalt  }
0x5a: {  	_ =	shalt  }
0x5b: {  	_ =	shalt  }
0x5c: {  	_ =	shalt  }
0x5d: {  	_ =	shalt  }
0x5e: {  	_ =	shalt  }
0x5f: {  	_ =	shalt  }
0x60: {  	_ =	shalt  }
0x61: {  	_ =	shalt  }
0x62: {  	_ =	shalt  }
0x63: {  	_ =	shalt  }
0x64: {  	_ =	shalt  }
0x65: {  	_ =	shalt  }
0x66: {  	_ =	shalt  }
0x67: {  	_ =	shalt  }
0x68: {  	_ =	shalt  }
0x69: {  	_ =	shalt  }
0x6a: {  	_ =	shalt  }
0x6b: {  	_ =	shalt  }
0x6c: {  	_ =	shalt  }
0x6d: {  	_ =	shalt  }
0x6e: {  	_ =	shalt  }
0x6f: {  	_ =	shalt  }
0x70: {  	_ =	shalt  }
0x71: {  	_ =	shalt  }
0x72: {  	_ =	shalt  }
0x73: {  	_ =	shalt  }
0x74: {  	_ =	shalt  }
0x75: {  	_ =	shalt  }
0x76: {  	_ =	shalt  }
0x77: {  	_ =	shalt  }
0x78: {  	_ =	shalt  }
0x79: {  	_ =	shalt  }
0x7a: {  	_ =	shalt  }
0x7b: {  	_ =	shalt  }
0x7c: {  	_ =	shalt  }
0x7d: {  	_ =	shalt  }
0x7e: {  	_ =	shalt  }
0x7f: {  	_ =	shalt  }
0x80: {  	_ =	shalt  }
0x81: {  	_ =	shalt  }
0x82: {  	_ =	shalt  }
0x83: {  	_ =	shalt  }
0x84: {  	_ =	shalt  }
0x85: {  	_ =	shalt  }
0x86: {  	_ =	shalt  }
0x87: {  	_ =	shalt  }
.Lfunc_end0:
.L_simem_size_0:
called_computation.1_lowered:
.L_overlay_start_0:
0x88: {  	s2 =	sld [smem:$0x3FD9]  }
0x89: {  	s3 =	sld [smem:$0x3FFE];
	_ =	sdelay $0x1  }
0x8a: {  	s1 =	srdreg.scid  }
0x8b: {  	s0 =	sand.u32 $0x1, s1  }
0x8c: {  	s16 =	sshll.u32 s0, $0xA;
	s2 =	sadd.s32 s3, s2  }
0x8d: {  	s2 =	sadd.s32 s2, s16  }
0x8e: {  	[smem:$0x3FB7] =	sst s2  }
0x8f: {  	_ = 	snop  }
0x90: {  	(tm) =	ssettm $0x1  }
0x91: {  	s17 =	sld [smem:$0x3FFB];
	_ =	sdelay $0x3  }
0x92: {  	_ =	strace s17  }
0x93: {  	s2 =	sld [smem:$0x3FFC];
	_ =	sdelay $0x3  }
0x94: {  	_ =	strace s2  }
0x95: {  	s2 =	sld [smem:$0x3FFD];
	_ =	sdelay $0x3  }
0x96: {  	_ =	strace s2  }
0x97: {  	_ =	strace $0x8FFFFFFF  }
0x98: {  	s18 =	sld [smem:$0x3FDB];
	_ =	sdelay $0x1  }
0x99: {  	s19 =	simm.s32 $_scs_section_size  }
0x9a: {  	s4 =	simm.s32 $_size__tile_overlayer_lowered;
	s5 =	simm.s32 $_tile_overlayer_lowered  }
0x9b: {  	s22 =	simm.s32 $0x1BFF;
	s21 =	sshll.u32 s5, $0x1;
	s2 =	sadd.s32 s19, s18  }
0x9c: {  	s6 =	simm.s32 $0x0;
	s20 =	sshll.u32 s4, $0x1;
	s4 =	sadd.s32 s21, s2  }
0x9d: {  	[timem:s6], [sflag:s22] =	dma.local [hbm:s4], s20  }
0x9e: {  	_ =	swait.ge [sflag:s22], s20  }
0x9f: {  	s3 =	ssub.s32 $0x0, s20;
	[sflag:s22] =	ssyncset.done $0x0  }
0xa0: {  	[sflag:s22] =	ssyncadd.s32 s3;
	_ =	sdelay $0x1  }
0xa1: {  	s23 =	simm.s32 $0x1B8B  }
0xa2: {  	_ =	swait.ge [sflag:s23], $0x1  }
0xa3: {  	[sflag:s23] =	ssyncset.done $0x0  }
0xa4: {  	s25 =	simm.s32 $0x1B8E;
	s24 =	sld [smem:$0x3FFE];
	[sflag:s23] =	ssyncadd.s32 $0xFFFFFFFF  }
0xa5: {  	s26 =	simm.s32 $execute0_lowered;
	[smem:$0x3FD2] =	sst s25  }
0xa6: {  	s4 =	sshll.u32 s26, $0x1;
	_ =	strace $0x80000049;
	[dreg:$0x1] =	wrdreg $0xFFFFFFFF  }
0xa7: {  	s28 =	simm.s32 $_size_execute0_lowered;
	s2 =	sadd.s32 s2, s4;
	[dreg:$0x0] =	wrdreg $0x0  }
0xa8: {  	s4 =	sshll.u32 s28, $0x1;
	[dreg:$0x2] =	wrdreg s2  }
0xa9: {  	[dreg:$0x3] =	wrdreg s4  }
0xaa: {  	[dreg:$0x4] =	wrdreg $0xC0  }
0xab: {  	_ =	task [dreg:s6], $0x5FFFF  }
0xac: {  	[dreg:$0x1] =	wrdreg $0xFFFFFFFF  }
0xad: {  	[dreg:$0x0] =	wrdreg $0x60  }
0xae: {  	[dreg:$0x2] =	wrdreg s24  }
0xaf: {  	[dreg:$0x3] =	wrdreg $0x0  }
0xb0: {  	[dreg:$0x4] =	wrdreg $0x9  }
0xb1: {  	_ =	task.clear_ibuf [dreg:s6], $0x5FFFF;
	_ =	strace $0x90000049  }
0xb2: {  	s29 =	simm.s32 $0x9;
	_ =	strace $0x8000004B  }
0xb3: {  	_ =	swait.ge [sflag:s29], $0x1  }
0xb4: {  	[sflag:s29] =	ssyncadd.s32 $0xFFFFFFFF  }
0xb5: {  	_ =	strace $0x9000004B  }
0xb6: {  	_ =	sfence  }
0xb7: {  	s30 =	sld [smem:$0x0];
	_ =	sdelay $0x2  }
0xb8: {  	s31 =	sshll.u32 s1, $0xD;
	s1 =	sshrl.u32 s1, $0x2  }
0xb9: {  	s3 =	sand.u32 $0x4000, s31;
	s1 =	sadd.s32 s1, s30  }
0xba: {  	s0 =	sor.u32 s3, s0;
	s1 =	sshll.u32 s1, $0x11  }
0xbb: {  	s0 =	sor.u32 s1, s0  }
0xbc: {  	s0 =	sadd.s32 $0x8F2B, s0  }
0xbd: {  	[sflag:s0] =	ssyncadd.remote.s32 $0x1  }
0xbe: {  	_ =	sfence.sel $0xFFFF  }
0xbf: {  	[dreg:$0x0] =	wrdreg $0xFFFFFFFF;
	(pc) =	sbr.abs _section_cstart, $3  }
0xc0: {  	[dreg:$0x1] =	wrdreg $0xFFFFFFFF  }
0xc1: {  	_ =	task.clear_ibuf [dreg:s6], $0x2FFFF;
	_ =	strace $0x9FFFFFFF  }
0xc2: {  	(tm) =	ssettm $0x7FFFFFFF  }
0xc3: {  	_ =	shalt  }
tec
execute0_lowered:
.L_overlay_start_1:
0x0: {  	(tag) =	ssettag $0x1  }
0x1: {  	s1 =	rddreg [dreg:$0x0]  }
0x2: {  	s2 =	rddreg [dreg:$0x1];
	s3 =	simm.s32 $0x0  }
0x3: {  	s12 =	simm.s32 $0x138D0;
	[smem:$0x7FF] =	sst s3  }
0x4: {  	s13 =	simm.s32 $0x13920;
	_ =	strace $0x8000004A;
	[dreg:$0x4] =	wrdreg s12  }
0x5: {  	s14 =	simm.s32 $0x13970;
	[dreg:$0x5] =	wrdreg s13  }
0x6: {  	s15 =	simm.s32 $0x140A0;
	[dreg:$0x6] =	wrdreg s14  }
0x7: {  	s16 =	simm.s32 $0x140F0;
	[dreg:$0x7] =	wrdreg s15  }
0x8: {  	s17 =	simm.s32 $0x14140;
	[dreg:$0x8] =	wrdreg s16  }
0x9: {  	s18 =	simm.s32 $0x139C0;
	[dreg:$0x9] =	wrdreg s17  }
0xa: {  	s19 =	simm.s32 $0x13A10;
	[dreg:$0xa] =	wrdreg s18  }
0xb: {  	s8 =	simm.s32 $0x13A60;
	[dreg:$0xb] =	wrdreg s19  }
0xc: {  	s20 =	simm.s32 $0x13AB0;
	[dreg:$0xc] =	wrdreg s8  }
0xd: {  	s21 =	simm.s32 $0x14190;
	[dreg:$0xd] =	wrdreg s20  }
0xe: {  	s0 =	srdreg.scid;
	s22 =	simm.s32 $0x141E0;
	[dreg:$0xe] =	wrdreg s21  }
0xf: {  	s9 =	stileid.u32;
	s23 =	simm.s32 $0x14230;
	[dreg:$0xf] =	wrdreg s22  }
0x10: {  	s24 =	simm.s32 $0x14280;
	s26 =	simm.s32 $0x13B00;
	[dreg:$0x10] =	wrdreg s23  }
0x11: {  	s10 =	simm.s32 $0x13B50;
	s11 =	simm.s32 $0x13BA0;
	[dreg:$0x11] =	wrdreg s24  }
0x12: {  	s28 =	simm.s32 $0x19820;
	s29 =	simm.s32 $0x1C020;
	[dreg:$0x12] =	wrdreg s26  }
0x13: {  	s30 =	simm.s32 $0x5;
	s31 =	simm.s32 $0x6;
	[dreg:$0x13] =	wrdreg s10  }
0x14: {  	s0 =	sand.u32 $0x1, s0;
	[dreg:$0x14] =	wrdreg s11;
	s12 =	simm.s32 $0x13BF0  }
0x15: {  	s5 =	smul.u32 $0x4E2, s9;
	s14 =	simm.s32 $0x142D0;
	[dreg:$0x15] =	wrdreg s12  }
0x16: {  	s7 =	smul.u32 $0x13880, s9;
	s16 =	simm.s32 $0x14320;
	[dreg:$0x16] =	wrdreg s14  }
0x17: {  	s4 =	smul.u32 $0x4E20, s0;
	s17 =	simm.s32 $0x14370;
	[dreg:$0x17] =	wrdreg s16  }
0x18: {  	s6 =	smul.u32 $0x138800, s0;
	s19 =	simm.s32 $0x143C0;
	[dreg:$0x18] =	wrdreg s17  }
0x19: {  	s0 =	ssub.s32 $0x2, s0;
	s20 =	simm.s32 $0x13C40;
	[dreg:$0x19] =	wrdreg s19  }
0x1a: {  	s13 =	smul.u32 $0xA000, s9;
	s22 =	simm.s32 $0x13C90;
	[dreg:$0x1a] =	wrdreg s20  }
0x1b: {  	s24 =	simm.s32 $0x13CE0;
	s26 =	simm.s32 $0x13D30;
	[dreg:$0x1b] =	wrdreg s22  }
0x1c: {  	s10 =	simm.s32 $0x14410;
	s11 =	sor.u32 $0x70, s9;
	[dreg:$0x1c] =	wrdreg s24  }
0x1d: {  	s9 =	simm.s32 $0x146E0;
	s25 =	sshrl.u32 s0, $0x1;
	[dreg:$0x1d] =	wrdreg s26  }
0x1e: {  	[dreg:$0x1e] =	wrdreg s10;
	s12 =	simm.s32 $0x14460;
	s14 =	simm.s32 $0x144B0  }
0x1f: {  	s16 =	simm.s32 $0x13D80;
	s17 =	simm.s32 $0x13DD0;
	[dreg:$0x1f] =	wrdreg s12  }
0x20: {  	p0 =	sgt.u32 s11, $0x7C;
	s19 =	simm.s32 $0x13E70;
	[smem:$0x7EF] =	sst s14  }
0x21: {  	s20 =	simm.s32 $0x14550;
	s22 =	simm.s32 $0x145F0;
	[smem:$0x7F2] =	sst s16  }
0x22: {  	s24 =	simm.s32 $0x13EC0;
	s26 =	simm.s32 $0x13F60;
	[smem:$0x7F3] =	sst s17  }
0x23: {  	s10 =	simm.s32 $0x14730;
	s4 =	sadd.s32 s4, s1;
	[smem:$0x7F5] =	sst s19  }
0x24: {  	s6 =	sadd.s32 s7, s6;
	s8 =	ssub.s32 s0, s25;
	[smem:$0x7F6] =	sst s20  }
0x25: {  	s0 =	sadd.s32 s7, s2;
	s16 =	simm.s32 $0x14820;
	[smem:$0x7F8] =	sst s22  }
0x26: {  	s17 =	simm.s32 $0x1;
	s19 =	simm.s32 $0x3;
	[smem:$0x7FA] =	sst s24  }
0x27: {  	s20 =	simm.s32 $0x4;
	s22 =	simm.s32 $0x9;
	[smem:$0x7FC] =	sst s26  }
0x28: {  	s24 =	simm.s32 $0x50;
	s4 =	sadd.s32 s5, s4;
	s15 =	smax.u32 s8, $0x1  }
0x29: {  	s6 =	sshrl.u32 s6, $0x3;
	s0 =	sshrl.u32 s0, $0x3;
	[smem:$0x7E7] =	sst s15  }
0x2a: {  	s5 =	sadd.s32 $0x9E00, s4;
	s15 =	simm.s32 $0x14500;
	[smem:$0x7FD] =	sst s0  }
0x2b: {  	[dreg:$0x3] =	wrdreg s5;
	s5 =	sadd.s32 $0x13C00, s1;
	s1 =	sadd.s32 s6, s1  }
0x2c: {  	s6 =	sshrl.u32 s13, $0x2;
	[smem:$0x7F0] =	sst s15;
	s1 =	sadd.s32 $0x3AE00, s1  }
0x2d: {  	s26 =	simm.s32 $0x17020;
	s18 =	sadd.s32 s6, s2;
	[smem:$0x7E6] =	sst s1  }
0x2e: {  	s12 =	simm.s32 $0x14000;
	s6 =	sadd.s32 $0x28000, s18;
	[smem:$0x7ED] =	sst s18  }
0x2f: {  	s14 =	simm.s32 $0x0;
	s21 =	sadd.s32 $0x50000, s18;
	[smem:$0x7E8] =	sst s6  }
0x30: {  	s0 =	simm.s32 $0x8;
	s23 =	sadd.s32 $0x78000, s18;
	[smem:$0x7E9] =	sst s21  }
0x31: {  	s13 =	smul.u32 $0xA000, s11;
	s25 =	sadd.s32 $0xA0000, s18;
	[smem:$0x7EA] =	sst s23  }
0x32: {  	s11 =	simm.s32 $0x14780;
	s7 =	sadd.s32 $0xC8000, s18;
	[smem:$0x7EB] =	sst s25  }
0x33: {  	s8 =	sadd.s32 $0xF0000, s18;
	s18 =	simm.s32 $0x13E20;
	[smem:$0x7EC] =	sst s7  }
0x34: {  	s1 =	simm.s32 $0x7;
	[smem:$0x7EE] =	sst s8;
	s7 =	sshrl.u32 s13, $0x2  }
0x35: {  	[smem:$0x7F4] =	sst s18;
	s18 =	simm.s32 $0x2;
	s21 =	simm.s32 $0x145A0  }
0x36: {  	s23 =	simm.s32 $0x14640;
	s25 =	simm.s32 $0x13F10;
	[smem:$0x7F7] =	sst s21  }
0x37: {  	s6 =	simm.s32 $0x13FB0;
	s13 =	simm.s32 $0x147D0;
	[smem:$0x7F9] =	sst s23  }
0x38: {  	s7 =	sadd.s32 s7, s2;
	s21 =	simm.s32 $0x13880;
	[smem:$0x7FB] =	sst s25  }
0x39: {  	v0 =	vimm.f32 $0.0e+00;
	s23 =	simm.s32 $0x14050;
	[smem:$0x7F1] =	sst s7;
	s7 =	simm.s32 $0x14690  }
.LBB2_1:
0x3a: {  	[smem:$0x7E5] =	sst s14;
	s15 =	simm.s32 $0x70;
	s25 =	simm.s32 $0x3C0  }
.LBB2_2:
0x3b: {  	p1 =	sne.s32 s25, $0x9FC0;
	[tilespmem:s15+$0x14820] =	vst v0  }
0x3c: {  	[tilespmem:s15+$0x147B0] =	vst v0  }
0x3d: {  	[tilespmem:s15+$0x147C0] =	vst v0  }
.Ltmp0:
0x3e: {  	[tilespmem:s15+$0x147D0] =	vst v0;
	(pc) =	sbr.rel @p1 .LBB2_2-.Ltmp0, $4  }
0x3f: {  	[tilespmem:s15+$0x147E0] =	vst v0  }
0x40: {  	[tilespmem:s15+$0x147F0] =	vst v0  }
0x41: {  	[tilespmem:s15+$0x14800] =	vst v0  }
0x42: {  	[tilespmem:s15+$0x14810] =	vst v0;
	s15 =	sshra.s32 s25, $0x2;
	s25 =	sadd.s32 $0x200, s25  }
0x43: {  	[tilespmem:s15+$0x14820] =	vst v0  }
0x44: {  	[tilespmem:s15+$0x147B0] =	vst v0  }
0x45: {  	[tilespmem:s15+$0x147C0] =	vst v0  }
0x46: {  	[tilespmem:s15+$0x147D0] =	vst v0  }
0x47: {  	[tilespmem:s15+$0x147E0] =	vst v0  }
0x48: {  	[tilespmem:s15+$0x147F0] =	vst v0;
	s8 =	sld [smem:$0x7ED]  }
0x49: {  	[tilespmem:s15+$0x14800] =	vst v0  }
0x4a: {  	[tilespmem:s15+$0x14810] =	vst v0;
	s25 =	sld [smem:$0x7E8]  }
0x4b: {  	[spmem:s8] =	stream.linear.scatter [tilespmem:s16], [sflag:$0x1], $0x2800, $0x38;
	[tilespmem:$0x1E820] =	vst v63  }
0x4c: {  	s14 =	sld [smem:$0x7E9]  }
0x4d: {  	[spmem:s25] =	stream.linear.scatter [tilespmem:s16], [sflag:$0x2], $0x2800, $0x38;
	[tilespmem:$0x1E820] =	vst v63  }
0x4e: {  	s15 =	sld [smem:$0x7EA]  }
0x4f: {  	[spmem:s14] =	stream.linear.scatter [tilespmem:s16], [sflag:$0x3], $0x2800, $0x38;
	[tilespmem:$0x1E820] =	vst v63  }
0x50: {  	_ = 	snop  }
0x51: {  	[spmem:s15] =	stream.linear.scatter [tilespmem:s16], [sflag:$0x4], $0x2800, $0x38;
	[tilespmem:$0x1E820] =	vst v63  }
0x52: {  	_ =	swait.ge [sflag:s17], $0x2800  }
0x53: {  	[sflag:s17] =	ssyncset.done $0x0  }
0x54: {  	[sflag:s17] =	ssyncadd.s32 $0xFFFFD800  }
0x55: {  	_ =	swait.ge [sflag:s18], $0x2800  }
0x56: {  	[sflag:s18] =	ssyncset.done $0x0  }
0x57: {  	[sflag:s18] =	ssyncadd.s32 $0xFFFFD800  }
0x58: {  	_ =	swait.ge [sflag:s19], $0x2800  }
0x59: {  	[sflag:s19] =	ssyncset.done $0x0  }
0x5a: {  	[sflag:s19] =	ssyncadd.s32 $0xFFFFD800  }
0x5b: {  	_ =	swait.ge [sflag:s20], $0x2800  }
0x5c: {  	s25 =	sld [smem:$0x7EB]  }
0x5d: {  	[sflag:s20] =	ssyncset.done $0x0  }
0x5e: {  	s14 =	sld [smem:$0x7EC];
	[sflag:s20] =	ssyncadd.s32 $0xFFFFD800  }
0x5f: {  	[spmem:s25] =	stream.linear.scatter [tilespmem:s16], [sflag:$0x1], $0x2800, $0x38;
	[tilespmem:$0x1E820] =	vst v63  }
0x60: {  	s15 =	sld [smem:$0x7EE]  }
0x61: {  	[spmem:s14] =	stream.linear.scatter [tilespmem:s16], [sflag:$0x2], $0x2800, $0x38;
	[tilespmem:$0x1E820] =	vst v63  }
0x62: {  	s14 =	sld [smem:$0x7F1]  }
0x63: {  	[spmem:s15] =	stream.linear.scatter [tilespmem:s16], [sflag:$0x3], $0x2800, $0x38;
	[tilespmem:$0x1E820] =	vst v63  }
0x64: {  	s8 =	simm.s32 @!p0 $0x14820  }
0x65: {  	[spmem:s14] =	stream.linear.scatter @!p0 [tilespmem:s8], [sflag:$0x4], $0x2800, $0x38;
	[tilespmem:$0x1E820] =	vst v63  }
0x66: {  	s8 =	simm.s32 @!p0 $0x1  }
0x67: {  	_ =	swait.ge @!p0 [sflag:s8], $0x2800  }
0x68: {  	s15 =	simm.s32 @!p0 $0x2;
	[sflag:s8] =	ssyncset.done @!p0 $0x0  }
0x69: {  	s15 =	simm.s32 @p0 $0x1;
	[sflag:s8] =	ssyncadd.s32 @!p0 $0xFFFFD800  }
0x6a: {  	_ =	swait.ge [sflag:s15], $0x2800  }
0x6b: {  	s8 =	simm.s32 @!p0 $0x3;
	[sflag:s15] =	ssyncset.done $0x0  }
0x6c: {  	s8 =	simm.s32 @p0 $0x2;
	[sflag:s15] =	ssyncadd.s32 $0xFFFFD800  }
0x6d: {  	_ =	swait.ge [sflag:s8], $0x2800  }
0x6e: {  	s15 =	simm.s32 @!p0 $0x4;
	[sflag:s8] =	ssyncset.done $0x0  }
0x6f: {  	s15 =	simm.s32 @p0 $0x3;
	[sflag:s8] =	ssyncadd.s32 $0xFFFFD800  }
0x70: {  	_ =	swait.ge [sflag:s15], $0x2800  }
0x71: {  	[sflag:s15] =	ssyncset.done $0x0  }
0x72: {  	[sflag:s15] =	ssyncadd.s32 $0xFFFFD800  }
0x73: {  	[bflag:$0x0] =	sbarrier.arrive $0xFFFF  }
0x74: {  	s25 =	rddreg [dreg:$0x3]  }
0x75: {  	s8 =	sadd.s32 $0x0, s25  }
0x76: {  	[tilespmem:s21], [sflag:$0x9] =	stream.linear.gather [hbm4b:s8+s3], $0x7D0, $0x38;
	[tilespmem:$0x1E820] =	vst v63  }
0x77: {  	_ =	swait.ge [sflag:s22], $0x7D0  }
0x78: {  	[sflag:s22] =	ssyncset.done $0x0  }
0x79: {  	s14 =	sadd.s32 $0x0, s4;
	[sflag:s22] =	ssyncadd.s32 $0xFFFFF830  }
0x7a: {  	[tilespmem:s23], [sflag:$0x9] =	stream.linear.gather [hbm4b:s14+s3], $0x7D0, $0x38;
	[tilespmem:$0x1E820] =	vst v63  }
0x7b: {  	_ =	swait.ge [sflag:s22], $0x7D0  }
0x7c: {  	[sflag:s22] =	ssyncset.done $0x0  }
0x7d: {  	[sflag:s22] =	ssyncadd.s32 $0xFFFFF830  }
0x7e: {  	[tilespmem:s16], [sflag:$0x1] =	stream.indirect.gather [hbm4b:s5+s24], $0x80, s21, s24, $0xb8;
	[tilespmem:$0x1E820] =	vst v63  }
0x7f: {  	s15 =	rddreg [dreg:$0x4]  }
0x80: {  	[tilespmem:s26], [sflag:$0x2] =	stream.indirect.gather [hbm4b:s5+s24], $0x80, s15, s24, $0xb8;
	[tilespmem:$0x1E820] =	vst v63  }
0x81: {  	s25 =	rddreg [dreg:$0x5]  }
0x82: {  	[tilespmem:s28], [sflag:$0x3] =	stream.indirect.gather [hbm4b:s5+s24], $0x80, s25, s24, $0xb8;
	[tilespmem:$0x1E820] =	vst v63  }
0x83: {  	s14 =	rddreg [dreg:$0x6]  }
0x84: {  	[tilespmem:s29], [sflag:$0x4] =	stream.indirect.gather [hbm4b:s5+s24], $0x80, s14, s24, $0xb8;
	[tilespmem:$0x1E820] =	vst v63  }
0x85: {  	_ =	swait.ge [sflag:s17], $0x2800  }
0x86: {  	[sflag:s17] =	ssyncset.done $0x0  }
0x87: {  	[sflag:s17] =	ssyncadd.s32 $0xFFFFD800  }
0x88: {  	[spmem:s2] =	stream.indirect.scatter.add.f32 [tilespmem:s16], [sflag:$0x5], $0x80, s23, s24, $0xb8;
	[tilespmem:$0x1E820] =	vst v63  }
0x89: {  	_ =	swait.ge [sflag:s18], $0x2800  }
0x8a: {  	[sflag:s18] =	ssyncset.done $0x0  }
0x8b: {  	s15 =	rddreg [dreg:$0x7];
	[sflag:s18] =	ssyncadd.s32 $0xFFFFD800  }
0x8c: {  	[spmem:s2] =	stream.indirect.scatter.add.f32 [tilespmem:s26], [sflag:$0x6], $0x80, s15, s24, $0xb8;
	[tilespmem:$0x1E820] =	vst v63  }
0x8d: {  	_ =	swait.ge [sflag:s19], $0x2800  }
0x8e: {  	[sflag:s19] =	ssyncset.done $0x0  }
0x8f: {  	s25 =	rddreg [dreg:$0x8];
	[sflag:s19] =	ssyncadd.s32 $0xFFFFD800  }
0x90: {  	[spmem:s2] =	stream.indirect.scatter.add.f32 [tilespmem:s28], [sflag:$0x7], $0x80, s25, s24, $0xb8;
	[tilespmem:$0x1E820] =	vst v63  }
0x91: {  	_ =	swait.ge [sflag:s20], $0x2800  }
0x92: {  	[sflag:s20] =	ssyncset.done $0x0  }
0x93: {  	s14 =	rddreg [dreg:$0x9];
	[sflag:s20] =	ssyncadd.s32 $0xFFFFD800  }
0x94: {  	[spmem:s2] =	stream.indirect.scatter.add.f32 [tilespmem:s29], [sflag:$0x8], $0x80, s14, s24, $0xb8;
	[tilespmem:$0x1E820] =	vst v63  }
0x95: {  	_ =	swait.ge [sflag:s30], $0x2800  }
0x96: {  	[sflag:s30] =	ssyncset.done $0x0  }
0x97: {  	s15 =	rddreg [dreg:$0xa];
	[sflag:s30] =	ssyncadd.s32 $0xFFFFD800  }
0x98: {  	[tilespmem:s16], [sflag:$0x1] =	stream.indirect.gather [hbm4b:s5+s24], $0x80, s15, s24, $0xb8;
	[tilespmem:$0x1E820] =	vst v63  }
0x99: {  	_ =	swait.ge [sflag:s31], $0x2800  }
0x9a: {  	[sflag:s31] =	ssyncset.done $0x0  }
0x9b: {  	s25 =	rddreg [dreg:$0xb];
	[sflag:s31] =	ssyncadd.s32 $0xFFFFD800  }
0x9c: {  	[tilespmem:s26], [sflag:$0x2] =	stream.indirect.gather [hbm4b:s5+s24], $0x80, s25, s24, $0xb8;
	[tilespmem:$0x1E820] =	vst v63  }
0x9d: {  	_ =	swait.ge [sflag:s1], $0x2800  }
0x9e: {  	[sflag:s1] =	ssyncset.done $0x0  }
0x9f: {  	s14 =	rddreg [dreg:$0xc];
	[sflag:s1] =	ssyncadd.s32 $0xFFFFD800  }
0xa0: {  	[tilespmem:s28], [sflag:$0x3] =	stream.indirect.gather [hbm4b:s5+s24], $0x80, s14, s24, $0xb8;
	[tilespmem:$0x1E820] =	vst v63  }
0xa1: {  	_ =	swait.ge [sflag:s0], $0x2800  }
0xa2: {  	[sflag:s0] =	ssyncset.done $0x0  }
0xa3: {  	s15 =	rddreg [dreg:$0xd];
	[sflag:s0] =	ssyncadd.s32 $0xFFFFD800  }
0xa4: {  	[tilespmem:s29], [sflag:$0x4] =	stream.indirect.gather [hbm4b:s5+s24], $0x80, s15, s24, $0xb8;
	[tilespmem:$0x1E820] =	vst v63  }
0xa5: {  	_ =	swait.ge [sflag:s17], $0x2800  }
0xa6: {  	[sflag:s17] =	ssyncset.done $0x0  }
0xa7: {  	s25 =	rddreg [dreg:$0xe];
	[sflag:s17] =	ssyncadd.s32 $0xFFFFD800  }
0xa8: {  	[spmem:s2] =	stream.indirect.scatter.add.f32 [tilespmem:s16], [sflag:$0x5], $0x80, s25, s24, $0xb8;
	[tilespmem:$0x1E820] =	vst v63  }
0xa9: {  	_ =	swait.ge [sflag:s18], $0x2800  }
0xaa: {  	[sflag:s18] =	ssyncset.done $0x0  }
0xab: {  	s14 =	rddreg [dreg:$0xf];
	[sflag:s18] =	ssyncadd.s32 $0xFFFFD800  }
0xac: {  	[spmem:s2] =	stream.indirect.scatter.add.f32 [tilespmem:s26], [sflag:$0x6], $0x80, s14, s24, $0xb8;
	[tilespmem:$0x1E820] =	vst v63  }
0xad: {  	_ =	swait.ge [sflag:s19], $0x2800  }
0xae: {  	[sflag:s19] =	ssyncset.done $0x0  }
0xaf: {  	s15 =	rddreg [dreg:$0x10];
	[sflag:s19] =	ssyncadd.s32 $0xFFFFD800  }
0xb0: {  	[spmem:s2] =	stream.indirect.scatter.add.f32 [tilespmem:s28], [sflag:$0x7], $0x80, s15, s24, $0xb8;
	[tilespmem:$0x1E820] =	vst v63  }
0xb1: {  	_ =	swait.ge [sflag:s20], $0x2800  }
0xb2: {  	[sflag:s20] =	ssyncset.done $0x0  }
0xb3: {  	s25 =	rddreg [dreg:$0x11];
	[sflag:s20] =	ssyncadd.s32 $0xFFFFD800  }
0xb4: {  	[spmem:s2] =	stream.indirect.scatter.add.f32 [tilespmem:s29], [sflag:$0x8], $0x80, s25, s24, $0xb8;
	[tilespmem:$0x1E820] =	vst v63  }
0xb5: {  	_ =	swait.ge [sflag:s30], $0x2800  }
0xb6: {  	[sflag:s30] =	ssyncset.done $0x0  }
0xb7: {  	s14 =	rddreg [dreg:$0x12];
	[sflag:s30] =	ssyncadd.s32 $0xFFFFD800  }
0xb8: {  	[tilespmem:s16], [sflag:$0x1] =	stream.indirect.gather [hbm4b:s5+s24], $0x80, s14, s24, $0xb8;
	[tilespmem:$0x1E820] =	vst v63  }
0xb9: {  	_ =	swait.ge [sflag:s31], $0x2800  }
0xba: {  	[sflag:s31] =	ssyncset.done $0x0  }
0xbb: {  	s15 =	rddreg [dreg:$0x13];
	[sflag:s31] =	ssyncadd.s32 $0xFFFFD800  }
0xbc: {  	[tilespmem:s26], [sflag:$0x2] =	stream.indirect.gather [hbm4b:s5+s24], $0x80, s15, s24, $0xb8;
	[tilespmem:$0x1E820] =	vst v63  }
0xbd: {  	_ =	swait.ge [sflag:s1], $0x2800  }
0xbe: {  	[sflag:s1] =	ssyncset.done $0x0  }
0xbf: {  	s25 =	rddreg [dreg:$0x14];
	[sflag:s1] =	ssyncadd.s32 $0xFFFFD800  }
0xc0: {  	[tilespmem:s28], [sflag:$0x3] =	stream.indirect.gather [hbm4b:s5+s24], $0x80, s25, s24, $0xb8;
	[tilespmem:$0x1E820] =	vst v63  }
0xc1: {  	_ =	swait.ge [sflag:s0], $0x2800  }
0xc2: {  	[sflag:s0] =	ssyncset.done $0x0  }
0xc3: {  	s14 =	rddreg [dreg:$0x15];
	[sflag:s0] =	ssyncadd.s32 $0xFFFFD800  }
0xc4: {  	[tilespmem:s29], [sflag:$0x4] =	stream.indirect.gather [hbm4b:s5+s24], $0x80, s14, s24, $0xb8;
	[tilespmem:$0x1E820] =	vst v63  }
0xc5: {  	_ =	swait.ge [sflag:s17], $0x2800  }
0xc6: {  	[sflag:s17] =	ssyncset.done $0x0  }
0xc7: {  	s15 =	rddreg [dreg:$0x16];
	[sflag:s17] =	ssyncadd.s32 $0xFFFFD800  }
0xc8: {  	[spmem:s2] =	stream.indirect.scatter.add.f32 [tilespmem:s16], [sflag:$0x5], $0x80, s15, s24, $0xb8;
	[tilespmem:$0x1E820] =	vst v63  }
0xc9: {  	_ =	swait.ge [sflag:s18], $0x2800  }
0xca: {  	[sflag:s18] =	ssyncset.done $0x0  }
0xcb: {  	s25 =	rddreg [dreg:$0x17];
	[sflag:s18] =	ssyncadd.s32 $0xFFFFD800  }
0xcc: {  	[spmem:s2] =	stream.indirect.scatter.add.f32 [tilespmem:s26], [sflag:$0x6], $0x80, s25, s24, $0xb8;
	[tilespmem:$0x1E820] =	vst v63  }
0xcd: {  	_ =	swait.ge [sflag:s19], $0x2800  }
0xce: {  	[sflag:s19] =	ssyncset.done $0x0  }
0xcf: {  	s14 =	rddreg [dreg:$0x18];
	[sflag:s19] =	ssyncadd.s32 $0xFFFFD800  }
0xd0: {  	[spmem:s2] =	stream.indirect.scatter.add.f32 [tilespmem:s28], [sflag:$0x7], $0x80, s14, s24, $0xb8;
	[tilespmem:$0x1E820] =	vst v63  }
0xd1: {  	_ =	swait.ge [sflag:s20], $0x2800  }
0xd2: {  	[sflag:s20] =	ssyncset.done $0x0  }
0xd3: {  	s15 =	rddreg [dreg:$0x19];
	[sflag:s20] =	ssyncadd.s32 $0xFFFFD800  }
0xd4: {  	[spmem:s2] =	stream.indirect.scatter.add.f32 [tilespmem:s29], [sflag:$0x8], $0x80, s15, s24, $0xb8;
	[tilespmem:$0x1E820] =	vst v63  }
0xd5: {  	_ =	swait.ge [sflag:s30], $0x2800  }
0xd6: {  	[sflag:s30] =	ssyncset.done $0x0  }
0xd7: {  	s25 =	rddreg [dreg:$0x1a];
	[sflag:s30] =	ssyncadd.s32 $0xFFFFD800  }
0xd8: {  	[tilespmem:s16], [sflag:$0x1] =	stream.indirect.gather [hbm4b:s5+s24], $0x80, s25, s24, $0xb8;
	[tilespmem:$0x1E820] =	vst v63  }
0xd9: {  	_ =	swait.ge [sflag:s31], $0x2800  }
0xda: {  	[sflag:s31] =	ssyncset.done $0x0  }
0xdb: {  	s14 =	rddreg [dreg:$0x1b];
	[sflag:s31] =	ssyncadd.s32 $0xFFFFD800  }
0xdc: {  	[tilespmem:s26], [sflag:$0x2] =	stream.indirect.gather [hbm4b:s5+s24], $0x80, s14, s24, $0xb8;
	[tilespmem:$0x1E820] =	vst v63  }
0xdd: {  	_ =	swait.ge [sflag:s1], $0x2800  }
0xde: {  	[sflag:s1] =	ssyncset.done $0x0  }
0xdf: {  	s15 =	rddreg [dreg:$0x1c];
	[sflag:s1] =	ssyncadd.s32 $0xFFFFD800  }
0xe0: {  	[tilespmem:s28], [sflag:$0x3] =	stream.indirect.gather [hbm4b:s5+s24], $0x80, s15, s24, $0xb8;
	[tilespmem:$0x1E820] =	vst v63  }
0xe1: {  	_ =	swait.ge [sflag:s0], $0x2800  }
0xe2: {  	[sflag:s0] =	ssyncset.done $0x0  }
0xe3: {  	s25 =	rddreg [dreg:$0x1d];
	[sflag:s0] =	ssyncadd.s32 $0xFFFFD800  }
0xe4: {  	[tilespmem:s29], [sflag:$0x4] =	stream.indirect.gather [hbm4b:s5+s24], $0x80, s25, s24, $0xb8;
	[tilespmem:$0x1E820] =	vst v63  }
0xe5: {  	_ =	swait.ge [sflag:s17], $0x2800  }
0xe6: {  	[sflag:s17] =	ssyncset.done $0x0  }
0xe7: {  	s14 =	rddreg [dreg:$0x1e];
	[sflag:s17] =	ssyncadd.s32 $0xFFFFD800  }
0xe8: {  	[spmem:s2] =	stream.indirect.scatter.add.f32 [tilespmem:s16], [sflag:$0x5], $0x80, s14, s24, $0xb8;
	[tilespmem:$0x1E820] =	vst v63  }
0xe9: {  	_ =	swait.ge [sflag:s18], $0x2800  }
0xea: {  	[sflag:s18] =	ssyncset.done $0x0  }
0xeb: {  	s15 =	rddreg [dreg:$0x1f];
	[sflag:s18] =	ssyncadd.s32 $0xFFFFD800  }
0xec: {  	[spmem:s2] =	stream.indirect.scatter.add.f32 [tilespmem:s26], [sflag:$0x6], $0x80, s15, s24, $0xb8;
	[tilespmem:$0x1E820] =	vst v63  }
0xed: {  	_ =	swait.ge [sflag:s19], $0x2800  }
0xee: {  	s25 =	sld [smem:$0x7EF]  }
0xef: {  	[sflag:s19] =	ssyncset.done $0x0  }
0xf0: {  	[sflag:s19] =	ssyncadd.s32 $0xFFFFD800  }
0xf1: {  	[spmem:s2] =	stream.indirect.scatter.add.f32 [tilespmem:s28], [sflag:$0x7], $0x80, s25, s24, $0xb8;
	[tilespmem:$0x1E820] =	vst v63  }
0xf2: {  	_ =	swait.ge [sflag:s20], $0x2800  }
0xf3: {  	s14 =	sld [smem:$0x7F0]  }
0xf4: {  	[sflag:s20] =	ssyncset.done $0x0  }
0xf5: {  	[sflag:s20] =	ssyncadd.s32 $0xFFFFD800  }
0xf6: {  	[spmem:s2] =	stream.indirect.scatter.add.f32 [tilespmem:s29], [sflag:$0x8], $0x80, s14, s24, $0xb8;
	[tilespmem:$0x1E820] =	vst v63  }
0xf7: {  	_ =	swait.ge [sflag:s30], $0x2800  }
0xf8: {  	s15 =	sld [smem:$0x7F2]  }
0xf9: {  	[sflag:s30] =	ssyncset.done $0x0  }
0xfa: {  	[sflag:s30] =	ssyncadd.s32 $0xFFFFD800  }
0xfb: {  	[tilespmem:s16], [sflag:$0x1] =	stream.indirect.gather [hbm4b:s5+s24], $0x80, s15, s24, $0xb8;
	[tilespmem:$0x1E820] =	vst v63  }
0xfc: {  	_ =	swait.ge [sflag:s31], $0x2800  }
0xfd: {  	s25 =	sld [smem:$0x7F3]  }
0xfe: {  	[sflag:s31] =	ssyncset.done $0x0  }
0xff: {  	[sflag:s31] =	ssyncadd.s32 $0xFFFFD800  }
0x100: {  	[tilespmem:s26], [sflag:$0x2] =	stream.indirect.gather [hbm4b:s5+s24], $0x80, s25, s24, $0xb8;
	[tilespmem:$0x1E820] =	vst v63  }
0x101: {  	_ =	swait.ge [sflag:s1], $0x2800  }
0x102: {  	s14 =	sld [smem:$0x7F4]  }
0x103: {  	[sflag:s1] =	ssyncset.done $0x0  }
0x104: {  	[sflag:s1] =	ssyncadd.s32 $0xFFFFD800  }
0x105: {  	[tilespmem:s28], [sflag:$0x3] =	stream.indirect.gather [hbm4b:s5+s24], $0x80, s14, s24, $0xb8;
	[tilespmem:$0x1E820] =	vst v63  }
0x106: {  	_ =	swait.ge [sflag:s0], $0x2800  }
0x107: {  	s15 =	sld [smem:$0x7F5]  }
0x108: {  	[sflag:s0] =	ssyncset.done $0x0  }
0x109: {  	[sflag:s0] =	ssyncadd.s32 $0xFFFFD800  }
0x10a: {  	[tilespmem:s29], [sflag:$0x4] =	stream.indirect.gather [hbm4b:s5+s24], $0x80, s15, s24, $0xb8;
	[tilespmem:$0x1E820] =	vst v63  }
0x10b: {  	_ =	swait.ge [sflag:s17], $0x2800  }
0x10c: {  	s25 =	sld [smem:$0x7F6]  }
0x10d: {  	[sflag:s17] =	ssyncset.done $0x0  }
0x10e: {  	[sflag:s17] =	ssyncadd.s32 $0xFFFFD800  }
0x10f: {  	[spmem:s2] =	stream.indirect.scatter.add.f32 [tilespmem:s16], [sflag:$0x5], $0x80, s25, s24, $0xb8;
	[tilespmem:$0x1E820] =	vst v63  }
0x110: {  	_ =	swait.ge [sflag:s18], $0x2800  }
0x111: {  	s14 =	sld [smem:$0x7F7]  }
0x112: {  	[sflag:s18] =	ssyncset.done $0x0  }
0x113: {  	[sflag:s18] =	ssyncadd.s32 $0xFFFFD800  }
0x114: {  	[spmem:s2] =	stream.indirect.scatter.add.f32 [tilespmem:s26], [sflag:$0x6], $0x80, s14, s24, $0xb8;
	[tilespmem:$0x1E820] =	vst v63  }
0x115: {  	_ =	swait.ge [sflag:s19], $0x2800  }
0x116: {  	s15 =	sld [smem:$0x7F8]  }
0x117: {  	[sflag:s19] =	ssyncset.done $0x0  }
0x118: {  	[sflag:s19] =	ssyncadd.s32 $0xFFFFD800  }
0x119: {  	[spmem:s2] =	stream.indirect.scatter.add.f32 [tilespmem:s28], [sflag:$0x7], $0x80, s15, s24, $0xb8;
	[tilespmem:$0x1E820] =	vst v63  }
0x11a: {  	_ =	swait.ge [sflag:s20], $0x2800  }
0x11b: {  	s25 =	sld [smem:$0x7F9]  }
0x11c: {  	[sflag:s20] =	ssyncset.done $0x0  }
0x11d: {  	[sflag:s20] =	ssyncadd.s32 $0xFFFFD800  }
0x11e: {  	[spmem:s2] =	stream.indirect.scatter.add.f32 [tilespmem:s29], [sflag:$0x8], $0x80, s25, s24, $0xb8;
	[tilespmem:$0x1E820] =	vst v63  }
0x11f: {  	_ =	swait.ge [sflag:s30], $0x2800  }
0x120: {  	s14 =	sld [smem:$0x7FA]  }
0x121: {  	[sflag:s30] =	ssyncset.done $0x0  }
0x122: {  	[sflag:s30] =	ssyncadd.s32 $0xFFFFD800  }
0x123: {  	[tilespmem:s16], [sflag:$0x1] =	stream.indirect.gather [hbm4b:s5+s24], $0x80, s14, s24, $0xb8;
	[tilespmem:$0x1E820] =	vst v63  }
0x124: {  	_ =	swait.ge [sflag:s31], $0x2800  }
0x125: {  	s15 =	sld [smem:$0x7FB]  }
0x126: {  	[sflag:s31] =	ssyncset.done $0x0  }
0x127: {  	[sflag:s31] =	ssyncadd.s32 $0xFFFFD800  }
0x128: {  	[tilespmem:s26], [sflag:$0x2] =	stream.indirect.gather [hbm4b:s5+s24], $0x80, s15, s24, $0xb8;
	[tilespmem:$0x1E820] =	vst v63  }
0x129: {  	_ =	swait.ge [sflag:s1], $0x2800  }
0x12a: {  	s25 =	sld [smem:$0x7FC]  }
0x12b: {  	[sflag:s1] =	ssyncset.done $0x0  }
0x12c: {  	[sflag:s1] =	ssyncadd.s32 $0xFFFFD800  }
0x12d: {  	[tilespmem:s28], [sflag:$0x3] =	stream.indirect.gather [hbm4b:s5+s24], $0x80, s25, s24, $0xb8;
	[tilespmem:$0x1E820] =	vst v63  }
0x12e: {  	_ =	swait.ge [sflag:s0], $0x2800  }
0x12f: {  	[sflag:s0] =	ssyncset.done $0x0  }
0x130: {  	[sflag:s0] =	ssyncadd.s32 $0xFFFFD800  }
0x131: {  	[tilespmem:s29], [sflag:$0x4] =	stream.indirect.gather [hbm4b:s5+s24], $0x80, s6, s24, $0xb8;
	[tilespmem:$0x1E820] =	vst v63  }
0x132: {  	_ =	swait.ge [sflag:s17], $0x2800  }
0x133: {  	[sflag:s17] =	ssyncset.done $0x0  }
0x134: {  	[sflag:s17] =	ssyncadd.s32 $0xFFFFD800  }
0x135: {  	[spmem:s2] =	stream.indirect.scatter.add.f32 [tilespmem:s16], [sflag:$0x5], $0x80, s7, s24, $0xb8;
	[tilespmem:$0x1E820] =	vst v63  }
0x136: {  	_ =	swait.ge [sflag:s18], $0x2800  }
0x137: {  	[sflag:s18] =	ssyncset.done $0x0  }
0x138: {  	[sflag:s18] =	ssyncadd.s32 $0xFFFFD800  }
0x139: {  	[spmem:s2] =	stream.indirect.scatter.add.f32 [tilespmem:s26], [sflag:$0x6], $0x80, s9, s24, $0xb8;
	[tilespmem:$0x1E820] =	vst v63  }
0x13a: {  	_ =	swait.ge [sflag:s19], $0x2800  }
0x13b: {  	[sflag:s19] =	ssyncset.done $0x0  }
0x13c: {  	[sflag:s19] =	ssyncadd.s32 $0xFFFFD800  }
0x13d: {  	[spmem:s2] =	stream.indirect.scatter.add.f32 [tilespmem:s28], [sflag:$0x7], $0x80, s10, s24, $0xb8;
	[tilespmem:$0x1E820] =	vst v63  }
0x13e: {  	_ =	swait.ge [sflag:s20], $0x2800  }
0x13f: {  	[sflag:s20] =	ssyncset.done $0x0  }
0x140: {  	[sflag:s20] =	ssyncadd.s32 $0xFFFFD800  }
0x141: {  	[spmem:s2] =	stream.indirect.scatter.add.f32 [tilespmem:s29], [sflag:$0x8], $0x80, s11, s24, $0xb8;
	[tilespmem:$0x1E820] =	vst v63  }
0x142: {  	_ =	swait.ge [sflag:s30], $0x2800  }
0x143: {  	[sflag:s30] =	ssyncset.done $0x0  }
0x144: {  	[sflag:s30] =	ssyncadd.s32 $0xFFFFD800  }
0x145: {  	[tilespmem:s16], [sflag:$0x1] =	stream.indirect.gather [hbm4b:s5+s24], $0x80, s12, s24, $0xb8;
	[tilespmem:$0x1E820] =	vst v63  }
0x146: {  	_ =	swait.ge [sflag:s31], $0x2800  }
0x147: {  	[sflag:s31] =	ssyncset.done $0x0  }
0x148: {  	[sflag:s31] =	ssyncadd.s32 $0xFFFFD800  }
0x149: {  	_ =	swait.ge [sflag:s1], $0x2800  }
0x14a: {  	[sflag:s1] =	ssyncset.done $0x0  }
0x14b: {  	[sflag:s1] =	ssyncadd.s32 $0xFFFFD800  }
0x14c: {  	_ =	swait.ge [sflag:s0], $0x2800  }
0x14d: {  	[sflag:s0] =	ssyncset.done $0x0  }
0x14e: {  	[sflag:s0] =	ssyncadd.s32 $0xFFFFD800  }
0x14f: {  	_ =	swait.ge [sflag:s17], $0x2800  }
0x150: {  	[sflag:s17] =	ssyncset.done $0x0  }
0x151: {  	[sflag:s17] =	ssyncadd.s32 $0xFFFFD800  }
0x152: {  	[spmem:s2] =	stream.indirect.scatter.add.f32 [tilespmem:s16], [sflag:$0x9], $0x80, s13, s24, $0xb8;
	[tilespmem:$0x1E820] =	vst v63  }
0x153: {  	s15 =	simm.s32 $0xFA;
	_ =	swait.ge [sflag:s22], $0x2800  }
0x154: {  	s25 =	simm.s32 $0x1F4;
	s8 =	rddreg [dreg:$0x3];
	[sflag:s22] =	ssyncset.done $0x0  }
.LBB2_4:
0x155: {  	[sflag:s22] =	ssyncadd.s32 $0xFFFFD800;
	s8 =	sadd.s32 s15, s8  }
0x156: {  	[tilespmem:s21], [sflag:$0x9] =	stream.linear.gather [hbm4b:s8+s3], $0x7D0, $0x38;
	[tilespmem:$0x1E820] =	vst v63  }
0x157: {  	_ =	swait.ge [sflag:s22], $0x7D0  }
0x158: {  	[sflag:s22] =	ssyncset.done $0x0  }
0x159: {  	s8 =	sadd.s32 s15, s4;
	[sflag:s22] =	ssyncadd.s32 $0xFFFFF830  }
0x15a: {  	[tilespmem:s23], [sflag:$0x9] =	stream.linear.gather [hbm4b:s8+s3], $0x7D0, $0x38;
	[tilespmem:$0x1E820] =	vst v63  }
0x15b: {  	_ =	swait.ge [sflag:s22], $0x7D0  }
0x15c: {  	[sflag:s22] =	ssyncset.done $0x0  }
0x15d: {  	[sflag:s22] =	ssyncadd.s32 $0xFFFFF830  }
0x15e: {  	[tilespmem:s16], [sflag:$0x1] =	stream.indirect.gather [hbm4b:s5+s24], $0x80, s21, s24, $0xb8;
	[tilespmem:$0x1E820] =	vst v63  }
0x15f: {  	s14 =	smov.u32 s25;
	s8 =	rddreg [dreg:$0x4]  }
0x160: {  	[tilespmem:s26], [sflag:$0x2] =	stream.indirect.gather [hbm4b:s5+s24], $0x80, s8, s24, $0xb8;
	[tilespmem:$0x1E820] =	vst v63  }
0x161: {  	s15 =	smov.u32 s14;
	s14 =	rddreg [dreg:$0x5]  }
0x162: {  	[tilespmem:s28], [sflag:$0x3] =	stream.indirect.gather [hbm4b:s5+s24], $0x80, s14, s24, $0xb8;
	[tilespmem:$0x1E820] =	vst v63  }
0x163: {  	s8 =	rddreg [dreg:$0x6]  }
0x164: {  	[tilespmem:s29], [sflag:$0x4] =	stream.indirect.gather [hbm4b:s5+s24], $0x80, s8, s24, $0xb8;
	[tilespmem:$0x1E820] =	vst v63  }
0x165: {  	_ =	swait.ge [sflag:s17], $0x2800  }
0x166: {  	[sflag:s17] =	ssyncset.done $0x0  }
0x167: {  	[sflag:s17] =	ssyncadd.s32 $0xFFFFD800  }
0x168: {  	[spmem:s2] =	stream.indirect.scatter.add.f32 [tilespmem:s16], [sflag:$0x5], $0x80, s23, s24, $0xb8;
	[tilespmem:$0x1E820] =	vst v63  }
0x169: {  	_ =	swait.ge [sflag:s18], $0x2800  }
0x16a: {  	[sflag:s18] =	ssyncset.done $0x0  }
0x16b: {  	s14 =	rddreg [dreg:$0x7];
	[sflag:s18] =	ssyncadd.s32 $0xFFFFD800  }
0x16c: {  	[spmem:s2] =	stream.indirect.scatter.add.f32 [tilespmem:s26], [sflag:$0x6], $0x80, s14, s24, $0xb8;
	[tilespmem:$0x1E820] =	vst v63  }
0x16d: {  	_ =	swait.ge [sflag:s19], $0x2800  }
0x16e: {  	[sflag:s19] =	ssyncset.done $0x0  }
0x16f: {  	s14 =	rddreg [dreg:$0x8];
	[sflag:s19] =	ssyncadd.s32 $0xFFFFD800  }
0x170: {  	[spmem:s2] =	stream.indirect.scatter.add.f32 [tilespmem:s28], [sflag:$0x7], $0x80, s14, s24, $0xb8;
	[tilespmem:$0x1E820] =	vst v63  }
0x171: {  	_ =	swait.ge [sflag:s20], $0x2800  }
0x172: {  	[sflag:s20] =	ssyncset.done $0x0  }
0x173: {  	s14 =	rddreg [dreg:$0x9];
	[sflag:s20] =	ssyncadd.s32 $0xFFFFD800  }
0x174: {  	[spmem:s2] =	stream.indirect.scatter.add.f32 [tilespmem:s29], [sflag:$0x8], $0x80, s14, s24, $0xb8;
	[tilespmem:$0x1E820] =	vst v63  }
0x175: {  	_ =	swait.ge [sflag:s30], $0x2800  }
0x176: {  	[sflag:s30] =	ssyncset.done $0x0  }
0x177: {  	s14 =	rddreg [dreg:$0xa];
	[sflag:s30] =	ssyncadd.s32 $0xFFFFD800  }
0x178: {  	[tilespmem:s16], [sflag:$0x1] =	stream.indirect.gather [hbm4b:s5+s24], $0x80, s14, s24, $0xb8;
	[tilespmem:$0x1E820] =	vst v63  }
0x179: {  	_ =	swait.ge [sflag:s31], $0x2800  }
0x17a: {  	[sflag:s31] =	ssyncset.done $0x0  }
0x17b: {  	s14 =	rddreg [dreg:$0xb];
	[sflag:s31] =	ssyncadd.s32 $0xFFFFD800  }
0x17c: {  	[tilespmem:s26], [sflag:$0x2] =	stream.indirect.gather [hbm4b:s5+s24], $0x80, s14, s24, $0xb8;
	[tilespmem:$0x1E820] =	vst v63  }
0x17d: {  	_ =	swait.ge [sflag:s1], $0x2800  }
0x17e: {  	[sflag:s1] =	ssyncset.done $0x0  }
0x17f: {  	s14 =	rddreg [dreg:$0xc];
	[sflag:s1] =	ssyncadd.s32 $0xFFFFD800  }
0x180: {  	[tilespmem:s28], [sflag:$0x3] =	stream.indirect.gather [hbm4b:s5+s24], $0x80, s14, s24, $0xb8;
	[tilespmem:$0x1E820] =	vst v63  }
0x181: {  	_ =	swait.ge [sflag:s0], $0x2800  }
0x182: {  	[sflag:s0] =	ssyncset.done $0x0  }
0x183: {  	s14 =	rddreg [dreg:$0xd];
	[sflag:s0] =	ssyncadd.s32 $0xFFFFD800  }
0x184: {  	[tilespmem:s29], [sflag:$0x4] =	stream.indirect.gather [hbm4b:s5+s24], $0x80, s14, s24, $0xb8;
	[tilespmem:$0x1E820] =	vst v63  }
0x185: {  	_ =	swait.ge [sflag:s17], $0x2800  }
0x186: {  	[sflag:s17] =	ssyncset.done $0x0  }
0x187: {  	s14 =	rddreg [dreg:$0xe];
	[sflag:s17] =	ssyncadd.s32 $0xFFFFD800  }
0x188: {  	[spmem:s2] =	stream.indirect.scatter.add.f32 [tilespmem:s16], [sflag:$0x5], $0x80, s14, s24, $0xb8;
	[tilespmem:$0x1E820] =	vst v63  }
0x189: {  	_ =	swait.ge [sflag:s18], $0x2800  }
0x18a: {  	[sflag:s18] =	ssyncset.done $0x0  }
0x18b: {  	s14 =	rddreg [dreg:$0xf];
	[sflag:s18] =	ssyncadd.s32 $0xFFFFD800  }
0x18c: {  	[spmem:s2] =	stream.indirect.scatter.add.f32 [tilespmem:s26], [sflag:$0x6], $0x80, s14, s24, $0xb8;
	[tilespmem:$0x1E820] =	vst v63  }
0x18d: {  	_ =	swait.ge [sflag:s19], $0x2800  }
0x18e: {  	[sflag:s19] =	ssyncset.done $0x0  }
0x18f: {  	s14 =	rddreg [dreg:$0x10];
	[sflag:s19] =	ssyncadd.s32 $0xFFFFD800  }
0x190: {  	[spmem:s2] =	stream.indirect.scatter.add.f32 [tilespmem:s28], [sflag:$0x7], $0x80, s14, s24, $0xb8;
	[tilespmem:$0x1E820] =	vst v63  }
0x191: {  	_ =	swait.ge [sflag:s20], $0x2800  }
0x192: {  	[sflag:s20] =	ssyncset.done $0x0  }
0x193: {  	s14 =	rddreg [dreg:$0x11];
	[sflag:s20] =	ssyncadd.s32 $0xFFFFD800  }
0x194: {  	[spmem:s2] =	stream.indirect.scatter.add.f32 [tilespmem:s29], [sflag:$0x8], $0x80, s14, s24, $0xb8;
	[tilespmem:$0x1E820] =	vst v63  }
0x195: {  	_ =	swait.ge [sflag:s30], $0x2800  }
0x196: {  	[sflag:s30] =	ssyncset.done $0x0  }
0x197: {  	s14 =	rddreg [dreg:$0x12];
	[sflag:s30] =	ssyncadd.s32 $0xFFFFD800  }
0x198: {  	[tilespmem:s16], [sflag:$0x1] =	stream.indirect.gather [hbm4b:s5+s24], $0x80, s14, s24, $0xb8;
	[tilespmem:$0x1E820] =	vst v63  }
0x199: {  	_ =	swait.ge [sflag:s31], $0x2800  }
0x19a: {  	[sflag:s31] =	ssyncset.done $0x0  }
0x19b: {  	s14 =	rddreg [dreg:$0x13];
	[sflag:s31] =	ssyncadd.s32 $0xFFFFD800  }
0x19c: {  	[tilespmem:s26], [sflag:$0x2] =	stream.indirect.gather [hbm4b:s5+s24], $0x80, s14, s24, $0xb8;
	[tilespmem:$0x1E820] =	vst v63  }
0x19d: {  	_ =	swait.ge [sflag:s1], $0x2800  }
0x19e: {  	[sflag:s1] =	ssyncset.done $0x0  }
0x19f: {  	s14 =	rddreg [dreg:$0x14];
	[sflag:s1] =	ssyncadd.s32 $0xFFFFD800  }
0x1a0: {  	[tilespmem:s28], [sflag:$0x3] =	stream.indirect.gather [hbm4b:s5+s24], $0x80, s14, s24, $0xb8;
	[tilespmem:$0x1E820] =	vst v63  }
0x1a1: {  	_ =	swait.ge [sflag:s0], $0x2800  }
0x1a2: {  	[sflag:s0] =	ssyncset.done $0x0  }
0x1a3: {  	s14 =	rddreg [dreg:$0x15];
	[sflag:s0] =	ssyncadd.s32 $0xFFFFD800  }
0x1a4: {  	[tilespmem:s29], [sflag:$0x4] =	stream.indirect.gather [hbm4b:s5+s24], $0x80, s14, s24, $0xb8;
	[tilespmem:$0x1E820] =	vst v63  }
0x1a5: {  	_ =	swait.ge [sflag:s17], $0x2800  }
0x1a6: {  	[sflag:s17] =	ssyncset.done $0x0  }
0x1a7: {  	s14 =	rddreg [dreg:$0x16];
	[sflag:s17] =	ssyncadd.s32 $0xFFFFD800  }
0x1a8: {  	[spmem:s2] =	stream.indirect.scatter.add.f32 [tilespmem:s16], [sflag:$0x5], $0x80, s14, s24, $0xb8;
	[tilespmem:$0x1E820] =	vst v63  }
0x1a9: {  	_ =	swait.ge [sflag:s18], $0x2800  }
0x1aa: {  	[sflag:s18] =	ssyncset.done $0x0  }
0x1ab: {  	s14 =	rddreg [dreg:$0x17];
	[sflag:s18] =	ssyncadd.s32 $0xFFFFD800  }
0x1ac: {  	[spmem:s2] =	stream.indirect.scatter.add.f32 [tilespmem:s26], [sflag:$0x6], $0x80, s14, s24, $0xb8;
	[tilespmem:$0x1E820] =	vst v63  }
0x1ad: {  	_ =	swait.ge [sflag:s19], $0x2800  }
0x1ae: {  	[sflag:s19] =	ssyncset.done $0x0  }
0x1af: {  	s14 =	rddreg [dreg:$0x18];
	[sflag:s19] =	ssyncadd.s32 $0xFFFFD800  }
0x1b0: {  	[spmem:s2] =	stream.indirect.scatter.add.f32 [tilespmem:s28], [sflag:$0x7], $0x80, s14, s24, $0xb8;
	[tilespmem:$0x1E820] =	vst v63  }
0x1b1: {  	_ =	swait.ge [sflag:s20], $0x2800  }
0x1b2: {  	[sflag:s20] =	ssyncset.done $0x0  }
0x1b3: {  	s14 =	rddreg [dreg:$0x19];
	[sflag:s20] =	ssyncadd.s32 $0xFFFFD800  }
0x1b4: {  	[spmem:s2] =	stream.indirect.scatter.add.f32 [tilespmem:s29], [sflag:$0x8], $0x80, s14, s24, $0xb8;
	[tilespmem:$0x1E820] =	vst v63  }
0x1b5: {  	_ =	swait.ge [sflag:s30], $0x2800  }
0x1b6: {  	[sflag:s30] =	ssyncset.done $0x0  }
0x1b7: {  	s14 =	rddreg [dreg:$0x1a];
	[sflag:s30] =	ssyncadd.s32 $0xFFFFD800  }
0x1b8: {  	[tilespmem:s16], [sflag:$0x1] =	stream.indirect.gather [hbm4b:s5+s24], $0x80, s14, s24, $0xb8;
	[tilespmem:$0x1E820] =	vst v63  }
0x1b9: {  	_ =	swait.ge [sflag:s31], $0x2800  }
0x1ba: {  	[sflag:s31] =	ssyncset.done $0x0  }
0x1bb: {  	s14 =	rddreg [dreg:$0x1b];
	[sflag:s31] =	ssyncadd.s32 $0xFFFFD800  }
0x1bc: {  	[tilespmem:s26], [sflag:$0x2] =	stream.indirect.gather [hbm4b:s5+s24], $0x80, s14, s24, $0xb8;
	[tilespmem:$0x1E820] =	vst v63  }
0x1bd: {  	_ =	swait.ge [sflag:s1], $0x2800  }
0x1be: {  	[sflag:s1] =	ssyncset.done $0x0  }
0x1bf: {  	s14 =	rddreg [dreg:$0x1c];
	[sflag:s1] =	ssyncadd.s32 $0xFFFFD800  }
0x1c0: {  	[tilespmem:s28], [sflag:$0x3] =	stream.indirect.gather [hbm4b:s5+s24], $0x80, s14, s24, $0xb8;
	[tilespmem:$0x1E820] =	vst v63  }
0x1c1: {  	_ =	swait.ge [sflag:s0], $0x2800  }
0x1c2: {  	[sflag:s0] =	ssyncset.done $0x0  }
0x1c3: {  	s14 =	rddreg [dreg:$0x1d];
	[sflag:s0] =	ssyncadd.s32 $0xFFFFD800  }
0x1c4: {  	[tilespmem:s29], [sflag:$0x4] =	stream.indirect.gather [hbm4b:s5+s24], $0x80, s14, s24, $0xb8;
	[tilespmem:$0x1E820] =	vst v63  }
0x1c5: {  	_ =	swait.ge [sflag:s17], $0x2800  }
0x1c6: {  	[sflag:s17] =	ssyncset.done $0x0  }
0x1c7: {  	s14 =	rddreg [dreg:$0x1e];
	[sflag:s17] =	ssyncadd.s32 $0xFFFFD800  }
0x1c8: {  	[spmem:s2] =	stream.indirect.scatter.add.f32 [tilespmem:s16], [sflag:$0x5], $0x80, s14, s24, $0xb8;
	[tilespmem:$0x1E820] =	vst v63  }
0x1c9: {  	_ =	swait.ge [sflag:s18], $0x2800  }
0x1ca: {  	[sflag:s18] =	ssyncset.done $0x0  }
0x1cb: {  	s14 =	rddreg [dreg:$0x1f];
	[sflag:s18] =	ssyncadd.s32 $0xFFFFD800  }
0x1cc: {  	[spmem:s2] =	stream.indirect.scatter.add.f32 [tilespmem:s26], [sflag:$0x6], $0x80, s14, s24, $0xb8;
	[tilespmem:$0x1E820] =	vst v63  }
0x1cd: {  	_ =	swait.ge [sflag:s19], $0x2800  }
0x1ce: {  	s14 =	sld [smem:$0x7EF]  }
0x1cf: {  	[sflag:s19] =	ssyncset.done $0x0  }
0x1d0: {  	[sflag:s19] =	ssyncadd.s32 $0xFFFFD800  }
0x1d1: {  	[spmem:s2] =	stream.indirect.scatter.add.f32 [tilespmem:s28], [sflag:$0x7], $0x80, s14, s24, $0xb8;
	[tilespmem:$0x1E820] =	vst v63  }
0x1d2: {  	_ =	swait.ge [sflag:s20], $0x2800  }
0x1d3: {  	s14 =	sld [smem:$0x7F0]  }
0x1d4: {  	[sflag:s20] =	ssyncset.done $0x0  }
0x1d5: {  	[sflag:s20] =	ssyncadd.s32 $0xFFFFD800  }
0x1d6: {  	[spmem:s2] =	stream.indirect.scatter.add.f32 [tilespmem:s29], [sflag:$0x8], $0x80, s14, s24, $0xb8;
	[tilespmem:$0x1E820] =	vst v63  }
0x1d7: {  	_ =	swait.ge [sflag:s30], $0x2800  }
0x1d8: {  	s14 =	sld [smem:$0x7F2]  }
0x1d9: {  	[sflag:s30] =	ssyncset.done $0x0  }
0x1da: {  	[sflag:s30] =	ssyncadd.s32 $0xFFFFD800  }
0x1db: {  	[tilespmem:s16], [sflag:$0x1] =	stream.indirect.gather [hbm4b:s5+s24], $0x80, s14, s24, $0xb8;
	[tilespmem:$0x1E820] =	vst v63  }
0x1dc: {  	_ =	swait.ge [sflag:s31], $0x2800  }
0x1dd: {  	s14 =	sld [smem:$0x7F3]  }
0x1de: {  	[sflag:s31] =	ssyncset.done $0x0  }
0x1df: {  	[sflag:s31] =	ssyncadd.s32 $0xFFFFD800  }
0x1e0: {  	[tilespmem:s26], [sflag:$0x2] =	stream.indirect.gather [hbm4b:s5+s24], $0x80, s14, s24, $0xb8;
	[tilespmem:$0x1E820] =	vst v63  }
0x1e1: {  	_ =	swait.ge [sflag:s1], $0x2800  }
0x1e2: {  	s14 =	sld [smem:$0x7F4]  }
0x1e3: {  	[sflag:s1] =	ssyncset.done $0x0  }
0x1e4: {  	[sflag:s1] =	ssyncadd.s32 $0xFFFFD800  }
0x1e5: {  	[tilespmem:s28], [sflag:$0x3] =	stream.indirect.gather [hbm4b:s5+s24], $0x80, s14, s24, $0xb8;
	[tilespmem:$0x1E820] =	vst v63  }
0x1e6: {  	_ =	swait.ge [sflag:s0], $0x2800  }
0x1e7: {  	s14 =	sld [smem:$0x7F5]  }
0x1e8: {  	[sflag:s0] =	ssyncset.done $0x0  }
0x1e9: {  	[sflag:s0] =	ssyncadd.s32 $0xFFFFD800  }
0x1ea: {  	[tilespmem:s29], [sflag:$0x4] =	stream.indirect.gather [hbm4b:s5+s24], $0x80, s14, s24, $0xb8;
	[tilespmem:$0x1E820] =	vst v63  }
0x1eb: {  	_ =	swait.ge [sflag:s17], $0x2800  }
0x1ec: {  	s14 =	sld [smem:$0x7F6]  }
0x1ed: {  	[sflag:s17] =	ssyncset.done $0x0  }
0x1ee: {  	[sflag:s17] =	ssyncadd.s32 $0xFFFFD800  }
0x1ef: {  	[spmem:s2] =	stream.indirect.scatter.add.f32 [tilespmem:s16], [sflag:$0x5], $0x80, s14, s24, $0xb8;
	[tilespmem:$0x1E820] =	vst v63  }
0x1f0: {  	_ =	swait.ge [sflag:s18], $0x2800  }
0x1f1: {  	s14 =	sld [smem:$0x7F7]  }
0x1f2: {  	[sflag:s18] =	ssyncset.done $0x0  }
0x1f3: {  	[sflag:s18] =	ssyncadd.s32 $0xFFFFD800  }
0x1f4: {  	[spmem:s2] =	stream.indirect.scatter.add.f32 [tilespmem:s26], [sflag:$0x6], $0x80, s14, s24, $0xb8;
	[tilespmem:$0x1E820] =	vst v63  }
0x1f5: {  	_ =	swait.ge [sflag:s19], $0x2800  }
0x1f6: {  	s14 =	sld [smem:$0x7F8]  }
0x1f7: {  	[sflag:s19] =	ssyncset.done $0x0  }
0x1f8: {  	[sflag:s19] =	ssyncadd.s32 $0xFFFFD800  }
0x1f9: {  	[spmem:s2] =	stream.indirect.scatter.add.f32 [tilespmem:s28], [sflag:$0x7], $0x80, s14, s24, $0xb8;
	[tilespmem:$0x1E820] =	vst v63  }
0x1fa: {  	_ =	swait.ge [sflag:s20], $0x2800  }
0x1fb: {  	s14 =	sld [smem:$0x7F9]  }
0x1fc: {  	[sflag:s20] =	ssyncset.done $0x0  }
0x1fd: {  	[sflag:s20] =	ssyncadd.s32 $0xFFFFD800  }
0x1fe: {  	[spmem:s2] =	stream.indirect.scatter.add.f32 [tilespmem:s29], [sflag:$0x8], $0x80, s14, s24, $0xb8;
	[tilespmem:$0x1E820] =	vst v63  }
0x1ff: {  	_ =	swait.ge [sflag:s30], $0x2800  }
0x200: {  	s14 =	sld [smem:$0x7FA]  }
0x201: {  	[sflag:s30] =	ssyncset.done $0x0  }
0x202: {  	[sflag:s30] =	ssyncadd.s32 $0xFFFFD800  }
0x203: {  	[tilespmem:s16], [sflag:$0x1] =	stream.indirect.gather [hbm4b:s5+s24], $0x80, s14, s24, $0xb8;
	[tilespmem:$0x1E820] =	vst v63  }
0x204: {  	_ =	swait.ge [sflag:s31], $0x2800  }
0x205: {  	s14 =	sld [smem:$0x7FB]  }
0x206: {  	[sflag:s31] =	ssyncset.done $0x0  }
0x207: {  	[sflag:s31] =	ssyncadd.s32 $0xFFFFD800  }
0x208: {  	[tilespmem:s26], [sflag:$0x2] =	stream.indirect.gather [hbm4b:s5+s24], $0x80, s14, s24, $0xb8;
	[tilespmem:$0x1E820] =	vst v63  }
0x209: {  	_ =	swait.ge [sflag:s1], $0x2800  }
0x20a: {  	s14 =	sld [smem:$0x7FC]  }
0x20b: {  	[sflag:s1] =	ssyncset.done $0x0  }
0x20c: {  	[sflag:s1] =	ssyncadd.s32 $0xFFFFD800  }
0x20d: {  	[tilespmem:s28], [sflag:$0x3] =	stream.indirect.gather [hbm4b:s5+s24], $0x80, s14, s24, $0xb8;
	[tilespmem:$0x1E820] =	vst v63  }
0x20e: {  	_ =	swait.ge [sflag:s0], $0x2800  }
0x20f: {  	[sflag:s0] =	ssyncset.done $0x0  }
0x210: {  	[sflag:s0] =	ssyncadd.s32 $0xFFFFD800  }
0x211: {  	[tilespmem:s29], [sflag:$0x4] =	stream.indirect.gather [hbm4b:s5+s24], $0x80, s6, s24, $0xb8;
	[tilespmem:$0x1E820] =	vst v63  }
0x212: {  	_ =	swait.ge [sflag:s17], $0x2800  }
0x213: {  	[sflag:s17] =	ssyncset.done $0x0  }
0x214: {  	[sflag:s17] =	ssyncadd.s32 $0xFFFFD800  }
0x215: {  	[spmem:s2] =	stream.indirect.scatter.add.f32 [tilespmem:s16], [sflag:$0x5], $0x80, s7, s24, $0xb8;
	[tilespmem:$0x1E820] =	vst v63  }
0x216: {  	_ =	swait.ge [sflag:s18], $0x2800  }
0x217: {  	[sflag:s18] =	ssyncset.done $0x0  }
0x218: {  	[sflag:s18] =	ssyncadd.s32 $0xFFFFD800  }
0x219: {  	[spmem:s2] =	stream.indirect.scatter.add.f32 [tilespmem:s26], [sflag:$0x6], $0x80, s9, s24, $0xb8;
	[tilespmem:$0x1E820] =	vst v63  }
0x21a: {  	_ =	swait.ge [sflag:s19], $0x2800  }
0x21b: {  	[sflag:s19] =	ssyncset.done $0x0  }
0x21c: {  	[sflag:s19] =	ssyncadd.s32 $0xFFFFD800  }
0x21d: {  	[spmem:s2] =	stream.indirect.scatter.add.f32 [tilespmem:s28], [sflag:$0x7], $0x80, s10, s24, $0xb8;
	[tilespmem:$0x1E820] =	vst v63  }
0x21e: {  	_ =	swait.ge [sflag:s20], $0x2800  }
0x21f: {  	[sflag:s20] =	ssyncset.done $0x0  }
0x220: {  	[sflag:s20] =	ssyncadd.s32 $0xFFFFD800  }
0x221: {  	[spmem:s2] =	stream.indirect.scatter.add.f32 [tilespmem:s29], [sflag:$0x8], $0x80, s11, s24, $0xb8;
	[tilespmem:$0x1E820] =	vst v63  }
0x222: {  	_ =	swait.ge [sflag:s30], $0x2800  }
0x223: {  	[sflag:s30] =	ssyncset.done $0x0  }
0x224: {  	[sflag:s30] =	ssyncadd.s32 $0xFFFFD800  }
0x225: {  	[tilespmem:s16], [sflag:$0x1] =	stream.indirect.gather [hbm4b:s5+s24], $0x80, s12, s24, $0xb8;
	[tilespmem:$0x1E820] =	vst v63  }
0x226: {  	_ =	swait.ge [sflag:s31], $0x2800  }
0x227: {  	[sflag:s31] =	ssyncset.done $0x0  }
0x228: {  	[sflag:s31] =	ssyncadd.s32 $0xFFFFD800  }
0x229: {  	_ =	swait.ge [sflag:s1], $0x2800  }
0x22a: {  	[sflag:s1] =	ssyncset.done $0x0  }
0x22b: {  	[sflag:s1] =	ssyncadd.s32 $0xFFFFD800  }
0x22c: {  	_ =	swait.ge [sflag:s0], $0x2800  }
0x22d: {  	[sflag:s0] =	ssyncset.done $0x0  }
0x22e: {  	[sflag:s0] =	ssyncadd.s32 $0xFFFFD800  }
0x22f: {  	p1 =	sne.s32 s25, $0x3E8;
	_ =	swait.ge [sflag:s17], $0x2800  }
.Ltmp1:
0x230: {  	[sflag:s17] =	ssyncset.done $0x0;
	(pc) =	sbr.rel @p1 .LBB2_4-.Ltmp1, $4  }
0x231: {  	[sflag:s17] =	ssyncadd.s32 $0xFFFFD800  }
0x232: {  	[spmem:s2] =	stream.indirect.scatter.add.f32 [tilespmem:s16], [sflag:$0x9], $0x80, s13, s24, $0xb8;
	[tilespmem:$0x1E820] =	vst v63  }
0x233: {  	_ =	swait.ge [sflag:s22], $0x2800  }
0x234: {  	s25 =	sadd.s32 $0xFA, s25;
	s8 =	rddreg [dreg:$0x3];
	[sflag:s22] =	ssyncset.done $0x0  }
0x235: {  	[sflag:s22] =	ssyncadd.s32 $0xFFFFD800;
	s8 =	sadd.s32 s15, s8  }
0x236: {  	[tilespmem:s21], [sflag:$0x9] =	stream.linear.gather [hbm4b:s8+s3], $0x7D0, $0x38;
	[tilespmem:$0x1E820] =	vst v63  }
0x237: {  	_ =	swait.ge [sflag:s22], $0x7D0  }
0x238: {  	[sflag:s22] =	ssyncset.done $0x0  }
0x239: {  	s14 =	sadd.s32 s15, s4;
	[sflag:s22] =	ssyncadd.s32 $0xFFFFF830  }
0x23a: {  	[tilespmem:s23], [sflag:$0x9] =	stream.linear.gather [hbm4b:s14+s3], $0x7D0, $0x38;
	[tilespmem:$0x1E820] =	vst v63  }
0x23b: {  	_ =	swait.ge [sflag:s22], $0x7D0  }
0x23c: {  	[sflag:s22] =	ssyncset.done $0x0  }
0x23d: {  	[sflag:s22] =	ssyncadd.s32 $0xFFFFF830  }
0x23e: {  	[tilespmem:s16], [sflag:$0x1] =	stream.indirect.gather [hbm4b:s5+s24], $0x80, s21, s24, $0xb8;
	[tilespmem:$0x1E820] =	vst v63  }
0x23f: {  	s15 =	rddreg [dreg:$0x4]  }
0x240: {  	[tilespmem:s26], [sflag:$0x2] =	stream.indirect.gather [hbm4b:s5+s24], $0x80, s15, s24, $0xb8;
	[tilespmem:$0x1E820] =	vst v63  }
0x241: {  	s14 =	rddreg [dreg:$0x5]  }
0x242: {  	[tilespmem:s28], [sflag:$0x3] =	stream.indirect.gather [hbm4b:s5+s24], $0x80, s14, s24, $0xb8;
	[tilespmem:$0x1E820] =	vst v63  }
0x243: {  	s25 =	rddreg [dreg:$0x6]  }
0x244: {  	[tilespmem:s29], [sflag:$0x4] =	stream.indirect.gather [hbm4b:s5+s24], $0x80, s25, s24, $0xb8;
	[tilespmem:$0x1E820] =	vst v63  }
0x245: {  	_ =	swait.ge [sflag:s17], $0x2800  }
0x246: {  	[sflag:s17] =	ssyncset.done $0x0  }
0x247: {  	[sflag:s17] =	ssyncadd.s32 $0xFFFFD800  }
0x248: {  	[spmem:s2] =	stream.indirect.scatter.add.f32 [tilespmem:s16], [sflag:$0x5], $0x80, s23, s24, $0xb8;
	[tilespmem:$0x1E820] =	vst v63  }
0x249: {  	_ =	swait.ge [sflag:s18], $0x2800  }
0x24a: {  	[sflag:s18] =	ssyncset.done $0x0  }
0x24b: {  	s15 =	rddreg [dreg:$0x7];
	[sflag:s18] =	ssyncadd.s32 $0xFFFFD800  }
0x24c: {  	[spmem:s2] =	stream.indirect.scatter.add.f32 [tilespmem:s26], [sflag:$0x6], $0x80, s15, s24, $0xb8;
	[tilespmem:$0x1E820] =	vst v63  }
0x24d: {  	_ =	swait.ge [sflag:s19], $0x2800  }
0x24e: {  	[sflag:s19] =	ssyncset.done $0x0  }
0x24f: {  	s25 =	rddreg [dreg:$0x8];
	[sflag:s19] =	ssyncadd.s32 $0xFFFFD800  }
0x250: {  	[spmem:s2] =	stream.indirect.scatter.add.f32 [tilespmem:s28], [sflag:$0x7], $0x80, s25, s24, $0xb8;
	[tilespmem:$0x1E820] =	vst v63  }
0x251: {  	_ =	swait.ge [sflag:s20], $0x2800  }
0x252: {  	[sflag:s20] =	ssyncset.done $0x0  }
0x253: {  	s14 =	rddreg [dreg:$0x9];
	[sflag:s20] =	ssyncadd.s32 $0xFFFFD800  }
0x254: {  	[spmem:s2] =	stream.indirect.scatter.add.f32 [tilespmem:s29], [sflag:$0x8], $0x80, s14, s24, $0xb8;
	[tilespmem:$0x1E820] =	vst v63  }
0x255: {  	_ =	swait.ge [sflag:s30], $0x2800  }
0x256: {  	[sflag:s30] =	ssyncset.done $0x0  }
0x257: {  	s15 =	rddreg [dreg:$0xa];
	[sflag:s30] =	ssyncadd.s32 $0xFFFFD800  }
0x258: {  	[tilespmem:s16], [sflag:$0x1] =	stream.indirect.gather [hbm4b:s5+s24], $0x80, s15, s24, $0xb8;
	[tilespmem:$0x1E820] =	vst v63  }
0x259: {  	_ =	swait.ge [sflag:s31], $0x2800  }
0x25a: {  	[sflag:s31] =	ssyncset.done $0x0  }
0x25b: {  	s25 =	rddreg [dreg:$0xb];
	[sflag:s31] =	ssyncadd.s32 $0xFFFFD800  }
0x25c: {  	[tilespmem:s26], [sflag:$0x2] =	stream.indirect.gather [hbm4b:s5+s24], $0x80, s25, s24, $0xb8;
	[tilespmem:$0x1E820] =	vst v63  }
0x25d: {  	_ =	swait.ge [sflag:s1], $0x2800  }
0x25e: {  	[sflag:s1] =	ssyncset.done $0x0  }
0x25f: {  	s14 =	rddreg [dreg:$0xc];
	[sflag:s1] =	ssyncadd.s32 $0xFFFFD800  }
0x260: {  	[tilespmem:s28], [sflag:$0x3] =	stream.indirect.gather [hbm4b:s5+s24], $0x80, s14, s24, $0xb8;
	[tilespmem:$0x1E820] =	vst v63  }
0x261: {  	_ =	swait.ge [sflag:s0], $0x2800  }
0x262: {  	[sflag:s0] =	ssyncset.done $0x0  }
0x263: {  	s15 =	rddreg [dreg:$0xd];
	[sflag:s0] =	ssyncadd.s32 $0xFFFFD800  }
0x264: {  	[tilespmem:s29], [sflag:$0x4] =	stream.indirect.gather [hbm4b:s5+s24], $0x80, s15, s24, $0xb8;
	[tilespmem:$0x1E820] =	vst v63  }
0x265: {  	_ =	swait.ge [sflag:s17], $0x2800  }
0x266: {  	[sflag:s17] =	ssyncset.done $0x0  }
0x267: {  	s25 =	rddreg [dreg:$0xe];
	[sflag:s17] =	ssyncadd.s32 $0xFFFFD800  }
0x268: {  	[spmem:s2] =	stream.indirect.scatter.add.f32 [tilespmem:s16], [sflag:$0x5], $0x80, s25, s24, $0xb8;
	[tilespmem:$0x1E820] =	vst v63  }
0x269: {  	_ =	swait.ge [sflag:s18], $0x2800  }
0x26a: {  	[sflag:s18] =	ssyncset.done $0x0  }
0x26b: {  	s14 =	rddreg [dreg:$0xf];
	[sflag:s18] =	ssyncadd.s32 $0xFFFFD800  }
0x26c: {  	[spmem:s2] =	stream.indirect.scatter.add.f32 [tilespmem:s26], [sflag:$0x6], $0x80, s14, s24, $0xb8;
	[tilespmem:$0x1E820] =	vst v63  }
0x26d: {  	_ =	swait.ge [sflag:s19], $0x2800  }
0x26e: {  	[sflag:s19] =	ssyncset.done $0x0  }
0x26f: {  	s15 =	rddreg [dreg:$0x10];
	[sflag:s19] =	ssyncadd.s32 $0xFFFFD800  }
0x270: {  	[spmem:s2] =	stream.indirect.scatter.add.f32 [tilespmem:s28], [sflag:$0x7], $0x80, s15, s24, $0xb8;
	[tilespmem:$0x1E820] =	vst v63  }
0x271: {  	_ =	swait.ge [sflag:s20], $0x2800  }
0x272: {  	[sflag:s20] =	ssyncset.done $0x0  }
0x273: {  	s25 =	rddreg [dreg:$0x11];
	[sflag:s20] =	ssyncadd.s32 $0xFFFFD800  }
0x274: {  	[spmem:s2] =	stream.indirect.scatter.add.f32 [tilespmem:s29], [sflag:$0x8], $0x80, s25, s24, $0xb8;
	[tilespmem:$0x1E820] =	vst v63  }
0x275: {  	_ =	swait.ge [sflag:s30], $0x2800  }
0x276: {  	[sflag:s30] =	ssyncset.done $0x0  }
0x277: {  	s14 =	rddreg [dreg:$0x12];
	[sflag:s30] =	ssyncadd.s32 $0xFFFFD800  }
0x278: {  	[tilespmem:s16], [sflag:$0x1] =	stream.indirect.gather [hbm4b:s5+s24], $0x80, s14, s24, $0xb8;
	[tilespmem:$0x1E820] =	vst v63  }
0x279: {  	_ =	swait.ge [sflag:s31], $0x2800  }
0x27a: {  	[sflag:s31] =	ssyncset.done $0x0  }
0x27b: {  	s15 =	rddreg [dreg:$0x13];
	[sflag:s31] =	ssyncadd.s32 $0xFFFFD800  }
0x27c: {  	[tilespmem:s26], [sflag:$0x2] =	stream.indirect.gather [hbm4b:s5+s24], $0x80, s15, s24, $0xb8;
	[tilespmem:$0x1E820] =	vst v63  }
0x27d: {  	_ =	swait.ge [sflag:s1], $0x2800  }
0x27e: {  	[sflag:s1] =	ssyncset.done $0x0  }
0x27f: {  	s25 =	rddreg [dreg:$0x14];
	[sflag:s1] =	ssyncadd.s32 $0xFFFFD800  }
0x280: {  	[tilespmem:s28], [sflag:$0x3] =	stream.indirect.gather [hbm4b:s5+s24], $0x80, s25, s24, $0xb8;
	[tilespmem:$0x1E820] =	vst v63  }
0x281: {  	_ =	swait.ge [sflag:s0], $0x2800  }
0x282: {  	[sflag:s0] =	ssyncset.done $0x0  }
0x283: {  	s14 =	rddreg [dreg:$0x15];
	[sflag:s0] =	ssyncadd.s32 $0xFFFFD800  }
0x284: {  	[tilespmem:s29], [sflag:$0x4] =	stream.indirect.gather [hbm4b:s5+s24], $0x80, s14, s24, $0xb8;
	[tilespmem:$0x1E820] =	vst v63  }
0x285: {  	_ =	swait.ge [sflag:s17], $0x2800  }
0x286: {  	[sflag:s17] =	ssyncset.done $0x0  }
0x287: {  	s15 =	rddreg [dreg:$0x16];
	[sflag:s17] =	ssyncadd.s32 $0xFFFFD800  }
0x288: {  	[spmem:s2] =	stream.indirect.scatter.add.f32 [tilespmem:s16], [sflag:$0x5], $0x80, s15, s24, $0xb8;
	[tilespmem:$0x1E820] =	vst v63  }
0x289: {  	_ =	swait.ge [sflag:s18], $0x2800  }
0x28a: {  	[sflag:s18] =	ssyncset.done $0x0  }
0x28b: {  	s25 =	rddreg [dreg:$0x17];
	[sflag:s18] =	ssyncadd.s32 $0xFFFFD800  }
0x28c: {  	[spmem:s2] =	stream.indirect.scatter.add.f32 [tilespmem:s26], [sflag:$0x6], $0x80, s25, s24, $0xb8;
	[tilespmem:$0x1E820] =	vst v63  }
0x28d: {  	_ =	swait.ge [sflag:s19], $0x2800  }
0x28e: {  	[sflag:s19] =	ssyncset.done $0x0  }
0x28f: {  	s14 =	rddreg [dreg:$0x18];
	[sflag:s19] =	ssyncadd.s32 $0xFFFFD800  }
0x290: {  	[spmem:s2] =	stream.indirect.scatter.add.f32 [tilespmem:s28], [sflag:$0x7], $0x80, s14, s24, $0xb8;
	[tilespmem:$0x1E820] =	vst v63  }
0x291: {  	_ =	swait.ge [sflag:s20], $0x2800  }
0x292: {  	[sflag:s20] =	ssyncset.done $0x0  }
0x293: {  	s15 =	rddreg [dreg:$0x19];
	[sflag:s20] =	ssyncadd.s32 $0xFFFFD800  }
0x294: {  	[spmem:s2] =	stream.indirect.scatter.add.f32 [tilespmem:s29], [sflag:$0x8], $0x80, s15, s24, $0xb8;
	[tilespmem:$0x1E820] =	vst v63  }
0x295: {  	_ =	swait.ge [sflag:s30], $0x2800  }
0x296: {  	[sflag:s30] =	ssyncset.done $0x0  }
0x297: {  	s25 =	rddreg [dreg:$0x1a];
	[sflag:s30] =	ssyncadd.s32 $0xFFFFD800  }
0x298: {  	[tilespmem:s16], [sflag:$0x1] =	stream.indirect.gather [hbm4b:s5+s24], $0x80, s25, s24, $0xb8;
	[tilespmem:$0x1E820] =	vst v63  }
0x299: {  	_ =	swait.ge [sflag:s31], $0x2800  }
0x29a: {  	[sflag:s31] =	ssyncset.done $0x0  }
0x29b: {  	s14 =	rddreg [dreg:$0x1b];
	[sflag:s31] =	ssyncadd.s32 $0xFFFFD800  }
0x29c: {  	[tilespmem:s26], [sflag:$0x2] =	stream.indirect.gather [hbm4b:s5+s24], $0x80, s14, s24, $0xb8;
	[tilespmem:$0x1E820] =	vst v63  }
0x29d: {  	_ =	swait.ge [sflag:s1], $0x2800  }
0x29e: {  	[sflag:s1] =	ssyncset.done $0x0  }
0x29f: {  	s15 =	rddreg [dreg:$0x1c];
	[sflag:s1] =	ssyncadd.s32 $0xFFFFD800  }
0x2a0: {  	[tilespmem:s28], [sflag:$0x3] =	stream.indirect.gather [hbm4b:s5+s24], $0x80, s15, s24, $0xb8;
	[tilespmem:$0x1E820] =	vst v63  }
0x2a1: {  	_ =	swait.ge [sflag:s0], $0x2800  }
0x2a2: {  	[sflag:s0] =	ssyncset.done $0x0  }
0x2a3: {  	s25 =	rddreg [dreg:$0x1d];
	[sflag:s0] =	ssyncadd.s32 $0xFFFFD800  }
0x2a4: {  	[tilespmem:s29], [sflag:$0x4] =	stream.indirect.gather [hbm4b:s5+s24], $0x80, s25, s24, $0xb8;
	[tilespmem:$0x1E820] =	vst v63  }
0x2a5: {  	_ =	swait.ge [sflag:s17], $0x2800  }
0x2a6: {  	[sflag:s17] =	ssyncset.done $0x0  }
0x2a7: {  	s14 =	rddreg [dreg:$0x1e];
	[sflag:s17] =	ssyncadd.s32 $0xFFFFD800  }
0x2a8: {  	[spmem:s2] =	stream.indirect.scatter.add.f32 [tilespmem:s16], [sflag:$0x5], $0x80, s14, s24, $0xb8;
	[tilespmem:$0x1E820] =	vst v63  }
0x2a9: {  	_ =	swait.ge [sflag:s18], $0x2800  }
0x2aa: {  	[sflag:s18] =	ssyncset.done $0x0  }
0x2ab: {  	s15 =	rddreg [dreg:$0x1f];
	[sflag:s18] =	ssyncadd.s32 $0xFFFFD800  }
0x2ac: {  	[spmem:s2] =	stream.indirect.scatter.add.f32 [tilespmem:s26], [sflag:$0x6], $0x80, s15, s24, $0xb8;
	[tilespmem:$0x1E820] =	vst v63  }
0x2ad: {  	_ =	swait.ge [sflag:s19], $0x2800  }
0x2ae: {  	s25 =	sld [smem:$0x7EF]  }
0x2af: {  	[sflag:s19] =	ssyncset.done $0x0  }
0x2b0: {  	[sflag:s19] =	ssyncadd.s32 $0xFFFFD800  }
0x2b1: {  	[spmem:s2] =	stream.indirect.scatter.add.f32 [tilespmem:s28], [sflag:$0x7], $0x80, s25, s24, $0xb8;
	[tilespmem:$0x1E820] =	vst v63  }
0x2b2: {  	_ =	swait.ge [sflag:s20], $0x2800  }
0x2b3: {  	s14 =	sld [smem:$0x7F0]  }
0x2b4: {  	[sflag:s20] =	ssyncset.done $0x0  }
0x2b5: {  	[sflag:s20] =	ssyncadd.s32 $0xFFFFD800  }
0x2b6: {  	[spmem:s2] =	stream.indirect.scatter.add.f32 [tilespmem:s29], [sflag:$0x8], $0x80, s14, s24, $0xb8;
	[tilespmem:$0x1E820] =	vst v63  }
0x2b7: {  	_ =	swait.ge [sflag:s30], $0x2800  }
0x2b8: {  	s15 =	sld [smem:$0x7F2]  }
0x2b9: {  	[sflag:s30] =	ssyncset.done $0x0  }
0x2ba: {  	[sflag:s30] =	ssyncadd.s32 $0xFFFFD800  }
0x2bb: {  	[tilespmem:s16], [sflag:$0x1] =	stream.indirect.gather [hbm4b:s5+s24], $0x80, s15, s24, $0xb8;
	[tilespmem:$0x1E820] =	vst v63  }
0x2bc: {  	_ =	swait.ge [sflag:s31], $0x2800  }
0x2bd: {  	s25 =	sld [smem:$0x7F3]  }
0x2be: {  	[sflag:s31] =	ssyncset.done $0x0  }
0x2bf: {  	[sflag:s31] =	ssyncadd.s32 $0xFFFFD800  }
0x2c0: {  	[tilespmem:s26], [sflag:$0x2] =	stream.indirect.gather [hbm4b:s5+s24], $0x80, s25, s24, $0xb8;
	[tilespmem:$0x1E820] =	vst v63  }
0x2c1: {  	_ =	swait.ge [sflag:s1], $0x2800  }
0x2c2: {  	s14 =	sld [smem:$0x7F4]  }
0x2c3: {  	[sflag:s1] =	ssyncset.done $0x0  }
0x2c4: {  	[sflag:s1] =	ssyncadd.s32 $0xFFFFD800  }
0x2c5: {  	[tilespmem:s28], [sflag:$0x3] =	stream.indirect.gather [hbm4b:s5+s24], $0x80, s14, s24, $0xb8;
	[tilespmem:$0x1E820] =	vst v63  }
0x2c6: {  	_ =	swait.ge [sflag:s0], $0x2800  }
0x2c7: {  	s15 =	sld [smem:$0x7F5]  }
0x2c8: {  	[sflag:s0] =	ssyncset.done $0x0  }
0x2c9: {  	[sflag:s0] =	ssyncadd.s32 $0xFFFFD800  }
0x2ca: {  	[tilespmem:s29], [sflag:$0x4] =	stream.indirect.gather [hbm4b:s5+s24], $0x80, s15, s24, $0xb8;
	[tilespmem:$0x1E820] =	vst v63  }
0x2cb: {  	_ =	swait.ge [sflag:s17], $0x2800  }
0x2cc: {  	s25 =	sld [smem:$0x7F6]  }
0x2cd: {  	[sflag:s17] =	ssyncset.done $0x0  }
0x2ce: {  	[sflag:s17] =	ssyncadd.s32 $0xFFFFD800  }
0x2cf: {  	[spmem:s2] =	stream.indirect.scatter.add.f32 [tilespmem:s16], [sflag:$0x5], $0x80, s25, s24, $0xb8;
	[tilespmem:$0x1E820] =	vst v63  }
0x2d0: {  	_ =	swait.ge [sflag:s18], $0x2800  }
0x2d1: {  	s14 =	sld [smem:$0x7F7]  }
0x2d2: {  	[sflag:s18] =	ssyncset.done $0x0  }
0x2d3: {  	[sflag:s18] =	ssyncadd.s32 $0xFFFFD800  }
0x2d4: {  	[spmem:s2] =	stream.indirect.scatter.add.f32 [tilespmem:s26], [sflag:$0x6], $0x80, s14, s24, $0xb8;
	[tilespmem:$0x1E820] =	vst v63  }
0x2d5: {  	_ =	swait.ge [sflag:s19], $0x2800  }
0x2d6: {  	s15 =	sld [smem:$0x7F8]  }
0x2d7: {  	[sflag:s19] =	ssyncset.done $0x0  }
0x2d8: {  	[sflag:s19] =	ssyncadd.s32 $0xFFFFD800  }
0x2d9: {  	[spmem:s2] =	stream.indirect.scatter.add.f32 [tilespmem:s28], [sflag:$0x7], $0x80, s15, s24, $0xb8;
	[tilespmem:$0x1E820] =	vst v63  }
0x2da: {  	_ =	swait.ge [sflag:s20], $0x2800  }
0x2db: {  	s25 =	sld [smem:$0x7F9]  }
0x2dc: {  	[sflag:s20] =	ssyncset.done $0x0  }
0x2dd: {  	[sflag:s20] =	ssyncadd.s32 $0xFFFFD800  }
0x2de: {  	[spmem:s2] =	stream.indirect.scatter.add.f32 [tilespmem:s29], [sflag:$0x8], $0x80, s25, s24, $0xb8;
	[tilespmem:$0x1E820] =	vst v63  }
0x2df: {  	_ =	swait.ge [sflag:s30], $0x2800  }
0x2e0: {  	s14 =	sld [smem:$0x7FA]  }
0x2e1: {  	[sflag:s30] =	ssyncset.done $0x0  }
0x2e2: {  	[sflag:s30] =	ssyncadd.s32 $0xFFFFD800  }
0x2e3: {  	[tilespmem:s16], [sflag:$0x1] =	stream.indirect.gather [hbm4b:s5+s24], $0x80, s14, s24, $0xb8;
	[tilespmem:$0x1E820] =	vst v63  }
0x2e4: {  	_ =	swait.ge [sflag:s31], $0x2800  }
0x2e5: {  	s15 =	sld [smem:$0x7FB]  }
0x2e6: {  	[sflag:s31] =	ssyncset.done $0x0  }
0x2e7: {  	[sflag:s31] =	ssyncadd.s32 $0xFFFFD800  }
0x2e8: {  	[tilespmem:s26], [sflag:$0x2] =	stream.indirect.gather [hbm4b:s5+s24], $0x80, s15, s24, $0xb8;
	[tilespmem:$0x1E820] =	vst v63  }
0x2e9: {  	_ =	swait.ge [sflag:s1], $0x2800  }
0x2ea: {  	s25 =	sld [smem:$0x7FC]  }
0x2eb: {  	[sflag:s1] =	ssyncset.done $0x0  }
0x2ec: {  	[sflag:s1] =	ssyncadd.s32 $0xFFFFD800  }
0x2ed: {  	[tilespmem:s28], [sflag:$0x3] =	stream.indirect.gather [hbm4b:s5+s24], $0x80, s25, s24, $0xb8;
	[tilespmem:$0x1E820] =	vst v63  }
0x2ee: {  	_ =	swait.ge [sflag:s0], $0x2800  }
0x2ef: {  	[sflag:s0] =	ssyncset.done $0x0  }
0x2f0: {  	[sflag:s0] =	ssyncadd.s32 $0xFFFFD800  }
0x2f1: {  	[tilespmem:s29], [sflag:$0x4] =	stream.indirect.gather [hbm4b:s5+s24], $0x80, s6, s24, $0xb8;
	[tilespmem:$0x1E820] =	vst v63  }
0x2f2: {  	_ =	swait.ge [sflag:s17], $0x2800  }
0x2f3: {  	[sflag:s17] =	ssyncset.done $0x0  }
0x2f4: {  	[sflag:s17] =	ssyncadd.s32 $0xFFFFD800  }
0x2f5: {  	[spmem:s2] =	stream.indirect.scatter.add.f32 [tilespmem:s16], [sflag:$0x5], $0x80, s7, s24, $0xb8;
	[tilespmem:$0x1E820] =	vst v63  }
0x2f6: {  	_ =	swait.ge [sflag:s18], $0x2800  }
0x2f7: {  	[sflag:s18] =	ssyncset.done $0x0  }
0x2f8: {  	[sflag:s18] =	ssyncadd.s32 $0xFFFFD800  }
0x2f9: {  	[spmem:s2] =	stream.indirect.scatter.add.f32 [tilespmem:s26], [sflag:$0x6], $0x80, s9, s24, $0xb8;
	[tilespmem:$0x1E820] =	vst v63  }
0x2fa: {  	_ =	swait.ge [sflag:s19], $0x2800  }
0x2fb: {  	[sflag:s19] =	ssyncset.done $0x0  }
0x2fc: {  	[sflag:s19] =	ssyncadd.s32 $0xFFFFD800  }
0x2fd: {  	[spmem:s2] =	stream.indirect.scatter.add.f32 [tilespmem:s28], [sflag:$0x7], $0x80, s10, s24, $0xb8;
	[tilespmem:$0x1E820] =	vst v63  }
0x2fe: {  	_ =	swait.ge [sflag:s20], $0x2800  }
0x2ff: {  	[sflag:s20] =	ssyncset.done $0x0  }
0x300: {  	[sflag:s20] =	ssyncadd.s32 $0xFFFFD800  }
0x301: {  	[spmem:s2] =	stream.indirect.scatter.add.f32 [tilespmem:s29], [sflag:$0x8], $0x80, s11, s24, $0xb8;
	[tilespmem:$0x1E820] =	vst v63  }
0x302: {  	_ =	swait.ge [sflag:s30], $0x2800  }
0x303: {  	[sflag:s30] =	ssyncset.done $0x0  }
0x304: {  	[sflag:s30] =	ssyncadd.s32 $0xFFFFD800  }
0x305: {  	[tilespmem:s16], [sflag:$0x1] =	stream.indirect.gather [hbm4b:s5+s24], $0x80, s12, s24, $0xb8;
	[tilespmem:$0x1E820] =	vst v63  }
0x306: {  	_ =	swait.ge [sflag:s31], $0x2800  }
0x307: {  	[sflag:s31] =	ssyncset.done $0x0  }
0x308: {  	[sflag:s31] =	ssyncadd.s32 $0xFFFFD800  }
0x309: {  	_ =	swait.ge [sflag:s1], $0x2800  }
0x30a: {  	[sflag:s1] =	ssyncset.done $0x0  }
0x30b: {  	[sflag:s1] =	ssyncadd.s32 $0xFFFFD800  }
0x30c: {  	_ =	swait.ge [sflag:s0], $0x2800  }
0x30d: {  	[sflag:s0] =	ssyncset.done $0x0  }
0x30e: {  	[sflag:s0] =	ssyncadd.s32 $0xFFFFD800  }
0x30f: {  	_ =	swait.ge [sflag:s17], $0x2800  }
0x310: {  	[sflag:s17] =	ssyncset.done $0x0  }
0x311: {  	[sflag:s17] =	ssyncadd.s32 $0xFFFFD800  }
0x312: {  	[spmem:s2] =	stream.indirect.scatter.add.f32 [tilespmem:s16], [sflag:$0x9], $0x80, s13, s24, $0xb8;
	[tilespmem:$0x1E820] =	vst v63  }
0x313: {  	_ =	swait.ge [sflag:s22], $0x2800  }
0x314: {  	[sflag:s22] =	ssyncset.done $0x0  }
0x315: {  	[sflag:s22] =	ssyncadd.s32 $0xFFFFD800  }
0x316: {  	[bflag:$0x0] =	sbarrier.arrive $0xFFFF  }
0x317: {  	s15 =	sld [smem:$0x7E6]  }
0x318: {  	s14 =	stileid.u32;
	s25 =	sld [smem:$0x7FD]  }
0x319: {  	s8 =	sshll.u32 s14, $0x6  }
0x31a: {  	s8 =	sor.u32 $0x1C09, s8  }
0x31b: {  	[hbm:s15], [sflag:s8] =	dma.local [spmem:s25], $0x2710  }
0x31c: {  	_ =	swait.ge [sflag:s22], $0x2710  }
0x31d: {  	s15 =	sld [smem:$0x7E5]  }
0x31e: {  	s25 =	sld [smem:$0x7E7];
	_ =	sdelay $0x1  }
0x31f: {  	s14 =	sadd.s32 $0x1, s15  }
0x320: {  	p1 =	sne.s32 s14, s25  }
.Ltmp2:
0x321: {  	_ = 	snop;
	(pc) =	sbr.rel @p1 .LBB2_1-.Ltmp2, $3  }
0x322: {  	_ =	sdelay $0x1  }
0x323: {  	[sflag:s22] =	ssyncset.done $0x0  }
0x324: {  	[sflag:s22] =	ssyncadd.s32 $0xFFFFD8F0  }
0x325: {  	_ =	sfence.sel $0x180000  }
0x326: {  	[bflag:$0x0] =	sbarrier.arrive $0xFFFF  }
0x327: {  	_ =	strace $0x9000004A  }
0x328: {  	s0 =	stileid.u32;
	[bflag:$0x2] =	sbarrier.arrive $0xFFFF  }
0x329: {  	p0 =	sne.s32 s0, $0x0;
	s0 =	rddreg [dreg:$0x2]  }
0x32a: {  	s0 =	sadd.s32 @!p0 $0x100000, s0  }
0x32b: {  	[sflag:s0] =	ssyncadd.tile.s32 @!p0 $0x1;
	_ =	shalt  }
.Lfunc_end2:
_tile_overlayer_lowered:
.L_overlay_start_2:
0x32c: {  	(tag) =	ssettag $0x2  }
0x32d: {  	s0 =	rddreg [dreg:$0x0];
	s2 =	stileid.u32  }
0x32e: {  	s1 =	rddreg [dreg:$0x1];
	p0 =	sne.s32 s2, $0x0  }
0x32f: {  	s3 =	rddreg [dreg:$0x2];
	[bflag:$0x3] =	sbarrier.arrive $0xFFFF;
	s2 =	simm.s32 @!p0 $0x1C09  }
0x330: {  	[timem:s3], [sflag:s2] =	dma.local @!p0 [hbm:s0], s1  }
0x331: {  	s0 =	simm.s32 @!p0 $0x9  }
0x332: {  	_ =	swait.ge @!p0 [sflag:s0], s1  }
0x333: {  	s1 =	ssub.s32 @!p0 $0x0, s1;
	[sflag:s0] =	ssyncset.done @!p0 $0x0  }
0x334: {  	[sflag:s0] =	ssyncadd.s32 @!p0 s1  }
0x335: {  	[bflag:$0x3] =	sbarrier.arrive $0xFFFF  }
0x336: {  	_ =	shalt  }

// kernel: kernel.7.cloned.1.call-start
scs
__scs_entry_jumppad:
0x0: {  	(pc) =	sbr.rel $0x88, $3  }
0x1: {  	(tag) =	ssettag $0x0;
	lr =	simm.s32 $0x1  }
0x2: {  	[smem:$0x3F90] =	sst lr;
	_ =	strace $0xD0000000  }
0x3: {  	_ = 	snop  }
0x4: {  	_ = 	snop  }
0x5: {  	_ = 	snop  }
0x6: {  	_ = 	snop  }
0x7: {  	_ = 	snop  }
__scs_overlays_trampoline_lowered:
0x8: {  	[smem:$0x3F9F] =	sst s0  }
0x9: {  	[smem:$0x3FA0] =	sst s1  }
0xa: {  	[smem:$0x3FA1] =	sst s2  }
0xb: {  	[smem:$0x3FA2] =	sst s3  }
0xc: {  	[smem:$0x3FA3] =	sst s4  }
0xd: {  	[smem:$0x3FA4] =	sst s5  }
0xe: {  	[smem:$0x3FA5] =	sst s6  }
0xf: {  	[smem:$0x3FA6] =	sst s7  }
0x10: {  	[smem:$0x3FA7] =	sst s8  }
0x11: {  	[smem:$0x3FA8] =	sst s9;
	s0 =	simm.s32 @!p0 $0x0  }
0x12: {  	s1 =	sld [smem:$0x3F8E];
	s0 =	simm.s32 @p0 $0x1  }
0x13: {  	[smem:$0x3FA9] =	sst s0;
	s0 =	simm.s32 @!p1 $0x0  }
0x14: {  	s2 =	sld [smem:$0x3F8D];
	s0 =	simm.s32 @p1 $0x1  }
0x15: {  	[smem:$0x3FAA] =	sst s0;
	s0 =	simm.s32 @!p2 $0x0  }
0x16: {  	s3 =	sld [smem:$0x3FDB];
	s0 =	simm.s32 @p2 $0x1  }
0x17: {  	s4 =	simm.s32 $0x1BF5;
	[smem:$0x3FAC] =	sst s0  }
0x18: {  	s0 =	sld [smem:$0x3F8F];
	_ =	swait.ge [sflag:s4], $0x0  }
0x19: {  	s7 =	sld [smem:$0x3F90]  }
0x1a: {  	s8 =	sadd.s32 $0xFFFFE003, lr  }
0x1b: {  	s9 =	sadd.s32 $0xFFFFFEF7, lr;
	s5 =	simm.s32 $0xFFFFFFFF;
	p2 =	slt.u32 s8, $0xFFFFF086  }
0x1c: {  	p1 =	slt.u32 s9, $0xF7A;
	s5 =	simm.s32 @!p2 $0x0  }
0x1d: {  	s5 =	simm.s32 @p1 $0x1;
	p0 =	seq.s32 s7, s2  }
0x1e: {  	s7 =	smul.u32 @!p0 $0xF7A, s2;
	p2 =	seq.s32 @!p0 s5, $0x0  }
0x1f: {  	s9 =	smul.u32 $0xF7A, s1;
	s8 =	simm.s32 @!p0 $0x1BF5;
	p2 =	por !p2, p0  }
0x20: {  	[sflag:s8] =	ssyncset.s32 @!p0 $0xFFFFF086;
	s6 =	sadd.s32 @!p0 s3, s7;
	s7 =	simm.s32 @!p0 $0x108  }
0x21: {  	s3 =	sadd.s32 s3, s9;
	s6 =	sadd.s32 @!p0 $0x88, s6;
	s7 =	simm.s32 @p2 $0x1082  }
0x22: {  	[simem:s7], [sflag:s8] =	dma.local @!p0 [hbm:s6], $0xF7A  }
0x23: {  	s9 =	sor.u32 $0xD0000000, s2;
	s6 =	simm.s32 $0x108;
	_ =	swait.ge @!p0 [sflag:s8], $0x0  }
0x24: {  	s3 =	sadd.s32 $0x88, s3;
	s6 =	simm.s32 @!p1 $0x1082;
	[sflag:s4] =	ssyncset.s32 $0xFFFFF086  }
0x25: {  	[simem:s6], [sflag:s4] =	dma.local [hbm:s3], $0xF7A  }
0x26: {  	[smem:$0x3F90] =	sst s1;
	(tag) =	ssettag s2;
	_ =	strace s9  }
0x27: {  	s1 =	sld [smem:$0x3FA0]  }
0x28: {  	s2 =	sld [smem:$0x3FA1]  }
0x29: {  	s4 =	sld [smem:$0x3FA3]  }
0x2a: {  	p0 =	seq.s32 s5, $0x0;
	s5 =	sld [smem:$0x3FA4]  }
0x2b: {  	s6 =	sld [smem:$0x3FA5]  }
0x2c: {  	s7 =	sld [smem:$0x3FA6]  }
0x2d: {  	s3 =	simm.s32 $0x108;
	s8 =	sld [smem:$0x3FA7]  }
0x2e: {  	s3 =	simm.s32 @!p0 $0x1082;
	s9 =	sld [smem:$0x3FA8]  }
0x2f: {  	lr =	sadd.s32 s0, s3;
	s0 =	sld [smem:$0x3F9F]  }
0x30: {  	s3 =	sld [smem:$0x3FA2]  }
0x31: {  	[smem:$0x3FAB] =	sst s10  }
0x32: {  	s10 =	sld [smem:$0x3FA9];
	_ =	sdelay $0x3  }
0x33: {  	p0 =	seq.s32 s10, $0x1;
	s10 =	sld [smem:$0x3FAB];
	_ =	sdelay $0x3  }
0x34: {  	[smem:$0x3FAB] =	sst s10  }
0x35: {  	s10 =	sld [smem:$0x3FAA];
	_ =	sdelay $0x3  }
0x36: {  	p1 =	seq.s32 s10, $0x1;
	s10 =	sld [smem:$0x3FAB];
	_ =	sdelay $0x3  }
0x37: {  	[smem:$0x3FAB] =	sst s10  }
0x38: {  	s10 =	sld [smem:$0x3FAC]  }
0x39: {  	_ = 	snop;
	(pc) =	sbr.ind lr, $3  }
0x3a: {  	_ = 	snop  }
0x3b: {  	_ = 	snop  }
0x3c: {  	p2 =	seq.s32 s10, $0x1;
	s10 =	sld [smem:$0x3FAB]  }
0x3d: {  	_ =	shalt  }
0x3e: {  	_ =	shalt  }
0x3f: {  	_ =	shalt  }
0x40: {  	_ =	shalt  }
0x41: {  	_ =	shalt  }
0x42: {  	_ =	shalt  }
0x43: {  	_ =	shalt  }
0x44: {  	_ =	shalt  }
0x45: {  	_ =	shalt  }
0x46: {  	_ =	shalt  }
0x47: {  	_ =	shalt  }
0x48: {  	_ =	shalt  }
0x49: {  	_ =	shalt  }
0x4a: {  	_ =	shalt  }
0x4b: {  	_ =	shalt  }
0x4c: {  	_ =	shalt  }
0x4d: {  	_ =	shalt  }
0x4e: {  	_ =	shalt  }
0x4f: {  	_ =	shalt  }
0x50: {  	_ =	shalt  }
0x51: {  	_ =	shalt  }
0x52: {  	_ =	shalt  }
0x53: {  	_ =	shalt  }
0x54: {  	_ =	shalt  }
0x55: {  	_ =	shalt  }
0x56: {  	_ =	shalt  }
0x57: {  	_ =	shalt  }
0x58: {  	_ =	shalt  }
0x59: {  	_ =	shalt  }
0x5a: {  	_ =	shalt  }
0x5b: {  	_ =	shalt  }
0x5c: {  	_ =	shalt  }
0x5d: {  	_ =	shalt  }
0x5e: {  	_ =	shalt  }
0x5f: {  	_ =	shalt  }
0x60: {  	_ =	shalt  }
0x61: {  	_ =	shalt  }
0x62: {  	_ =	shalt  }
0x63: {  	_ =	shalt  }
0x64: {  	_ =	shalt  }
0x65: {  	_ =	shalt  }
0x66: {  	_ =	shalt  }
0x67: {  	_ =	shalt  }
0x68: {  	_ =	shalt  }
0x69: {  	_ =	shalt  }
0x6a: {  	_ =	shalt  }
0x6b: {  	_ =	shalt  }
0x6c: {  	_ =	shalt  }
0x6d: {  	_ =	shalt  }
0x6e: {  	_ =	shalt  }
0x6f: {  	_ =	shalt  }
0x70: {  	_ =	shalt  }
0x71: {  	_ =	shalt  }
0x72: {  	_ =	shalt  }
0x73: {  	_ =	shalt  }
0x74: {  	_ =	shalt  }
0x75: {  	_ =	shalt  }
0x76: {  	_ =	shalt  }
0x77: {  	_ =	shalt  }
0x78: {  	_ =	shalt  }
0x79: {  	_ =	shalt  }
0x7a: {  	_ =	shalt  }
0x7b: {  	_ =	shalt  }
0x7c: {  	_ =	shalt  }
0x7d: {  	_ =	shalt  }
0x7e: {  	_ =	shalt  }
0x7f: {  	_ =	shalt  }
0x80: {  	_ =	shalt  }
0x81: {  	_ =	shalt  }
0x82: {  	_ =	shalt  }
0x83: {  	_ =	shalt  }
0x84: {  	_ =	shalt  }
0x85: {  	_ =	shalt  }
0x86: {  	_ =	shalt  }
0x87: {  	_ =	shalt  }
.Lfunc_end0:
.L_simem_size_0:
called_computation_lowered:
.L_overlay_start_0:
0x88: {  	s2 =	sld [smem:$0x3FD9]  }
0x89: {  	s3 =	sld [smem:$0x3FFE];
	_ =	sdelay $0x1  }
0x8a: {  	s1 =	srdreg.scid  }
0x8b: {  	s0 =	sand.u32 $0x1, s1  }
0x8c: {  	s16 =	sshll.u32 s0, $0xA;
	s2 =	sadd.s32 s3, s2  }
0x8d: {  	s2 =	sadd.s32 s2, s16  }
0x8e: {  	[smem:$0x3FB7] =	sst s2  }
0x8f: {  	_ = 	snop  }
0x90: {  	(tm) =	ssettm $0x1  }
0x91: {  	s17 =	sld [smem:$0x3FFB];
	_ =	sdelay $0x3  }
0x92: {  	_ =	strace s17  }
0x93: {  	s2 =	sld [smem:$0x3FFC];
	_ =	sdelay $0x3  }
0x94: {  	_ =	strace s2  }
0x95: {  	s2 =	sld [smem:$0x3FFD];
	_ =	sdelay $0x3  }
0x96: {  	_ =	strace s2  }
0x97: {  	_ =	strace $0x8FFFFFFF  }
0x98: {  	s18 =	sld [smem:$0x3FDB];
	_ =	sdelay $0x1  }
0x99: {  	s19 =	simm.s32 $_scs_section_size  }
0x9a: {  	s4 =	simm.s32 $_size__tile_overlayer_lowered;
	s5 =	simm.s32 $_tile_overlayer_lowered  }
0x9b: {  	s22 =	simm.s32 $0x1BFF;
	s21 =	sshll.u32 s5, $0x1;
	s2 =	sadd.s32 s19, s18  }
0x9c: {  	s6 =	simm.s32 $0x0;
	s20 =	sshll.u32 s4, $0x1;
	s4 =	sadd.s32 s21, s2  }
0x9d: {  	[timem:s6], [sflag:s22] =	dma.local [hbm:s4], s20  }
0x9e: {  	_ =	swait.ge [sflag:s22], s20  }
0x9f: {  	s3 =	ssub.s32 $0x0, s20;
	[sflag:s22] =	ssyncset.done $0x0  }
0xa0: {  	[sflag:s22] =	ssyncadd.s32 s3;
	_ =	sdelay $0x1  }
0xa1: {  	s23 =	simm.s32 $0x1B8B  }
0xa2: {  	_ =	swait.ge [sflag:s23], $0x1  }
0xa3: {  	[sflag:s23] =	ssyncset.done $0x0  }
0xa4: {  	s25 =	simm.s32 $0x1B8E;
	s24 =	sld [smem:$0x3FFE];
	[sflag:s23] =	ssyncadd.s32 $0xFFFFFFFF  }
0xa5: {  	s26 =	simm.s32 $execute0_lowered;
	[smem:$0x3FD2] =	sst s25  }
0xa6: {  	s4 =	sshll.u32 s26, $0x1;
	_ =	strace $0x80000046;
	[dreg:$0x1] =	wrdreg $0xFFFFFFFF  }
0xa7: {  	s28 =	simm.s32 $_size_execute0_lowered;
	s2 =	sadd.s32 s2, s4;
	[dreg:$0x0] =	wrdreg $0x0  }
0xa8: {  	s4 =	sshll.u32 s28, $0x1;
	[dreg:$0x2] =	wrdreg s2  }
0xa9: {  	[dreg:$0x3] =	wrdreg s4  }
0xaa: {  	[dreg:$0x4] =	wrdreg $0xC0  }
0xab: {  	_ =	task [dreg:s6], $0x5FFFF  }
0xac: {  	[dreg:$0x1] =	wrdreg $0xFFFFFFFF  }
0xad: {  	[dreg:$0x0] =	wrdreg $0x60  }
0xae: {  	[dreg:$0x2] =	wrdreg s24  }
0xaf: {  	[dreg:$0x3] =	wrdreg $0x0  }
0xb0: {  	[dreg:$0x4] =	wrdreg $0x9  }
0xb1: {  	_ =	task.clear_ibuf [dreg:s6], $0x5FFFF;
	_ =	strace $0x90000046  }
0xb2: {  	s29 =	simm.s32 $0x9;
	_ =	strace $0x80000048  }
0xb3: {  	_ =	swait.ge [sflag:s29], $0x1  }
0xb4: {  	[sflag:s29] =	ssyncadd.s32 $0xFFFFFFFF  }
0xb5: {  	_ =	strace $0x90000048  }
0xb6: {  	_ =	sfence  }
0xb7: {  	s30 =	sld [smem:$0x0];
	_ =	sdelay $0x2  }
0xb8: {  	s31 =	sshll.u32 s1, $0xD;
	s1 =	sshrl.u32 s1, $0x2  }
0xb9: {  	s3 =	sand.u32 $0x4000, s31;
	s1 =	sadd.s32 s1, s30  }
0xba: {  	s0 =	sor.u32 s3, s0;
	s1 =	sshll.u32 s1, $0x11  }
0xbb: {  	s0 =	sor.u32 s1, s0  }
0xbc: {  	s0 =	sadd.s32 $0x8F2B, s0  }
0xbd: {  	[sflag:s0] =	ssyncadd.remote.s32 $0x1  }
0xbe: {  	_ =	sfence.sel $0xFFFF  }
0xbf: {  	[dreg:$0x0] =	wrdreg $0xFFFFFFFF;
	(pc) =	sbr.abs _section_cstart, $3  }
0xc0: {  	[dreg:$0x1] =	wrdreg $0xFFFFFFFF  }
0xc1: {  	_ =	task.clear_ibuf [dreg:s6], $0x2FFFF;
	_ =	strace $0x9FFFFFFF  }
0xc2: {  	(tm) =	ssettm $0x7FFFFFFF  }
0xc3: {  	_ =	shalt  }
tec
execute0_lowered:
.L_overlay_start_1:
0x0: {  	(tag) =	ssettag $0x1  }
0x1: {  	s1 =	rddreg [dreg:$0x0]  }
0x2: {  	s2 =	rddreg [dreg:$0x1];
	s3 =	simm.s32 $0x0  }
0x3: {  	s12 =	simm.s32 $0x138D0;
	[smem:$0x7FF] =	sst s3  }
0x4: {  	s13 =	simm.s32 $0x13920;
	_ =	strace $0x80000047;
	[dreg:$0x4] =	wrdreg s12  }
0x5: {  	s14 =	simm.s32 $0x13970;
	[dreg:$0x5] =	wrdreg s13  }
0x6: {  	s15 =	simm.s32 $0x140A0;
	[dreg:$0x6] =	wrdreg s14  }
0x7: {  	s16 =	simm.s32 $0x140F0;
	[dreg:$0x7] =	wrdreg s15  }
0x8: {  	s17 =	simm.s32 $0x14140;
	[dreg:$0x8] =	wrdreg s16  }
0x9: {  	s18 =	simm.s32 $0x139C0;
	[dreg:$0x9] =	wrdreg s17  }
0xa: {  	s19 =	simm.s32 $0x13A10;
	[dreg:$0xa] =	wrdreg s18  }
0xb: {  	s8 =	simm.s32 $0x13A60;
	[dreg:$0xb] =	wrdreg s19  }
0xc: {  	s20 =	simm.s32 $0x13AB0;
	[dreg:$0xc] =	wrdreg s8  }
0xd: {  	s21 =	simm.s32 $0x14190;
	[dreg:$0xd] =	wrdreg s20  }
0xe: {  	s0 =	srdreg.scid;
	s22 =	simm.s32 $0x141E0;
	[dreg:$0xe] =	wrdreg s21  }
0xf: {  	s9 =	stileid.u32;
	s23 =	simm.s32 $0x14230;
	[dreg:$0xf] =	wrdreg s22  }
0x10: {  	s24 =	simm.s32 $0x14280;
	s26 =	simm.s32 $0x13B00;
	[dreg:$0x10] =	wrdreg s23  }
0x11: {  	s10 =	simm.s32 $0x13B50;
	s11 =	simm.s32 $0x13BA0;
	[dreg:$0x11] =	wrdreg s24  }
0x12: {  	s28 =	simm.s32 $0x19820;
	s29 =	simm.s32 $0x1C020;
	[dreg:$0x12] =	wrdreg s26  }
0x13: {  	s30 =	simm.s32 $0x5;
	s31 =	simm.s32 $0x6;
	[dreg:$0x13] =	wrdreg s10  }
0x14: {  	s0 =	sand.u32 $0x1, s0;
	[dreg:$0x14] =	wrdreg s11;
	s12 =	simm.s32 $0x13BF0  }
0x15: {  	s5 =	smul.u32 $0x4E2, s9;
	s14 =	simm.s32 $0x142D0;
	[dreg:$0x15] =	wrdreg s12  }
0x16: {  	s7 =	smul.u32 $0x13880, s9;
	s16 =	simm.s32 $0x14320;
	[dreg:$0x16] =	wrdreg s14  }
0x17: {  	s4 =	smul.u32 $0x4E20, s0;
	s17 =	simm.s32 $0x14370;
	[dreg:$0x17] =	wrdreg s16  }
0x18: {  	s6 =	smul.u32 $0x138800, s0;
	s19 =	simm.s32 $0x143C0;
	[dreg:$0x18] =	wrdreg s17  }
0x19: {  	s0 =	ssub.s32 $0x2, s0;
	s20 =	simm.s32 $0x13C40;
	[dreg:$0x19] =	wrdreg s19  }
0x1a: {  	s13 =	smul.u32 $0xA000, s9;
	s22 =	simm.s32 $0x13C90;
	[dreg:$0x1a] =	wrdreg s20  }
0x1b: {  	s24 =	simm.s32 $0x13CE0;
	s26 =	simm.s32 $0x13D30;
	[dreg:$0x1b] =	wrdreg s22  }
0x1c: {  	s10 =	simm.s32 $0x14410;
	s11 =	sor.u32 $0x70, s9;
	[dreg:$0x1c] =	wrdreg s24  }
0x1d: {  	s9 =	simm.s32 $0x146E0;
	s25 =	sshrl.u32 s0, $0x1;
	[dreg:$0x1d] =	wrdreg s26  }
0x1e: {  	[dreg:$0x1e] =	wrdreg s10;
	s12 =	simm.s32 $0x14460;
	s14 =	simm.s32 $0x144B0  }
0x1f: {  	s16 =	simm.s32 $0x13D80;
	s17 =	simm.s32 $0x13DD0;
	[dreg:$0x1f] =	wrdreg s12  }
0x20: {  	p0 =	sgt.u32 s11, $0x7C;
	s19 =	simm.s32 $0x13E70;
	[smem:$0x7EF] =	sst s14  }
0x21: {  	s20 =	simm.s32 $0x14550;
	s22 =	simm.s32 $0x145F0;
	[smem:$0x7F2] =	sst s16  }
0x22: {  	s24 =	simm.s32 $0x13EC0;
	s26 =	simm.s32 $0x13F60;
	[smem:$0x7F3] =	sst s17  }
0x23: {  	s10 =	simm.s32 $0x14730;
	s4 =	sadd.s32 s4, s1;
	[smem:$0x7F5] =	sst s19  }
0x24: {  	s6 =	sadd.s32 s7, s6;
	s8 =	ssub.s32 s0, s25;
	[smem:$0x7F6] =	sst s20  }
0x25: {  	s0 =	sadd.s32 s7, s2;
	s16 =	simm.s32 $0x14820;
	[smem:$0x7F8] =	sst s22  }
0x26: {  	s17 =	simm.s32 $0x1;
	s19 =	simm.s32 $0x3;
	[smem:$0x7FA] =	sst s24  }
0x27: {  	s20 =	simm.s32 $0x4;
	s22 =	simm.s32 $0x9;
	[smem:$0x7FC] =	sst s26  }
0x28: {  	s24 =	simm.s32 $0x50;
	s4 =	sadd.s32 s5, s4;
	s15 =	smax.u32 s8, $0x1  }
0x29: {  	s6 =	sshrl.u32 s6, $0x3;
	s0 =	sshrl.u32 s0, $0x3;
	[smem:$0x7E7] =	sst s15  }
0x2a: {  	s5 =	sadd.s32 $0x9E00, s4;
	s15 =	simm.s32 $0x14500;
	[smem:$0x7FD] =	sst s0  }
0x2b: {  	[dreg:$0x3] =	wrdreg s5;
	s5 =	sadd.s32 $0x3AE00, s1;
	s1 =	sadd.s32 s6, s1  }
0x2c: {  	s6 =	sshrl.u32 s13, $0x2;
	[smem:$0x7F0] =	sst s15;
	s1 =	sadd.s32 $0x62000, s1  }
0x2d: {  	s26 =	simm.s32 $0x17020;
	s18 =	sadd.s32 s6, s2;
	[smem:$0x7E6] =	sst s1  }
0x2e: {  	s12 =	simm.s32 $0x14000;
	s6 =	sadd.s32 $0x28000, s18;
	[smem:$0x7ED] =	sst s18  }
0x2f: {  	s14 =	simm.s32 $0x0;
	s21 =	sadd.s32 $0x50000, s18;
	[smem:$0x7E8] =	sst s6  }
0x30: {  	s0 =	simm.s32 $0x8;
	s23 =	sadd.s32 $0x78000, s18;
	[smem:$0x7E9] =	sst s21  }
0x31: {  	s13 =	smul.u32 $0xA000, s11;
	s25 =	sadd.s32 $0xA0000, s18;
	[smem:$0x7EA] =	sst s23  }
0x32: {  	s11 =	simm.s32 $0x14780;
	s7 =	sadd.s32 $0xC8000, s18;
	[smem:$0x7EB] =	sst s25  }
0x33: {  	s8 =	sadd.s32 $0xF0000, s18;
	s18 =	simm.s32 $0x13E20;
	[smem:$0x7EC] =	sst s7  }
0x34: {  	s1 =	simm.s32 $0x7;
	[smem:$0x7EE] =	sst s8;
	s7 =	sshrl.u32 s13, $0x2  }
0x35: {  	[smem:$0x7F4] =	sst s18;
	s18 =	simm.s32 $0x2;
	s21 =	simm.s32 $0x145A0  }
0x36: {  	s23 =	simm.s32 $0x14640;
	s25 =	simm.s32 $0x13F10;
	[smem:$0x7F7] =	sst s21  }
0x37: {  	s6 =	simm.s32 $0x13FB0;
	s13 =	simm.s32 $0x147D0;
	[smem:$0x7F9] =	sst s23  }
0x38: {  	s7 =	sadd.s32 s7, s2;
	s21 =	simm.s32 $0x13880;
	[smem:$0x7FB] =	sst s25  }
0x39: {  	v0 =	vimm.f32 $0.0e+00;
	s23 =	simm.s32 $0x14050;
	[smem:$0x7F1] =	sst s7;
	s7 =	simm.s32 $0x14690  }
.LBB2_1:
0x3a: {  	[smem:$0x7E5] =	sst s14;
	s15 =	simm.s32 $0x70;
	s25 =	simm.s32 $0x3C0  }
.LBB2_2:
0x3b: {  	p1 =	sne.s32 s25, $0x9FC0;
	[tilespmem:s15+$0x14820] =	vst v0  }
0x3c: {  	[tilespmem:s15+$0x147B0] =	vst v0  }
0x3d: {  	[tilespmem:s15+$0x147C0] =	vst v0  }
.Ltmp0:
0x3e: {  	[tilespmem:s15+$0x147D0] =	vst v0;
	(pc) =	sbr.rel @p1 .LBB2_2-.Ltmp0, $4  }
0x3f: {  	[tilespmem:s15+$0x147E0] =	vst v0  }
0x40: {  	[tilespmem:s15+$0x147F0] =	vst v0  }
0x41: {  	[tilespmem:s15+$0x14800] =	vst v0  }
0x42: {  	[tilespmem:s15+$0x14810] =	vst v0;
	s15 =	sshra.s32 s25, $0x2;
	s25 =	sadd.s32 $0x200, s25  }
0x43: {  	[tilespmem:s15+$0x14820] =	vst v0  }
0x44: {  	[tilespmem:s15+$0x147B0] =	vst v0  }
0x45: {  	[tilespmem:s15+$0x147C0] =	vst v0  }
0x46: {  	[tilespmem:s15+$0x147D0] =	vst v0  }
0x47: {  	[tilespmem:s15+$0x147E0] =	vst v0  }
0x48: {  	[tilespmem:s15+$0x147F0] =	vst v0;
	s8 =	sld [smem:$0x7ED]  }
0x49: {  	[tilespmem:s15+$0x14800] =	vst v0  }
0x4a: {  	[tilespmem:s15+$0x14810] =	vst v0;
	s25 =	sld [smem:$0x7E8]  }
0x4b: {  	[spmem:s8] =	stream.linear.scatter [tilespmem:s16], [sflag:$0x1], $0x2800, $0x38;
	[tilespmem:$0x1E820] =	vst v63  }
0x4c: {  	s14 =	sld [smem:$0x7E9]  }
0x4d: {  	[spmem:s25] =	stream.linear.scatter [tilespmem:s16], [sflag:$0x2], $0x2800, $0x38;
	[tilespmem:$0x1E820] =	vst v63  }
0x4e: {  	s15 =	sld [smem:$0x7EA]  }
0x4f: {  	[spmem:s14] =	stream.linear.scatter [tilespmem:s16], [sflag:$0x3], $0x2800, $0x38;
	[tilespmem:$0x1E820] =	vst v63  }
0x50: {  	_ = 	snop  }
0x51: {  	[spmem:s15] =	stream.linear.scatter [tilespmem:s16], [sflag:$0x4], $0x2800, $0x38;
	[tilespmem:$0x1E820] =	vst v63  }
0x52: {  	_ =	swait.ge [sflag:s17], $0x2800  }
0x53: {  	[sflag:s17] =	ssyncset.done $0x0  }
0x54: {  	[sflag:s17] =	ssyncadd.s32 $0xFFFFD800  }
0x55: {  	_ =	swait.ge [sflag:s18], $0x2800  }
0x56: {  	[sflag:s18] =	ssyncset.done $0x0  }
0x57: {  	[sflag:s18] =	ssyncadd.s32 $0xFFFFD800  }
0x58: {  	_ =	swait.ge [sflag:s19], $0x2800  }
0x59: {  	[sflag:s19] =	ssyncset.done $0x0  }
0x5a: {  	[sflag:s19] =	ssyncadd.s32 $0xFFFFD800  }
0x5b: {  	_ =	swait.ge [sflag:s20], $0x2800  }
0x5c: {  	s25 =	sld [smem:$0x7EB]  }
0x5d: {  	[sflag:s20] =	ssyncset.done $0x0  }
0x5e: {  	s14 =	sld [smem:$0x7EC];
	[sflag:s20] =	ssyncadd.s32 $0xFFFFD800  }
0x5f: {  	[spmem:s25] =	stream.linear.scatter [tilespmem:s16], [sflag:$0x1], $0x2800, $0x38;
	[tilespmem:$0x1E820] =	vst v63  }
0x60: {  	s15 =	sld [smem:$0x7EE]  }
0x61: {  	[spmem:s14] =	stream.linear.scatter [tilespmem:s16], [sflag:$0x2], $0x2800, $0x38;
	[tilespmem:$0x1E820] =	vst v63  }
0x62: {  	s14 =	sld [smem:$0x7F1]  }
0x63: {  	[spmem:s15] =	stream.linear.scatter [tilespmem:s16], [sflag:$0x3], $0x2800, $0x38;
	[tilespmem:$0x1E820] =	vst v63  }
0x64: {  	s8 =	simm.s32 @!p0 $0x14820  }
0x65: {  	[spmem:s14] =	stream.linear.scatter @!p0 [tilespmem:s8], [sflag:$0x4], $0x2800, $0x38;
	[tilespmem:$0x1E820] =	vst v63  }
0x66: {  	s8 =	simm.s32 @!p0 $0x1  }
0x67: {  	_ =	swait.ge @!p0 [sflag:s8], $0x2800  }
0x68: {  	s15 =	simm.s32 @!p0 $0x2;
	[sflag:s8] =	ssyncset.done @!p0 $0x0  }
0x69: {  	s15 =	simm.s32 @p0 $0x1;
	[sflag:s8] =	ssyncadd.s32 @!p0 $0xFFFFD800  }
0x6a: {  	_ =	swait.ge [sflag:s15], $0x2800  }
0x6b: {  	s8 =	simm.s32 @!p0 $0x3;
	[sflag:s15] =	ssyncset.done $0x0  }
0x6c: {  	s8 =	simm.s32 @p0 $0x2;
	[sflag:s15] =	ssyncadd.s32 $0xFFFFD800  }
0x6d: {  	_ =	swait.ge [sflag:s8], $0x2800  }
0x6e: {  	s15 =	simm.s32 @!p0 $0x4;
	[sflag:s8] =	ssyncset.done $0x0  }
0x6f: {  	s15 =	simm.s32 @p0 $0x3;
	[sflag:s8] =	ssyncadd.s32 $0xFFFFD800  }
0x70: {  	_ =	swait.ge [sflag:s15], $0x2800  }
0x71: {  	[sflag:s15] =	ssyncset.done $0x0  }
0x72: {  	[sflag:s15] =	ssyncadd.s32 $0xFFFFD800  }
0x73: {  	[bflag:$0x0] =	sbarrier.arrive $0xFFFF  }
0x74: {  	s25 =	rddreg [dreg:$0x3]  }
0x75: {  	s8 =	sadd.s32 $0x0, s25  }
0x76: {  	[tilespmem:s21], [sflag:$0x9] =	stream.linear.gather [hbm4b:s8+s3], $0x7D0, $0x38;
	[tilespmem:$0x1E820] =	vst v63  }
0x77: {  	_ =	swait.ge [sflag:s22], $0x7D0  }
0x78: {  	[sflag:s22] =	ssyncset.done $0x0  }
0x79: {  	s14 =	sadd.s32 $0x0, s4;
	[sflag:s22] =	ssyncadd.s32 $0xFFFFF830  }
0x7a: {  	[tilespmem:s23], [sflag:$0x9] =	stream.linear.gather [hbm4b:s14+s3], $0x7D0, $0x38;
	[tilespmem:$0x1E820] =	vst v63  }
0x7b: {  	_ =	swait.ge [sflag:s22], $0x7D0  }
0x7c: {  	[sflag:s22] =	ssyncset.done $0x0  }
0x7d: {  	[sflag:s22] =	ssyncadd.s32 $0xFFFFF830  }
0x7e: {  	[tilespmem:s16], [sflag:$0x1] =	stream.indirect.gather [hbm4b:s5+s24], $0x80, s21, s24, $0xb8;
	[tilespmem:$0x1E820] =	vst v63  }
0x7f: {  	s15 =	rddreg [dreg:$0x4]  }
0x80: {  	[tilespmem:s26], [sflag:$0x2] =	stream.indirect.gather [hbm4b:s5+s24], $0x80, s15, s24, $0xb8;
	[tilespmem:$0x1E820] =	vst v63  }
0x81: {  	s25 =	rddreg [dreg:$0x5]  }
0x82: {  	[tilespmem:s28], [sflag:$0x3] =	stream.indirect.gather [hbm4b:s5+s24], $0x80, s25, s24, $0xb8;
	[tilespmem:$0x1E820] =	vst v63  }
0x83: {  	s14 =	rddreg [dreg:$0x6]  }
0x84: {  	[tilespmem:s29], [sflag:$0x4] =	stream.indirect.gather [hbm4b:s5+s24], $0x80, s14, s24, $0xb8;
	[tilespmem:$0x1E820] =	vst v63  }
0x85: {  	_ =	swait.ge [sflag:s17], $0x2800  }
0x86: {  	[sflag:s17] =	ssyncset.done $0x0  }
0x87: {  	[sflag:s17] =	ssyncadd.s32 $0xFFFFD800  }
0x88: {  	[spmem:s2] =	stream.indirect.scatter.add.f32 [tilespmem:s16], [sflag:$0x5], $0x80, s23, s24, $0xb8;
	[tilespmem:$0x1E820] =	vst v63  }
0x89: {  	_ =	swait.ge [sflag:s18], $0x2800  }
0x8a: {  	[sflag:s18] =	ssyncset.done $0x0  }
0x8b: {  	s15 =	rddreg [dreg:$0x7];
	[sflag:s18] =	ssyncadd.s32 $0xFFFFD800  }
0x8c: {  	[spmem:s2] =	stream.indirect.scatter.add.f32 [tilespmem:s26], [sflag:$0x6], $0x80, s15, s24, $0xb8;
	[tilespmem:$0x1E820] =	vst v63  }
0x8d: {  	_ =	swait.ge [sflag:s19], $0x2800  }
0x8e: {  	[sflag:s19] =	ssyncset.done $0x0  }
0x8f: {  	s25 =	rddreg [dreg:$0x8];
	[sflag:s19] =	ssyncadd.s32 $0xFFFFD800  }
0x90: {  	[spmem:s2] =	stream.indirect.scatter.add.f32 [tilespmem:s28], [sflag:$0x7], $0x80, s25, s24, $0xb8;
	[tilespmem:$0x1E820] =	vst v63  }
0x91: {  	_ =	swait.ge [sflag:s20], $0x2800  }
0x92: {  	[sflag:s20] =	ssyncset.done $0x0  }
0x93: {  	s14 =	rddreg [dreg:$0x9];
	[sflag:s20] =	ssyncadd.s32 $0xFFFFD800  }
0x94: {  	[spmem:s2] =	stream.indirect.scatter.add.f32 [tilespmem:s29], [sflag:$0x8], $0x80, s14, s24, $0xb8;
	[tilespmem:$0x1E820] =	vst v63  }
0x95: {  	_ =	swait.ge [sflag:s30], $0x2800  }
0x96: {  	[sflag:s30] =	ssyncset.done $0x0  }
0x97: {  	s15 =	rddreg [dreg:$0xa];
	[sflag:s30] =	ssyncadd.s32 $0xFFFFD800  }
0x98: {  	[tilespmem:s16], [sflag:$0x1] =	stream.indirect.gather [hbm4b:s5+s24], $0x80, s15, s24, $0xb8;
	[tilespmem:$0x1E820] =	vst v63  }
0x99: {  	_ =	swait.ge [sflag:s31], $0x2800  }
0x9a: {  	[sflag:s31] =	ssyncset.done $0x0  }
0x9b: {  	s25 =	rddreg [dreg:$0xb];
	[sflag:s31] =	ssyncadd.s32 $0xFFFFD800  }
0x9c: {  	[tilespmem:s26], [sflag:$0x2] =	stream.indirect.gather [hbm4b:s5+s24], $0x80, s25, s24, $0xb8;
	[tilespmem:$0x1E820] =	vst v63  }
0x9d: {  	_ =	swait.ge [sflag:s1], $0x2800  }
0x9e: {  	[sflag:s1] =	ssyncset.done $0x0  }
0x9f: {  	s14 =	rddreg [dreg:$0xc];
	[sflag:s1] =	ssyncadd.s32 $0xFFFFD800  }
0xa0: {  	[tilespmem:s28], [sflag:$0x3] =	stream.indirect.gather [hbm4b:s5+s24], $0x80, s14, s24, $0xb8;
	[tilespmem:$0x1E820] =	vst v63  }
0xa1: {  	_ =	swait.ge [sflag:s0], $0x2800  }
0xa2: {  	[sflag:s0] =	ssyncset.done $0x0  }
0xa3: {  	s15 =	rddreg [dreg:$0xd];
	[sflag:s0] =	ssyncadd.s32 $0xFFFFD800  }
0xa4: {  	[tilespmem:s29], [sflag:$0x4] =	stream.indirect.gather [hbm4b:s5+s24], $0x80, s15, s24, $0xb8;
	[tilespmem:$0x1E820] =	vst v63  }
0xa5: {  	_ =	swait.ge [sflag:s17], $0x2800  }
0xa6: {  	[sflag:s17] =	ssyncset.done $0x0  }
0xa7: {  	s25 =	rddreg [dreg:$0xe];
	[sflag:s17] =	ssyncadd.s32 $0xFFFFD800  }
0xa8: {  	[spmem:s2] =	stream.indirect.scatter.add.f32 [tilespmem:s16], [sflag:$0x5], $0x80, s25, s24, $0xb8;
	[tilespmem:$0x1E820] =	vst v63  }
0xa9: {  	_ =	swait.ge [sflag:s18], $0x2800  }
0xaa: {  	[sflag:s18] =	ssyncset.done $0x0  }
0xab: {  	s14 =	rddreg [dreg:$0xf];
	[sflag:s18] =	ssyncadd.s32 $0xFFFFD800  }
0xac: {  	[spmem:s2] =	stream.indirect.scatter.add.f32 [tilespmem:s26], [sflag:$0x6], $0x80, s14, s24, $0xb8;
	[tilespmem:$0x1E820] =	vst v63  }
0xad: {  	_ =	swait.ge [sflag:s19], $0x2800  }
0xae: {  	[sflag:s19] =	ssyncset.done $0x0  }
0xaf: {  	s15 =	rddreg [dreg:$0x10];
	[sflag:s19] =	ssyncadd.s32 $0xFFFFD800  }
0xb0: {  	[spmem:s2] =	stream.indirect.scatter.add.f32 [tilespmem:s28], [sflag:$0x7], $0x80, s15, s24, $0xb8;
	[tilespmem:$0x1E820] =	vst v63  }
0xb1: {  	_ =	swait.ge [sflag:s20], $0x2800  }
0xb2: {  	[sflag:s20] =	ssyncset.done $0x0  }
0xb3: {  	s25 =	rddreg [dreg:$0x11];
	[sflag:s20] =	ssyncadd.s32 $0xFFFFD800  }
0xb4: {  	[spmem:s2] =	stream.indirect.scatter.add.f32 [tilespmem:s29], [sflag:$0x8], $0x80, s25, s24, $0xb8;
	[tilespmem:$0x1E820] =	vst v63  }
0xb5: {  	_ =	swait.ge [sflag:s30], $0x2800  }
0xb6: {  	[sflag:s30] =	ssyncset.done $0x0  }
0xb7: {  	s14 =	rddreg [dreg:$0x12];
	[sflag:s30] =	ssyncadd.s32 $0xFFFFD800  }
0xb8: {  	[tilespmem:s16], [sflag:$0x1] =	stream.indirect.gather [hbm4b:s5+s24], $0x80, s14, s24, $0xb8;
	[tilespmem:$0x1E820] =	vst v63  }
0xb9: {  	_ =	swait.ge [sflag:s31], $0x2800  }
0xba: {  	[sflag:s31] =	ssyncset.done $0x0  }
0xbb: {  	s15 =	rddreg [dreg:$0x13];
	[sflag:s31] =	ssyncadd.s32 $0xFFFFD800  }
0xbc: {  	[tilespmem:s26], [sflag:$0x2] =	stream.indirect.gather [hbm4b:s5+s24], $0x80, s15, s24, $0xb8;
	[tilespmem:$0x1E820] =	vst v63  }
0xbd: {  	_ =	swait.ge [sflag:s1], $0x2800  }
0xbe: {  	[sflag:s1] =	ssyncset.done $0x0  }
0xbf: {  	s25 =	rddreg [dreg:$0x14];
	[sflag:s1] =	ssyncadd.s32 $0xFFFFD800  }
0xc0: {  	[tilespmem:s28], [sflag:$0x3] =	stream.indirect.gather [hbm4b:s5+s24], $0x80, s25, s24, $0xb8;
	[tilespmem:$0x1E820] =	vst v63  }
0xc1: {  	_ =	swait.ge [sflag:s0], $0x2800  }
0xc2: {  	[sflag:s0] =	ssyncset.done $0x0  }
0xc3: {  	s14 =	rddreg [dreg:$0x15];
	[sflag:s0] =	ssyncadd.s32 $0xFFFFD800  }
0xc4: {  	[tilespmem:s29], [sflag:$0x4] =	stream.indirect.gather [hbm4b:s5+s24], $0x80, s14, s24, $0xb8;
	[tilespmem:$0x1E820] =	vst v63  }
0xc5: {  	_ =	swait.ge [sflag:s17], $0x2800  }
0xc6: {  	[sflag:s17] =	ssyncset.done $0x0  }
0xc7: {  	s15 =	rddreg [dreg:$0x16];
	[sflag:s17] =	ssyncadd.s32 $0xFFFFD800  }
0xc8: {  	[spmem:s2] =	stream.indirect.scatter.add.f32 [tilespmem:s16], [sflag:$0x5], $0x80, s15, s24, $0xb8;
	[tilespmem:$0x1E820] =	vst v63  }
0xc9: {  	_ =	swait.ge [sflag:s18], $0x2800  }
0xca: {  	[sflag:s18] =	ssyncset.done $0x0  }
0xcb: {  	s25 =	rddreg [dreg:$0x17];
	[sflag:s18] =	ssyncadd.s32 $0xFFFFD800  }
0xcc: {  	[spmem:s2] =	stream.indirect.scatter.add.f32 [tilespmem:s26], [sflag:$0x6], $0x80, s25, s24, $0xb8;
	[tilespmem:$0x1E820] =	vst v63  }
0xcd: {  	_ =	swait.ge [sflag:s19], $0x2800  }
0xce: {  	[sflag:s19] =	ssyncset.done $0x0  }
0xcf: {  	s14 =	rddreg [dreg:$0x18];
	[sflag:s19] =	ssyncadd.s32 $0xFFFFD800  }
0xd0: {  	[spmem:s2] =	stream.indirect.scatter.add.f32 [tilespmem:s28], [sflag:$0x7], $0x80, s14, s24, $0xb8;
	[tilespmem:$0x1E820] =	vst v63  }
0xd1: {  	_ =	swait.ge [sflag:s20], $0x2800  }
0xd2: {  	[sflag:s20] =	ssyncset.done $0x0  }
0xd3: {  	s15 =	rddreg [dreg:$0x19];
	[sflag:s20] =	ssyncadd.s32 $0xFFFFD800  }
0xd4: {  	[spmem:s2] =	stream.indirect.scatter.add.f32 [tilespmem:s29], [sflag:$0x8], $0x80, s15, s24, $0xb8;
	[tilespmem:$0x1E820] =	vst v63  }
0xd5: {  	_ =	swait.ge [sflag:s30], $0x2800  }
0xd6: {  	[sflag:s30] =	ssyncset.done $0x0  }
0xd7: {  	s25 =	rddreg [dreg:$0x1a];
	[sflag:s30] =	ssyncadd.s32 $0xFFFFD800  }
0xd8: {  	[tilespmem:s16], [sflag:$0x1] =	stream.indirect.gather [hbm4b:s5+s24], $0x80, s25, s24, $0xb8;
	[tilespmem:$0x1E820] =	vst v63  }
0xd9: {  	_ =	swait.ge [sflag:s31], $0x2800  }
0xda: {  	[sflag:s31] =	ssyncset.done $0x0  }
0xdb: {  	s14 =	rddreg [dreg:$0x1b];
	[sflag:s31] =	ssyncadd.s32 $0xFFFFD800  }
0xdc: {  	[tilespmem:s26], [sflag:$0x2] =	stream.indirect.gather [hbm4b:s5+s24], $0x80, s14, s24, $0xb8;
	[tilespmem:$0x1E820] =	vst v63  }
0xdd: {  	_ =	swait.ge [sflag:s1], $0x2800  }
0xde: {  	[sflag:s1] =	ssyncset.done $0x0  }
0xdf: {  	s15 =	rddreg [dreg:$0x1c];
	[sflag:s1] =	ssyncadd.s32 $0xFFFFD800  }
0xe0: {  	[tilespmem:s28], [sflag:$0x3] =	stream.indirect.gather [hbm4b:s5+s24], $0x80, s15, s24, $0xb8;
	[tilespmem:$0x1E820] =	vst v63  }
0xe1: {  	_ =	swait.ge [sflag:s0], $0x2800  }
0xe2: {  	[sflag:s0] =	ssyncset.done $0x0  }
0xe3: {  	s25 =	rddreg [dreg:$0x1d];
	[sflag:s0] =	ssyncadd.s32 $0xFFFFD800  }
0xe4: {  	[tilespmem:s29], [sflag:$0x4] =	stream.indirect.gather [hbm4b:s5+s24], $0x80, s25, s24, $0xb8;
	[tilespmem:$0x1E820] =	vst v63  }
0xe5: {  	_ =	swait.ge [sflag:s17], $0x2800  }
0xe6: {  	[sflag:s17] =	ssyncset.done $0x0  }
0xe7: {  	s14 =	rddreg [dreg:$0x1e];
	[sflag:s17] =	ssyncadd.s32 $0xFFFFD800  }
0xe8: {  	[spmem:s2] =	stream.indirect.scatter.add.f32 [tilespmem:s16], [sflag:$0x5], $0x80, s14, s24, $0xb8;
	[tilespmem:$0x1E820] =	vst v63  }
0xe9: {  	_ =	swait.ge [sflag:s18], $0x2800  }
0xea: {  	[sflag:s18] =	ssyncset.done $0x0  }
0xeb: {  	s15 =	rddreg [dreg:$0x1f];
	[sflag:s18] =	ssyncadd.s32 $0xFFFFD800  }
0xec: {  	[spmem:s2] =	stream.indirect.scatter.add.f32 [tilespmem:s26], [sflag:$0x6], $0x80, s15, s24, $0xb8;
	[tilespmem:$0x1E820] =	vst v63  }
0xed: {  	_ =	swait.ge [sflag:s19], $0x2800  }
0xee: {  	s25 =	sld [smem:$0x7EF]  }
0xef: {  	[sflag:s19] =	ssyncset.done $0x0  }
0xf0: {  	[sflag:s19] =	ssyncadd.s32 $0xFFFFD800  }
0xf1: {  	[spmem:s2] =	stream.indirect.scatter.add.f32 [tilespmem:s28], [sflag:$0x7], $0x80, s25, s24, $0xb8;
	[tilespmem:$0x1E820] =	vst v63  }
0xf2: {  	_ =	swait.ge [sflag:s20], $0x2800  }
0xf3: {  	s14 =	sld [smem:$0x7F0]  }
0xf4: {  	[sflag:s20] =	ssyncset.done $0x0  }
0xf5: {  	[sflag:s20] =	ssyncadd.s32 $0xFFFFD800  }
0xf6: {  	[spmem:s2] =	stream.indirect.scatter.add.f32 [tilespmem:s29], [sflag:$0x8], $0x80, s14, s24, $0xb8;
	[tilespmem:$0x1E820] =	vst v63  }
0xf7: {  	_ =	swait.ge [sflag:s30], $0x2800  }
0xf8: {  	s15 =	sld [smem:$0x7F2]  }
0xf9: {  	[sflag:s30] =	ssyncset.done $0x0  }
0xfa: {  	[sflag:s30] =	ssyncadd.s32 $0xFFFFD800  }
0xfb: {  	[tilespmem:s16], [sflag:$0x1] =	stream.indirect.gather [hbm4b:s5+s24], $0x80, s15, s24, $0xb8;
	[tilespmem:$0x1E820] =	vst v63  }
0xfc: {  	_ =	swait.ge [sflag:s31], $0x2800  }
0xfd: {  	s25 =	sld [smem:$0x7F3]  }
0xfe: {  	[sflag:s31] =	ssyncset.done $0x0  }
0xff: {  	[sflag:s31] =	ssyncadd.s32 $0xFFFFD800  }
0x100: {  	[tilespmem:s26], [sflag:$0x2] =	stream.indirect.gather [hbm4b:s5+s24], $0x80, s25, s24, $0xb8;
	[tilespmem:$0x1E820] =	vst v63  }
0x101: {  	_ =	swait.ge [sflag:s1], $0x2800  }
0x102: {  	s14 =	sld [smem:$0x7F4]  }
0x103: {  	[sflag:s1] =	ssyncset.done $0x0  }
0x104: {  	[sflag:s1] =	ssyncadd.s32 $0xFFFFD800  }
0x105: {  	[tilespmem:s28], [sflag:$0x3] =	stream.indirect.gather [hbm4b:s5+s24], $0x80, s14, s24, $0xb8;
	[tilespmem:$0x1E820] =	vst v63  }
0x106: {  	_ =	swait.ge [sflag:s0], $0x2800  }
0x107: {  	s15 =	sld [smem:$0x7F5]  }
0x108: {  	[sflag:s0] =	ssyncset.done $0x0  }
0x109: {  	[sflag:s0] =	ssyncadd.s32 $0xFFFFD800  }
0x10a: {  	[tilespmem:s29], [sflag:$0x4] =	stream.indirect.gather [hbm4b:s5+s24], $0x80, s15, s24, $0xb8;
	[tilespmem:$0x1E820] =	vst v63  }
0x10b: {  	_ =	swait.ge [sflag:s17], $0x2800  }
0x10c: {  	s25 =	sld [smem:$0x7F6]  }
0x10d: {  	[sflag:s17] =	ssyncset.done $0x0  }
0x10e: {  	[sflag:s17] =	ssyncadd.s32 $0xFFFFD800  }
0x10f: {  	[spmem:s2] =	stream.indirect.scatter.add.f32 [tilespmem:s16], [sflag:$0x5], $0x80, s25, s24, $0xb8;
	[tilespmem:$0x1E820] =	vst v63  }
0x110: {  	_ =	swait.ge [sflag:s18], $0x2800  }
0x111: {  	s14 =	sld [smem:$0x7F7]  }
0x112: {  	[sflag:s18] =	ssyncset.done $0x0  }
0x113: {  	[sflag:s18] =	ssyncadd.s32 $0xFFFFD800  }
0x114: {  	[spmem:s2] =	stream.indirect.scatter.add.f32 [tilespmem:s26], [sflag:$0x6], $0x80, s14, s24, $0xb8;
	[tilespmem:$0x1E820] =	vst v63  }
0x115: {  	_ =	swait.ge [sflag:s19], $0x2800  }
0x116: {  	s15 =	sld [smem:$0x7F8]  }
0x117: {  	[sflag:s19] =	ssyncset.done $0x0  }
0x118: {  	[sflag:s19] =	ssyncadd.s32 $0xFFFFD800  }
0x119: {  	[spmem:s2] =	stream.indirect.scatter.add.f32 [tilespmem:s28], [sflag:$0x7], $0x80, s15, s24, $0xb8;
	[tilespmem:$0x1E820] =	vst v63  }
0x11a: {  	_ =	swait.ge [sflag:s20], $0x2800  }
0x11b: {  	s25 =	sld [smem:$0x7F9]  }
0x11c: {  	[sflag:s20] =	ssyncset.done $0x0  }
0x11d: {  	[sflag:s20] =	ssyncadd.s32 $0xFFFFD800  }
0x11e: {  	[spmem:s2] =	stream.indirect.scatter.add.f32 [tilespmem:s29], [sflag:$0x8], $0x80, s25, s24, $0xb8;
	[tilespmem:$0x1E820] =	vst v63  }
0x11f: {  	_ =	swait.ge [sflag:s30], $0x2800  }
0x120: {  	s14 =	sld [smem:$0x7FA]  }
0x121: {  	[sflag:s30] =	ssyncset.done $0x0  }
0x122: {  	[sflag:s30] =	ssyncadd.s32 $0xFFFFD800  }
0x123: {  	[tilespmem:s16], [sflag:$0x1] =	stream.indirect.gather [hbm4b:s5+s24], $0x80, s14, s24, $0xb8;
	[tilespmem:$0x1E820] =	vst v63  }
0x124: {  	_ =	swait.ge [sflag:s31], $0x2800  }
0x125: {  	s15 =	sld [smem:$0x7FB]  }
0x126: {  	[sflag:s31] =	ssyncset.done $0x0  }
0x127: {  	[sflag:s31] =	ssyncadd.s32 $0xFFFFD800  }
0x128: {  	[tilespmem:s26], [sflag:$0x2] =	stream.indirect.gather [hbm4b:s5+s24], $0x80, s15, s24, $0xb8;
	[tilespmem:$0x1E820] =	vst v63  }
0x129: {  	_ =	swait.ge [sflag:s1], $0x2800  }
0x12a: {  	s25 =	sld [smem:$0x7FC]  }
0x12b: {  	[sflag:s1] =	ssyncset.done $0x0  }
0x12c: {  	[sflag:s1] =	ssyncadd.s32 $0xFFFFD800  }
0x12d: {  	[tilespmem:s28], [sflag:$0x3] =	stream.indirect.gather [hbm4b:s5+s24], $0x80, s25, s24, $0xb8;
	[tilespmem:$0x1E820] =	vst v63  }
0x12e: {  	_ =	swait.ge [sflag:s0], $0x2800  }
0x12f: {  	[sflag:s0] =	ssyncset.done $0x0  }
0x130: {  	[sflag:s0] =	ssyncadd.s32 $0xFFFFD800  }
0x131: {  	[tilespmem:s29], [sflag:$0x4] =	stream.indirect.gather [hbm4b:s5+s24], $0x80, s6, s24, $0xb8;
	[tilespmem:$0x1E820] =	vst v63  }
0x132: {  	_ =	swait.ge [sflag:s17], $0x2800  }
0x133: {  	[sflag:s17] =	ssyncset.done $0x0  }
0x134: {  	[sflag:s17] =	ssyncadd.s32 $0xFFFFD800  }
0x135: {  	[spmem:s2] =	stream.indirect.scatter.add.f32 [tilespmem:s16], [sflag:$0x5], $0x80, s7, s24, $0xb8;
	[tilespmem:$0x1E820] =	vst v63  }
0x136: {  	_ =	swait.ge [sflag:s18], $0x2800  }
0x137: {  	[sflag:s18] =	ssyncset.done $0x0  }
0x138: {  	[sflag:s18] =	ssyncadd.s32 $0xFFFFD800  }
0x139: {  	[spmem:s2] =	stream.indirect.scatter.add.f32 [tilespmem:s26], [sflag:$0x6], $0x80, s9, s24, $0xb8;
	[tilespmem:$0x1E820] =	vst v63  }
0x13a: {  	_ =	swait.ge [sflag:s19], $0x2800  }
0x13b: {  	[sflag:s19] =	ssyncset.done $0x0  }
0x13c: {  	[sflag:s19] =	ssyncadd.s32 $0xFFFFD800  }
0x13d: {  	[spmem:s2] =	stream.indirect.scatter.add.f32 [tilespmem:s28], [sflag:$0x7], $0x80, s10, s24, $0xb8;
	[tilespmem:$0x1E820] =	vst v63  }
0x13e: {  	_ =	swait.ge [sflag:s20], $0x2800  }
0x13f: {  	[sflag:s20] =	ssyncset.done $0x0  }
0x140: {  	[sflag:s20] =	ssyncadd.s32 $0xFFFFD800  }
0x141: {  	[spmem:s2] =	stream.indirect.scatter.add.f32 [tilespmem:s29], [sflag:$0x8], $0x80, s11, s24, $0xb8;
	[tilespmem:$0x1E820] =	vst v63  }
0x142: {  	_ =	swait.ge [sflag:s30], $0x2800  }
0x143: {  	[sflag:s30] =	ssyncset.done $0x0  }
0x144: {  	[sflag:s30] =	ssyncadd.s32 $0xFFFFD800  }
0x145: {  	[tilespmem:s16], [sflag:$0x1] =	stream.indirect.gather [hbm4b:s5+s24], $0x80, s12, s24, $0xb8;
	[tilespmem:$0x1E820] =	vst v63  }
0x146: {  	_ =	swait.ge [sflag:s31], $0x2800  }
0x147: {  	[sflag:s31] =	ssyncset.done $0x0  }
0x148: {  	[sflag:s31] =	ssyncadd.s32 $0xFFFFD800  }
0x149: {  	_ =	swait.ge [sflag:s1], $0x2800  }
0x14a: {  	[sflag:s1] =	ssyncset.done $0x0  }
0x14b: {  	[sflag:s1] =	ssyncadd.s32 $0xFFFFD800  }
0x14c: {  	_ =	swait.ge [sflag:s0], $0x2800  }
0x14d: {  	[sflag:s0] =	ssyncset.done $0x0  }
0x14e: {  	[sflag:s0] =	ssyncadd.s32 $0xFFFFD800  }
0x14f: {  	_ =	swait.ge [sflag:s17], $0x2800  }
0x150: {  	[sflag:s17] =	ssyncset.done $0x0  }
0x151: {  	[sflag:s17] =	ssyncadd.s32 $0xFFFFD800  }
0x152: {  	[spmem:s2] =	stream.indirect.scatter.add.f32 [tilespmem:s16], [sflag:$0x9], $0x80, s13, s24, $0xb8;
	[tilespmem:$0x1E820] =	vst v63  }
0x153: {  	s15 =	simm.s32 $0xFA;
	_ =	swait.ge [sflag:s22], $0x2800  }
0x154: {  	s25 =	simm.s32 $0x1F4;
	s8 =	rddreg [dreg:$0x3];
	[sflag:s22] =	ssyncset.done $0x0  }
.LBB2_4:
0x155: {  	[sflag:s22] =	ssyncadd.s32 $0xFFFFD800;
	s8 =	sadd.s32 s15, s8  }
0x156: {  	[tilespmem:s21], [sflag:$0x9] =	stream.linear.gather [hbm4b:s8+s3], $0x7D0, $0x38;
	[tilespmem:$0x1E820] =	vst v63  }
0x157: {  	_ =	swait.ge [sflag:s22], $0x7D0  }
0x158: {  	[sflag:s22] =	ssyncset.done $0x0  }
0x159: {  	s8 =	sadd.s32 s15, s4;
	[sflag:s22] =	ssyncadd.s32 $0xFFFFF830  }
0x15a: {  	[tilespmem:s23], [sflag:$0x9] =	stream.linear.gather [hbm4b:s8+s3], $0x7D0, $0x38;
	[tilespmem:$0x1E820] =	vst v63  }
0x15b: {  	_ =	swait.ge [sflag:s22], $0x7D0  }
0x15c: {  	[sflag:s22] =	ssyncset.done $0x0  }
0x15d: {  	[sflag:s22] =	ssyncadd.s32 $0xFFFFF830  }
0x15e: {  	[tilespmem:s16], [sflag:$0x1] =	stream.indirect.gather [hbm4b:s5+s24], $0x80, s21, s24, $0xb8;
	[tilespmem:$0x1E820] =	vst v63  }
0x15f: {  	s14 =	smov.u32 s25;
	s8 =	rddreg [dreg:$0x4]  }
0x160: {  	[tilespmem:s26], [sflag:$0x2] =	stream.indirect.gather [hbm4b:s5+s24], $0x80, s8, s24, $0xb8;
	[tilespmem:$0x1E820] =	vst v63  }
0x161: {  	s15 =	smov.u32 s14;
	s14 =	rddreg [dreg:$0x5]  }
0x162: {  	[tilespmem:s28], [sflag:$0x3] =	stream.indirect.gather [hbm4b:s5+s24], $0x80, s14, s24, $0xb8;
	[tilespmem:$0x1E820] =	vst v63  }
0x163: {  	s8 =	rddreg [dreg:$0x6]  }
0x164: {  	[tilespmem:s29], [sflag:$0x4] =	stream.indirect.gather [hbm4b:s5+s24], $0x80, s8, s24, $0xb8;
	[tilespmem:$0x1E820] =	vst v63  }
0x165: {  	_ =	swait.ge [sflag:s17], $0x2800  }
0x166: {  	[sflag:s17] =	ssyncset.done $0x0  }
0x167: {  	[sflag:s17] =	ssyncadd.s32 $0xFFFFD800  }
0x168: {  	[spmem:s2] =	stream.indirect.scatter.add.f32 [tilespmem:s16], [sflag:$0x5], $0x80, s23, s24, $0xb8;
	[tilespmem:$0x1E820] =	vst v63  }
0x169: {  	_ =	swait.ge [sflag:s18], $0x2800  }
0x16a: {  	[sflag:s18] =	ssyncset.done $0x0  }
0x16b: {  	s14 =	rddreg [dreg:$0x7];
	[sflag:s18] =	ssyncadd.s32 $0xFFFFD800  }
0x16c: {  	[spmem:s2] =	stream.indirect.scatter.add.f32 [tilespmem:s26], [sflag:$0x6], $0x80, s14, s24, $0xb8;
	[tilespmem:$0x1E820] =	vst v63  }
0x16d: {  	_ =	swait.ge [sflag:s19], $0x2800  }
0x16e: {  	[sflag:s19] =	ssyncset.done $0x0  }
0x16f: {  	s14 =	rddreg [dreg:$0x8];
	[sflag:s19] =	ssyncadd.s32 $0xFFFFD800  }
0x170: {  	[spmem:s2] =	stream.indirect.scatter.add.f32 [tilespmem:s28], [sflag:$0x7], $0x80, s14, s24, $0xb8;
	[tilespmem:$0x1E820] =	vst v63  }
0x171: {  	_ =	swait.ge [sflag:s20], $0x2800  }
0x172: {  	[sflag:s20] =	ssyncset.done $0x0  }
0x173: {  	s14 =	rddreg [dreg:$0x9];
	[sflag:s20] =	ssyncadd.s32 $0xFFFFD800  }
0x174: {  	[spmem:s2] =	stream.indirect.scatter.add.f32 [tilespmem:s29], [sflag:$0x8], $0x80, s14, s24, $0xb8;
	[tilespmem:$0x1E820] =	vst v63  }
0x175: {  	_ =	swait.ge [sflag:s30], $0x2800  }
0x176: {  	[sflag:s30] =	ssyncset.done $0x0  }
0x177: {  	s14 =	rddreg [dreg:$0xa];
	[sflag:s30] =	ssyncadd.s32 $0xFFFFD800  }
0x178: {  	[tilespmem:s16], [sflag:$0x1] =	stream.indirect.gather [hbm4b:s5+s24], $0x80, s14, s24, $0xb8;
	[tilespmem:$0x1E820] =	vst v63  }
0x179: {  	_ =	swait.ge [sflag:s31], $0x2800  }
0x17a: {  	[sflag:s31] =	ssyncset.done $0x0  }
0x17b: {  	s14 =	rddreg [dreg:$0xb];
	[sflag:s31] =	ssyncadd.s32 $0xFFFFD800  }
0x17c: {  	[tilespmem:s26], [sflag:$0x2] =	stream.indirect.gather [hbm4b:s5+s24], $0x80, s14, s24, $0xb8;
	[tilespmem:$0x1E820] =	vst v63  }
0x17d: {  	_ =	swait.ge [sflag:s1], $0x2800  }
0x17e: {  	[sflag:s1] =	ssyncset.done $0x0  }
0x17f: {  	s14 =	rddreg [dreg:$0xc];
	[sflag:s1] =	ssyncadd.s32 $0xFFFFD800  }
0x180: {  	[tilespmem:s28], [sflag:$0x3] =	stream.indirect.gather [hbm4b:s5+s24], $0x80, s14, s24, $0xb8;
	[tilespmem:$0x1E820] =	vst v63  }
0x181: {  	_ =	swait.ge [sflag:s0], $0x2800  }
0x182: {  	[sflag:s0] =	ssyncset.done $0x0  }
0x183: {  	s14 =	rddreg [dreg:$0xd];
	[sflag:s0] =	ssyncadd.s32 $0xFFFFD800  }
0x184: {  	[tilespmem:s29], [sflag:$0x4] =	stream.indirect.gather [hbm4b:s5+s24], $0x80, s14, s24, $0xb8;
	[tilespmem:$0x1E820] =	vst v63  }
0x185: {  	_ =	swait.ge [sflag:s17], $0x2800  }
0x186: {  	[sflag:s17] =	ssyncset.done $0x0  }
0x187: {  	s14 =	rddreg [dreg:$0xe];
	[sflag:s17] =	ssyncadd.s32 $0xFFFFD800  }
0x188: {  	[spmem:s2] =	stream.indirect.scatter.add.f32 [tilespmem:s16], [sflag:$0x5], $0x80, s14, s24, $0xb8;
	[tilespmem:$0x1E820] =	vst v63  }
0x189: {  	_ =	swait.ge [sflag:s18], $0x2800  }
0x18a: {  	[sflag:s18] =	ssyncset.done $0x0  }
0x18b: {  	s14 =	rddreg [dreg:$0xf];
	[sflag:s18] =	ssyncadd.s32 $0xFFFFD800  }
0x18c: {  	[spmem:s2] =	stream.indirect.scatter.add.f32 [tilespmem:s26], [sflag:$0x6], $0x80, s14, s24, $0xb8;
	[tilespmem:$0x1E820] =	vst v63  }
0x18d: {  	_ =	swait.ge [sflag:s19], $0x2800  }
0x18e: {  	[sflag:s19] =	ssyncset.done $0x0  }
0x18f: {  	s14 =	rddreg [dreg:$0x10];
	[sflag:s19] =	ssyncadd.s32 $0xFFFFD800  }
0x190: {  	[spmem:s2] =	stream.indirect.scatter.add.f32 [tilespmem:s28], [sflag:$0x7], $0x80, s14, s24, $0xb8;
	[tilespmem:$0x1E820] =	vst v63  }
0x191: {  	_ =	swait.ge [sflag:s20], $0x2800  }
0x192: {  	[sflag:s20] =	ssyncset.done $0x0  }
0x193: {  	s14 =	rddreg [dreg:$0x11];
	[sflag:s20] =	ssyncadd.s32 $0xFFFFD800  }
0x194: {  	[spmem:s2] =	stream.indirect.scatter.add.f32 [tilespmem:s29], [sflag:$0x8], $0x80, s14, s24, $0xb8;
	[tilespmem:$0x1E820] =	vst v63  }
0x195: {  	_ =	swait.ge [sflag:s30], $0x2800  }
0x196: {  	[sflag:s30] =	ssyncset.done $0x0  }
0x197: {  	s14 =	rddreg [dreg:$0x12];
	[sflag:s30] =	ssyncadd.s32 $0xFFFFD800  }
0x198: {  	[tilespmem:s16], [sflag:$0x1] =	stream.indirect.gather [hbm4b:s5+s24], $0x80, s14, s24, $0xb8;
	[tilespmem:$0x1E820] =	vst v63  }
0x199: {  	_ =	swait.ge [sflag:s31], $0x2800  }
0x19a: {  	[sflag:s31] =	ssyncset.done $0x0  }
0x19b: {  	s14 =	rddreg [dreg:$0x13];
	[sflag:s31] =	ssyncadd.s32 $0xFFFFD800  }
0x19c: {  	[tilespmem:s26], [sflag:$0x2] =	stream.indirect.gather [hbm4b:s5+s24], $0x80, s14, s24, $0xb8;
	[tilespmem:$0x1E820] =	vst v63  }
0x19d: {  	_ =	swait.ge [sflag:s1], $0x2800  }
0x19e: {  	[sflag:s1] =	ssyncset.done $0x0  }
0x19f: {  	s14 =	rddreg [dreg:$0x14];
	[sflag:s1] =	ssyncadd.s32 $0xFFFFD800  }
0x1a0: {  	[tilespmem:s28], [sflag:$0x3] =	stream.indirect.gather [hbm4b:s5+s24], $0x80, s14, s24, $0xb8;
	[tilespmem:$0x1E820] =	vst v63  }
0x1a1: {  	_ =	swait.ge [sflag:s0], $0x2800  }
0x1a2: {  	[sflag:s0] =	ssyncset.done $0x0  }
0x1a3: {  	s14 =	rddreg [dreg:$0x15];
	[sflag:s0] =	ssyncadd.s32 $0xFFFFD800  }
0x1a4: {  	[tilespmem:s29], [sflag:$0x4] =	stream.indirect.gather [hbm4b:s5+s24], $0x80, s14, s24, $0xb8;
	[tilespmem:$0x1E820] =	vst v63  }
0x1a5: {  	_ =	swait.ge [sflag:s17], $0x2800  }
0x1a6: {  	[sflag:s17] =	ssyncset.done $0x0  }
0x1a7: {  	s14 =	rddreg [dreg:$0x16];
	[sflag:s17] =	ssyncadd.s32 $0xFFFFD800  }
0x1a8: {  	[spmem:s2] =	stream.indirect.scatter.add.f32 [tilespmem:s16], [sflag:$0x5], $0x80, s14, s24, $0xb8;
	[tilespmem:$0x1E820] =	vst v63  }
0x1a9: {  	_ =	swait.ge [sflag:s18], $0x2800  }
0x1aa: {  	[sflag:s18] =	ssyncset.done $0x0  }
0x1ab: {  	s14 =	rddreg [dreg:$0x17];
	[sflag:s18] =	ssyncadd.s32 $0xFFFFD800  }
0x1ac: {  	[spmem:s2] =	stream.indirect.scatter.add.f32 [tilespmem:s26], [sflag:$0x6], $0x80, s14, s24, $0xb8;
	[tilespmem:$0x1E820] =	vst v63  }
0x1ad: {  	_ =	swait.ge [sflag:s19], $0x2800  }
0x1ae: {  	[sflag:s19] =	ssyncset.done $0x0  }
0x1af: {  	s14 =	rddreg [dreg:$0x18];
	[sflag:s19] =	ssyncadd.s32 $0xFFFFD800  }
0x1b0: {  	[spmem:s2] =	stream.indirect.scatter.add.f32 [tilespmem:s28], [sflag:$0x7], $0x80, s14, s24, $0xb8;
	[tilespmem:$0x1E820] =	vst v63  }
0x1b1: {  	_ =	swait.ge [sflag:s20], $0x2800  }
0x1b2: {  	[sflag:s20] =	ssyncset.done $0x0  }
0x1b3: {  	s14 =	rddreg [dreg:$0x19];
	[sflag:s20] =	ssyncadd.s32 $0xFFFFD800  }
0x1b4: {  	[spmem:s2] =	stream.indirect.scatter.add.f32 [tilespmem:s29], [sflag:$0x8], $0x80, s14, s24, $0xb8;
	[tilespmem:$0x1E820] =	vst v63  }
0x1b5: {  	_ =	swait.ge [sflag:s30], $0x2800  }
0x1b6: {  	[sflag:s30] =	ssyncset.done $0x0  }
0x1b7: {  	s14 =	rddreg [dreg:$0x1a];
	[sflag:s30] =	ssyncadd.s32 $0xFFFFD800  }
0x1b8: {  	[tilespmem:s16], [sflag:$0x1] =	stream.indirect.gather [hbm4b:s5+s24], $0x80, s14, s24, $0xb8;
	[tilespmem:$0x1E820] =	vst v63  }
0x1b9: {  	_ =	swait.ge [sflag:s31], $0x2800  }
0x1ba: {  	[sflag:s31] =	ssyncset.done $0x0  }
0x1bb: {  	s14 =	rddreg [dreg:$0x1b];
	[sflag:s31] =	ssyncadd.s32 $0xFFFFD800  }
0x1bc: {  	[tilespmem:s26], [sflag:$0x2] =	stream.indirect.gather [hbm4b:s5+s24], $0x80, s14, s24, $0xb8;
	[tilespmem:$0x1E820] =	vst v63  }
0x1bd: {  	_ =	swait.ge [sflag:s1], $0x2800  }
0x1be: {  	[sflag:s1] =	ssyncset.done $0x0  }
0x1bf: {  	s14 =	rddreg [dreg:$0x1c];
	[sflag:s1] =	ssyncadd.s32 $0xFFFFD800  }
0x1c0: {  	[tilespmem:s28], [sflag:$0x3] =	stream.indirect.gather [hbm4b:s5+s24], $0x80, s14, s24, $0xb8;
	[tilespmem:$0x1E820] =	vst v63  }
0x1c1: {  	_ =	swait.ge [sflag:s0], $0x2800  }
0x1c2: {  	[sflag:s0] =	ssyncset.done $0x0  }
0x1c3: {  	s14 =	rddreg [dreg:$0x1d];
	[sflag:s0] =	ssyncadd.s32 $0xFFFFD800  }
0x1c4: {  	[tilespmem:s29], [sflag:$0x4] =	stream.indirect.gather [hbm4b:s5+s24], $0x80, s14, s24, $0xb8;
	[tilespmem:$0x1E820] =	vst v63  }
0x1c5: {  	_ =	swait.ge [sflag:s17], $0x2800  }
0x1c6: {  	[sflag:s17] =	ssyncset.done $0x0  }
0x1c7: {  	s14 =	rddreg [dreg:$0x1e];
	[sflag:s17] =	ssyncadd.s32 $0xFFFFD800  }
0x1c8: {  	[spmem:s2] =	stream.indirect.scatter.add.f32 [tilespmem:s16], [sflag:$0x5], $0x80, s14, s24, $0xb8;
	[tilespmem:$0x1E820] =	vst v63  }
0x1c9: {  	_ =	swait.ge [sflag:s18], $0x2800  }
0x1ca: {  	[sflag:s18] =	ssyncset.done $0x0  }
0x1cb: {  	s14 =	rddreg [dreg:$0x1f];
	[sflag:s18] =	ssyncadd.s32 $0xFFFFD800  }
0x1cc: {  	[spmem:s2] =	stream.indirect.scatter.add.f32 [tilespmem:s26], [sflag:$0x6], $0x80, s14, s24, $0xb8;
	[tilespmem:$0x1E820] =	vst v63  }
0x1cd: {  	_ =	swait.ge [sflag:s19], $0x2800  }
0x1ce: {  	s14 =	sld [smem:$0x7EF]  }
0x1cf: {  	[sflag:s19] =	ssyncset.done $0x0  }
0x1d0: {  	[sflag:s19] =	ssyncadd.s32 $0xFFFFD800  }
0x1d1: {  	[spmem:s2] =	stream.indirect.scatter.add.f32 [tilespmem:s28], [sflag:$0x7], $0x80, s14, s24, $0xb8;
	[tilespmem:$0x1E820] =	vst v63  }
0x1d2: {  	_ =	swait.ge [sflag:s20], $0x2800  }
0x1d3: {  	s14 =	sld [smem:$0x7F0]  }
0x1d4: {  	[sflag:s20] =	ssyncset.done $0x0  }
0x1d5: {  	[sflag:s20] =	ssyncadd.s32 $0xFFFFD800  }
0x1d6: {  	[spmem:s2] =	stream.indirect.scatter.add.f32 [tilespmem:s29], [sflag:$0x8], $0x80, s14, s24, $0xb8;
	[tilespmem:$0x1E820] =	vst v63  }
0x1d7: {  	_ =	swait.ge [sflag:s30], $0x2800  }
0x1d8: {  	s14 =	sld [smem:$0x7F2]  }
0x1d9: {  	[sflag:s30] =	ssyncset.done $0x0  }
0x1da: {  	[sflag:s30] =	ssyncadd.s32 $0xFFFFD800  }
0x1db: {  	[tilespmem:s16], [sflag:$0x1] =	stream.indirect.gather [hbm4b:s5+s24], $0x80, s14, s24, $0xb8;
	[tilespmem:$0x1E820] =	vst v63  }
0x1dc: {  	_ =	swait.ge [sflag:s31], $0x2800  }
0x1dd: {  	s14 =	sld [smem:$0x7F3]  }
0x1de: {  	[sflag:s31] =	ssyncset.done $0x0  }
0x1df: {  	[sflag:s31] =	ssyncadd.s32 $0xFFFFD800  }
0x1e0: {  	[tilespmem:s26], [sflag:$0x2] =	stream.indirect.gather [hbm4b:s5+s24], $0x80, s14, s24, $0xb8;
	[tilespmem:$0x1E820] =	vst v63  }
0x1e1: {  	_ =	swait.ge [sflag:s1], $0x2800  }
0x1e2: {  	s14 =	sld [smem:$0x7F4]  }
0x1e3: {  	[sflag:s1] =	ssyncset.done $0x0  }
0x1e4: {  	[sflag:s1] =	ssyncadd.s32 $0xFFFFD800  }
0x1e5: {  	[tilespmem:s28], [sflag:$0x3] =	stream.indirect.gather [hbm4b:s5+s24], $0x80, s14, s24, $0xb8;
	[tilespmem:$0x1E820] =	vst v63  }
0x1e6: {  	_ =	swait.ge [sflag:s0], $0x2800  }
0x1e7: {  	s14 =	sld [smem:$0x7F5]  }
0x1e8: {  	[sflag:s0] =	ssyncset.done $0x0  }
0x1e9: {  	[sflag:s0] =	ssyncadd.s32 $0xFFFFD800  }
0x1ea: {  	[tilespmem:s29], [sflag:$0x4] =	stream.indirect.gather [hbm4b:s5+s24], $0x80, s14, s24, $0xb8;
	[tilespmem:$0x1E820] =	vst v63  }
0x1eb: {  	_ =	swait.ge [sflag:s17], $0x2800  }
0x1ec: {  	s14 =	sld [smem:$0x7F6]  }
0x1ed: {  	[sflag:s17] =	ssyncset.done $0x0  }
0x1ee: {  	[sflag:s17] =	ssyncadd.s32 $0xFFFFD800  }
0x1ef: {  	[spmem:s2] =	stream.indirect.scatter.add.f32 [tilespmem:s16], [sflag:$0x5], $0x80, s14, s24, $0xb8;
	[tilespmem:$0x1E820] =	vst v63  }
0x1f0: {  	_ =	swait.ge [sflag:s18], $0x2800  }
0x1f1: {  	s14 =	sld [smem:$0x7F7]  }
0x1f2: {  	[sflag:s18] =	ssyncset.done $0x0  }
0x1f3: {  	[sflag:s18] =	ssyncadd.s32 $0xFFFFD800  }
0x1f4: {  	[spmem:s2] =	stream.indirect.scatter.add.f32 [tilespmem:s26], [sflag:$0x6], $0x80, s14, s24, $0xb8;
	[tilespmem:$0x1E820] =	vst v63  }
0x1f5: {  	_ =	swait.ge [sflag:s19], $0x2800  }
0x1f6: {  	s14 =	sld [smem:$0x7F8]  }
0x1f7: {  	[sflag:s19] =	ssyncset.done $0x0  }
0x1f8: {  	[sflag:s19] =	ssyncadd.s32 $0xFFFFD800  }
0x1f9: {  	[spmem:s2] =	stream.indirect.scatter.add.f32 [tilespmem:s28], [sflag:$0x7], $0x80, s14, s24, $0xb8;
	[tilespmem:$0x1E820] =	vst v63  }
0x1fa: {  	_ =	swait.ge [sflag:s20], $0x2800  }
0x1fb: {  	s14 =	sld [smem:$0x7F9]  }
0x1fc: {  	[sflag:s20] =	ssyncset.done $0x0  }
0x1fd: {  	[sflag:s20] =	ssyncadd.s32 $0xFFFFD800  }
0x1fe: {  	[spmem:s2] =	stream.indirect.scatter.add.f32 [tilespmem:s29], [sflag:$0x8], $0x80, s14, s24, $0xb8;
	[tilespmem:$0x1E820] =	vst v63  }
0x1ff: {  	_ =	swait.ge [sflag:s30], $0x2800  }
0x200: {  	s14 =	sld [smem:$0x7FA]  }
0x201: {  	[sflag:s30] =	ssyncset.done $0x0  }
0x202: {  	[sflag:s30] =	ssyncadd.s32 $0xFFFFD800  }
0x203: {  	[tilespmem:s16], [sflag:$0x1] =	stream.indirect.gather [hbm4b:s5+s24], $0x80, s14, s24, $0xb8;
	[tilespmem:$0x1E820] =	vst v63  }
0x204: {  	_ =	swait.ge [sflag:s31], $0x2800  }
0x205: {  	s14 =	sld [smem:$0x7FB]  }
0x206: {  	[sflag:s31] =	ssyncset.done $0x0  }
0x207: {  	[sflag:s31] =	ssyncadd.s32 $0xFFFFD800  }
0x208: {  	[tilespmem:s26], [sflag:$0x2] =	stream.indirect.gather [hbm4b:s5+s24], $0x80, s14, s24, $0xb8;
	[tilespmem:$0x1E820] =	vst v63  }
0x209: {  	_ =	swait.ge [sflag:s1], $0x2800  }
0x20a: {  	s14 =	sld [smem:$0x7FC]  }
0x20b: {  	[sflag:s1] =	ssyncset.done $0x0  }
0x20c: {  	[sflag:s1] =	ssyncadd.s32 $0xFFFFD800  }
0x20d: {  	[tilespmem:s28], [sflag:$0x3] =	stream.indirect.gather [hbm4b:s5+s24], $0x80, s14, s24, $0xb8;
	[tilespmem:$0x1E820] =	vst v63  }
0x20e: {  	_ =	swait.ge [sflag:s0], $0x2800  }
0x20f: {  	[sflag:s0] =	ssyncset.done $0x0  }
0x210: {  	[sflag:s0] =	ssyncadd.s32 $0xFFFFD800  }
0x211: {  	[tilespmem:s29], [sflag:$0x4] =	stream.indirect.gather [hbm4b:s5+s24], $0x80, s6, s24, $0xb8;
	[tilespmem:$0x1E820] =	vst v63  }
0x212: {  	_ =	swait.ge [sflag:s17], $0x2800  }
0x213: {  	[sflag:s17] =	ssyncset.done $0x0  }
0x214: {  	[sflag:s17] =	ssyncadd.s32 $0xFFFFD800  }
0x215: {  	[spmem:s2] =	stream.indirect.scatter.add.f32 [tilespmem:s16], [sflag:$0x5], $0x80, s7, s24, $0xb8;
	[tilespmem:$0x1E820] =	vst v63  }
0x216: {  	_ =	swait.ge [sflag:s18], $0x2800  }
0x217: {  	[sflag:s18] =	ssyncset.done $0x0  }
0x218: {  	[sflag:s18] =	ssyncadd.s32 $0xFFFFD800  }
0x219: {  	[spmem:s2] =	stream.indirect.scatter.add.f32 [tilespmem:s26], [sflag:$0x6], $0x80, s9, s24, $0xb8;
	[tilespmem:$0x1E820] =	vst v63  }
0x21a: {  	_ =	swait.ge [sflag:s19], $0x2800  }
0x21b: {  	[sflag:s19] =	ssyncset.done $0x0  }
0x21c: {  	[sflag:s19] =	ssyncadd.s32 $0xFFFFD800  }
0x21d: {  	[spmem:s2] =	stream.indirect.scatter.add.f32 [tilespmem:s28], [sflag:$0x7], $0x80, s10, s24, $0xb8;
	[tilespmem:$0x1E820] =	vst v63  }
0x21e: {  	_ =	swait.ge [sflag:s20], $0x2800  }
0x21f: {  	[sflag:s20] =	ssyncset.done $0x0  }
0x220: {  	[sflag:s20] =	ssyncadd.s32 $0xFFFFD800  }
0x221: {  	[spmem:s2] =	stream.indirect.scatter.add.f32 [tilespmem:s29], [sflag:$0x8], $0x80, s11, s24, $0xb8;
	[tilespmem:$0x1E820] =	vst v63  }
0x222: {  	_ =	swait.ge [sflag:s30], $0x2800  }
0x223: {  	[sflag:s30] =	ssyncset.done $0x0  }
0x224: {  	[sflag:s30] =	ssyncadd.s32 $0xFFFFD800  }
0x225: {  	[tilespmem:s16], [sflag:$0x1] =	stream.indirect.gather [hbm4b:s5+s24], $0x80, s12, s24, $0xb8;
	[tilespmem:$0x1E820] =	vst v63  }
0x226: {  	_ =	swait.ge [sflag:s31], $0x2800  }
0x227: {  	[sflag:s31] =	ssyncset.done $0x0  }
0x228: {  	[sflag:s31] =	ssyncadd.s32 $0xFFFFD800  }
0x229: {  	_ =	swait.ge [sflag:s1], $0x2800  }
0x22a: {  	[sflag:s1] =	ssyncset.done $0x0  }
0x22b: {  	[sflag:s1] =	ssyncadd.s32 $0xFFFFD800  }
0x22c: {  	_ =	swait.ge [sflag:s0], $0x2800  }
0x22d: {  	[sflag:s0] =	ssyncset.done $0x0  }
0x22e: {  	[sflag:s0] =	ssyncadd.s32 $0xFFFFD800  }
0x22f: {  	p1 =	sne.s32 s25, $0x3E8;
	_ =	swait.ge [sflag:s17], $0x2800  }
.Ltmp1:
0x230: {  	[sflag:s17] =	ssyncset.done $0x0;
	(pc) =	sbr.rel @p1 .LBB2_4-.Ltmp1, $4  }
0x231: {  	[sflag:s17] =	ssyncadd.s32 $0xFFFFD800  }
0x232: {  	[spmem:s2] =	stream.indirect.scatter.add.f32 [tilespmem:s16], [sflag:$0x9], $0x80, s13, s24, $0xb8;
	[tilespmem:$0x1E820] =	vst v63  }
0x233: {  	_ =	swait.ge [sflag:s22], $0x2800  }
0x234: {  	s25 =	sadd.s32 $0xFA, s25;
	s8 =	rddreg [dreg:$0x3];
	[sflag:s22] =	ssyncset.done $0x0  }
0x235: {  	[sflag:s22] =	ssyncadd.s32 $0xFFFFD800;
	s8 =	sadd.s32 s15, s8  }
0x236: {  	[tilespmem:s21], [sflag:$0x9] =	stream.linear.gather [hbm4b:s8+s3], $0x7D0, $0x38;
	[tilespmem:$0x1E820] =	vst v63  }
0x237: {  	_ =	swait.ge [sflag:s22], $0x7D0  }
0x238: {  	[sflag:s22] =	ssyncset.done $0x0  }
0x239: {  	s14 =	sadd.s32 s15, s4;
	[sflag:s22] =	ssyncadd.s32 $0xFFFFF830  }
0x23a: {  	[tilespmem:s23], [sflag:$0x9] =	stream.linear.gather [hbm4b:s14+s3], $0x7D0, $0x38;
	[tilespmem:$0x1E820] =	vst v63  }
0x23b: {  	_ =	swait.ge [sflag:s22], $0x7D0  }
0x23c: {  	[sflag:s22] =	ssyncset.done $0x0  }
0x23d: {  	[sflag:s22] =	ssyncadd.s32 $0xFFFFF830  }
0x23e: {  	[tilespmem:s16], [sflag:$0x1] =	stream.indirect.gather [hbm4b:s5+s24], $0x80, s21, s24, $0xb8;
	[tilespmem:$0x1E820] =	vst v63  }
0x23f: {  	s15 =	rddreg [dreg:$0x4]  }
0x240: {  	[tilespmem:s26], [sflag:$0x2] =	stream.indirect.gather [hbm4b:s5+s24], $0x80, s15, s24, $0xb8;
	[tilespmem:$0x1E820] =	vst v63  }
0x241: {  	s14 =	rddreg [dreg:$0x5]  }
0x242: {  	[tilespmem:s28], [sflag:$0x3] =	stream.indirect.gather [hbm4b:s5+s24], $0x80, s14, s24, $0xb8;
	[tilespmem:$0x1E820] =	vst v63  }
0x243: {  	s25 =	rddreg [dreg:$0x6]  }
0x244: {  	[tilespmem:s29], [sflag:$0x4] =	stream.indirect.gather [hbm4b:s5+s24], $0x80, s25, s24, $0xb8;
	[tilespmem:$0x1E820] =	vst v63  }
0x245: {  	_ =	swait.ge [sflag:s17], $0x2800  }
0x246: {  	[sflag:s17] =	ssyncset.done $0x0  }
0x247: {  	[sflag:s17] =	ssyncadd.s32 $0xFFFFD800  }
0x248: {  	[spmem:s2] =	stream.indirect.scatter.add.f32 [tilespmem:s16], [sflag:$0x5], $0x80, s23, s24, $0xb8;
	[tilespmem:$0x1E820] =	vst v63  }
0x249: {  	_ =	swait.ge [sflag:s18], $0x2800  }
0x24a: {  	[sflag:s18] =	ssyncset.done $0x0  }
0x24b: {  	s15 =	rddreg [dreg:$0x7];
	[sflag:s18] =	ssyncadd.s32 $0xFFFFD800  }
0x24c: {  	[spmem:s2] =	stream.indirect.scatter.add.f32 [tilespmem:s26], [sflag:$0x6], $0x80, s15, s24, $0xb8;
	[tilespmem:$0x1E820] =	vst v63  }
0x24d: {  	_ =	swait.ge [sflag:s19], $0x2800  }
0x24e: {  	[sflag:s19] =	ssyncset.done $0x0  }
0x24f: {  	s25 =	rddreg [dreg:$0x8];
	[sflag:s19] =	ssyncadd.s32 $0xFFFFD800  }
0x250: {  	[spmem:s2] =	stream.indirect.scatter.add.f32 [tilespmem:s28], [sflag:$0x7], $0x80, s25, s24, $0xb8;
	[tilespmem:$0x1E820] =	vst v63  }
0x251: {  	_ =	swait.ge [sflag:s20], $0x2800  }
0x252: {  	[sflag:s20] =	ssyncset.done $0x0  }
0x253: {  	s14 =	rddreg [dreg:$0x9];
	[sflag:s20] =	ssyncadd.s32 $0xFFFFD800  }
0x254: {  	[spmem:s2] =	stream.indirect.scatter.add.f32 [tilespmem:s29], [sflag:$0x8], $0x80, s14, s24, $0xb8;
	[tilespmem:$0x1E820] =	vst v63  }
0x255: {  	_ =	swait.ge [sflag:s30], $0x2800  }
0x256: {  	[sflag:s30] =	ssyncset.done $0x0  }
0x257: {  	s15 =	rddreg [dreg:$0xa];
	[sflag:s30] =	ssyncadd.s32 $0xFFFFD800  }
0x258: {  	[tilespmem:s16], [sflag:$0x1] =	stream.indirect.gather [hbm4b:s5+s24], $0x80, s15, s24, $0xb8;
	[tilespmem:$0x1E820] =	vst v63  }
0x259: {  	_ =	swait.ge [sflag:s31], $0x2800  }
0x25a: {  	[sflag:s31] =	ssyncset.done $0x0  }
0x25b: {  	s25 =	rddreg [dreg:$0xb];
	[sflag:s31] =	ssyncadd.s32 $0xFFFFD800  }
0x25c: {  	[tilespmem:s26], [sflag:$0x2] =	stream.indirect.gather [hbm4b:s5+s24], $0x80, s25, s24, $0xb8;
	[tilespmem:$0x1E820] =	vst v63  }
0x25d: {  	_ =	swait.ge [sflag:s1], $0x2800  }
0x25e: {  	[sflag:s1] =	ssyncset.done $0x0  }
0x25f: {  	s14 =	rddreg [dreg:$0xc];
	[sflag:s1] =	ssyncadd.s32 $0xFFFFD800  }
0x260: {  	[tilespmem:s28], [sflag:$0x3] =	stream.indirect.gather [hbm4b:s5+s24], $0x80, s14, s24, $0xb8;
	[tilespmem:$0x1E820] =	vst v63  }
0x261: {  	_ =	swait.ge [sflag:s0], $0x2800  }
0x262: {  	[sflag:s0] =	ssyncset.done $0x0  }
0x263: {  	s15 =	rddreg [dreg:$0xd];
	[sflag:s0] =	ssyncadd.s32 $0xFFFFD800  }
0x264: {  	[tilespmem:s29], [sflag:$0x4] =	stream.indirect.gather [hbm4b:s5+s24], $0x80, s15, s24, $0xb8;
	[tilespmem:$0x1E820] =	vst v63  }
0x265: {  	_ =	swait.ge [sflag:s17], $0x2800  }
0x266: {  	[sflag:s17] =	ssyncset.done $0x0  }
0x267: {  	s25 =	rddreg [dreg:$0xe];
	[sflag:s17] =	ssyncadd.s32 $0xFFFFD800  }
0x268: {  	[spmem:s2] =	stream.indirect.scatter.add.f32 [tilespmem:s16], [sflag:$0x5], $0x80, s25, s24, $0xb8;
	[tilespmem:$0x1E820] =	vst v63  }
0x269: {  	_ =	swait.ge [sflag:s18], $0x2800  }
0x26a: {  	[sflag:s18] =	ssyncset.done $0x0  }
0x26b: {  	s14 =	rddreg [dreg:$0xf];
	[sflag:s18] =	ssyncadd.s32 $0xFFFFD800  }
0x26c: {  	[spmem:s2] =	stream.indirect.scatter.add.f32 [tilespmem:s26], [sflag:$0x6], $0x80, s14, s24, $0xb8;
	[tilespmem:$0x1E820] =	vst v63  }
0x26d: {  	_ =	swait.ge [sflag:s19], $0x2800  }
0x26e: {  	[sflag:s19] =	ssyncset.done $0x0  }
0x26f: {  	s15 =	rddreg [dreg:$0x10];
	[sflag:s19] =	ssyncadd.s32 $0xFFFFD800  }
0x270: {  	[spmem:s2] =	stream.indirect.scatter.add.f32 [tilespmem:s28], [sflag:$0x7], $0x80, s15, s24, $0xb8;
	[tilespmem:$0x1E820] =	vst v63  }
0x271: {  	_ =	swait.ge [sflag:s20], $0x2800  }
0x272: {  	[sflag:s20] =	ssyncset.done $0x0  }
0x273: {  	s25 =	rddreg [dreg:$0x11];
	[sflag:s20] =	ssyncadd.s32 $0xFFFFD800  }
0x274: {  	[spmem:s2] =	stream.indirect.scatter.add.f32 [tilespmem:s29], [sflag:$0x8], $0x80, s25, s24, $0xb8;
	[tilespmem:$0x1E820] =	vst v63  }
0x275: {  	_ =	swait.ge [sflag:s30], $0x2800  }
0x276: {  	[sflag:s30] =	ssyncset.done $0x0  }
0x277: {  	s14 =	rddreg [dreg:$0x12];
	[sflag:s30] =	ssyncadd.s32 $0xFFFFD800  }
0x278: {  	[tilespmem:s16], [sflag:$0x1] =	stream.indirect.gather [hbm4b:s5+s24], $0x80, s14, s24, $0xb8;
	[tilespmem:$0x1E820] =	vst v63  }
0x279: {  	_ =	swait.ge [sflag:s31], $0x2800  }
0x27a: {  	[sflag:s31] =	ssyncset.done $0x0  }
0x27b: {  	s15 =	rddreg [dreg:$0x13];
	[sflag:s31] =	ssyncadd.s32 $0xFFFFD800  }
0x27c: {  	[tilespmem:s26], [sflag:$0x2] =	stream.indirect.gather [hbm4b:s5+s24], $0x80, s15, s24, $0xb8;
	[tilespmem:$0x1E820] =	vst v63  }
0x27d: {  	_ =	swait.ge [sflag:s1], $0x2800  }
0x27e: {  	[sflag:s1] =	ssyncset.done $0x0  }
0x27f: {  	s25 =	rddreg [dreg:$0x14];
	[sflag:s1] =	ssyncadd.s32 $0xFFFFD800  }
0x280: {  	[tilespmem:s28], [sflag:$0x3] =	stream.indirect.gather [hbm4b:s5+s24], $0x80, s25, s24, $0xb8;
	[tilespmem:$0x1E820] =	vst v63  }
0x281: {  	_ =	swait.ge [sflag:s0], $0x2800  }
0x282: {  	[sflag:s0] =	ssyncset.done $0x0  }
0x283: {  	s14 =	rddreg [dreg:$0x15];
	[sflag:s0] =	ssyncadd.s32 $0xFFFFD800  }
0x284: {  	[tilespmem:s29], [sflag:$0x4] =	stream.indirect.gather [hbm4b:s5+s24], $0x80, s14, s24, $0xb8;
	[tilespmem:$0x1E820] =	vst v63  }
0x285: {  	_ =	swait.ge [sflag:s17], $0x2800  }
0x286: {  	[sflag:s17] =	ssyncset.done $0x0  }
0x287: {  	s15 =	rddreg [dreg:$0x16];
	[sflag:s17] =	ssyncadd.s32 $0xFFFFD800  }
0x288: {  	[spmem:s2] =	stream.indirect.scatter.add.f32 [tilespmem:s16], [sflag:$0x5], $0x80, s15, s24, $0xb8;
	[tilespmem:$0x1E820] =	vst v63  }
0x289: {  	_ =	swait.ge [sflag:s18], $0x2800  }
0x28a: {  	[sflag:s18] =	ssyncset.done $0x0  }
0x28b: {  	s25 =	rddreg [dreg:$0x17];
	[sflag:s18] =	ssyncadd.s32 $0xFFFFD800  }
0x28c: {  	[spmem:s2] =	stream.indirect.scatter.add.f32 [tilespmem:s26], [sflag:$0x6], $0x80, s25, s24, $0xb8;
	[tilespmem:$0x1E820] =	vst v63  }
0x28d: {  	_ =	swait.ge [sflag:s19], $0x2800  }
0x28e: {  	[sflag:s19] =	ssyncset.done $0x0  }
0x28f: {  	s14 =	rddreg [dreg:$0x18];
	[sflag:s19] =	ssyncadd.s32 $0xFFFFD800  }
0x290: {  	[spmem:s2] =	stream.indirect.scatter.add.f32 [tilespmem:s28], [sflag:$0x7], $0x80, s14, s24, $0xb8;
	[tilespmem:$0x1E820] =	vst v63  }
0x291: {  	_ =	swait.ge [sflag:s20], $0x2800  }
0x292: {  	[sflag:s20] =	ssyncset.done $0x0  }
0x293: {  	s15 =	rddreg [dreg:$0x19];
	[sflag:s20] =	ssyncadd.s32 $0xFFFFD800  }
0x294: {  	[spmem:s2] =	stream.indirect.scatter.add.f32 [tilespmem:s29], [sflag:$0x8], $0x80, s15, s24, $0xb8;
	[tilespmem:$0x1E820] =	vst v63  }
0x295: {  	_ =	swait.ge [sflag:s30], $0x2800  }
0x296: {  	[sflag:s30] =	ssyncset.done $0x0  }
0x297: {  	s25 =	rddreg [dreg:$0x1a];
	[sflag:s30] =	ssyncadd.s32 $0xFFFFD800  }
0x298: {  	[tilespmem:s16], [sflag:$0x1] =	stream.indirect.gather [hbm4b:s5+s24], $0x80, s25, s24, $0xb8;
	[tilespmem:$0x1E820] =	vst v63  }
0x299: {  	_ =	swait.ge [sflag:s31], $0x2800  }
0x29a: {  	[sflag:s31] =	ssyncset.done $0x0  }
0x29b: {  	s14 =	rddreg [dreg:$0x1b];
	[sflag:s31] =	ssyncadd.s32 $0xFFFFD800  }
0x29c: {  	[tilespmem:s26], [sflag:$0x2] =	stream.indirect.gather [hbm4b:s5+s24], $0x80, s14, s24, $0xb8;
	[tilespmem:$0x1E820] =	vst v63  }
0x29d: {  	_ =	swait.ge [sflag:s1], $0x2800  }
0x29e: {  	[sflag:s1] =	ssyncset.done $0x0  }
0x29f: {  	s15 =	rddreg [dreg:$0x1c];
	[sflag:s1] =	ssyncadd.s32 $0xFFFFD800  }
0x2a0: {  	[tilespmem:s28], [sflag:$0x3] =	stream.indirect.gather [hbm4b:s5+s24], $0x80, s15, s24, $0xb8;
	[tilespmem:$0x1E820] =	vst v63  }
0x2a1: {  	_ =	swait.ge [sflag:s0], $0x2800  }
0x2a2: {  	[sflag:s0] =	ssyncset.done $0x0  }
0x2a3: {  	s25 =	rddreg [dreg:$0x1d];
	[sflag:s0] =	ssyncadd.s32 $0xFFFFD800  }
0x2a4: {  	[tilespmem:s29], [sflag:$0x4] =	stream.indirect.gather [hbm4b:s5+s24], $0x80, s25, s24, $0xb8;
	[tilespmem:$0x1E820] =	vst v63  }
0x2a5: {  	_ =	swait.ge [sflag:s17], $0x2800  }
0x2a6: {  	[sflag:s17] =	ssyncset.done $0x0  }
0x2a7: {  	s14 =	rddreg [dreg:$0x1e];
	[sflag:s17] =	ssyncadd.s32 $0xFFFFD800  }
0x2a8: {  	[spmem:s2] =	stream.indirect.scatter.add.f32 [tilespmem:s16], [sflag:$0x5], $0x80, s14, s24, $0xb8;
	[tilespmem:$0x1E820] =	vst v63  }
0x2a9: {  	_ =	swait.ge [sflag:s18], $0x2800  }
0x2aa: {  	[sflag:s18] =	ssyncset.done $0x0  }
0x2ab: {  	s15 =	rddreg [dreg:$0x1f];
	[sflag:s18] =	ssyncadd.s32 $0xFFFFD800  }
0x2ac: {  	[spmem:s2] =	stream.indirect.scatter.add.f32 [tilespmem:s26], [sflag:$0x6], $0x80, s15, s24, $0xb8;
	[tilespmem:$0x1E820] =	vst v63  }
0x2ad: {  	_ =	swait.ge [sflag:s19], $0x2800  }
0x2ae: {  	s25 =	sld [smem:$0x7EF]  }
0x2af: {  	[sflag:s19] =	ssyncset.done $0x0  }
0x2b0: {  	[sflag:s19] =	ssyncadd.s32 $0xFFFFD800  }
0x2b1: {  	[spmem:s2] =	stream.indirect.scatter.add.f32 [tilespmem:s28], [sflag:$0x7], $0x80, s25, s24, $0xb8;
	[tilespmem:$0x1E820] =	vst v63  }
0x2b2: {  	_ =	swait.ge [sflag:s20], $0x2800  }
0x2b3: {  	s14 =	sld [smem:$0x7F0]  }
0x2b4: {  	[sflag:s20] =	ssyncset.done $0x0  }
0x2b5: {  	[sflag:s20] =	ssyncadd.s32 $0xFFFFD800  }
0x2b6: {  	[spmem:s2] =	stream.indirect.scatter.add.f32 [tilespmem:s29], [sflag:$0x8], $0x80, s14, s24, $0xb8;
	[tilespmem:$0x1E820] =	vst v63  }
0x2b7: {  	_ =	swait.ge [sflag:s30], $0x2800  }
0x2b8: {  	s15 =	sld [smem:$0x7F2]  }
0x2b9: {  	[sflag:s30] =	ssyncset.done $0x0  }
0x2ba: {  	[sflag:s30] =	ssyncadd.s32 $0xFFFFD800  }
0x2bb: {  	[tilespmem:s16], [sflag:$0x1] =	stream.indirect.gather [hbm4b:s5+s24], $0x80, s15, s24, $0xb8;
	[tilespmem:$0x1E820] =	vst v63  }
0x2bc: {  	_ =	swait.ge [sflag:s31], $0x2800  }
0x2bd: {  	s25 =	sld [smem:$0x7F3]  }
0x2be: {  	[sflag:s31] =	ssyncset.done $0x0  }
0x2bf: {  	[sflag:s31] =	ssyncadd.s32 $0xFFFFD800  }
0x2c0: {  	[tilespmem:s26], [sflag:$0x2] =	stream.indirect.gather [hbm4b:s5+s24], $0x80, s25, s24, $0xb8;
	[tilespmem:$0x1E820] =	vst v63  }
0x2c1: {  	_ =	swait.ge [sflag:s1], $0x2800  }
0x2c2: {  	s14 =	sld [smem:$0x7F4]  }
0x2c3: {  	[sflag:s1] =	ssyncset.done $0x0  }
0x2c4: {  	[sflag:s1] =	ssyncadd.s32 $0xFFFFD800  }
0x2c5: {  	[tilespmem:s28], [sflag:$0x3] =	stream.indirect.gather [hbm4b:s5+s24], $0x80, s14, s24, $0xb8;
	[tilespmem:$0x1E820] =	vst v63  }
0x2c6: {  	_ =	swait.ge [sflag:s0], $0x2800  }
0x2c7: {  	s15 =	sld [smem:$0x7F5]  }
0x2c8: {  	[sflag:s0] =	ssyncset.done $0x0  }
0x2c9: {  	[sflag:s0] =	ssyncadd.s32 $0xFFFFD800  }
0x2ca: {  	[tilespmem:s29], [sflag:$0x4] =	stream.indirect.gather [hbm4b:s5+s24], $0x80, s15, s24, $0xb8;
	[tilespmem:$0x1E820] =	vst v63  }
0x2cb: {  	_ =	swait.ge [sflag:s17], $0x2800  }
0x2cc: {  	s25 =	sld [smem:$0x7F6]  }
0x2cd: {  	[sflag:s17] =	ssyncset.done $0x0  }
0x2ce: {  	[sflag:s17] =	ssyncadd.s32 $0xFFFFD800  }
0x2cf: {  	[spmem:s2] =	stream.indirect.scatter.add.f32 [tilespmem:s16], [sflag:$0x5], $0x80, s25, s24, $0xb8;
	[tilespmem:$0x1E820] =	vst v63  }
0x2d0: {  	_ =	swait.ge [sflag:s18], $0x2800  }
0x2d1: {  	s14 =	sld [smem:$0x7F7]  }
0x2d2: {  	[sflag:s18] =	ssyncset.done $0x0  }
0x2d3: {  	[sflag:s18] =	ssyncadd.s32 $0xFFFFD800  }
0x2d4: {  	[spmem:s2] =	stream.indirect.scatter.add.f32 [tilespmem:s26], [sflag:$0x6], $0x80, s14, s24, $0xb8;
	[tilespmem:$0x1E820] =	vst v63  }
0x2d5: {  	_ =	swait.ge [sflag:s19], $0x2800  }
0x2d6: {  	s15 =	sld [smem:$0x7F8]  }
0x2d7: {  	[sflag:s19] =	ssyncset.done $0x0  }
0x2d8: {  	[sflag:s19] =	ssyncadd.s32 $0xFFFFD800  }
0x2d9: {  	[spmem:s2] =	stream.indirect.scatter.add.f32 [tilespmem:s28], [sflag:$0x7], $0x80, s15, s24, $0xb8;
	[tilespmem:$0x1E820] =	vst v63  }
0x2da: {  	_ =	swait.ge [sflag:s20], $0x2800  }
0x2db: {  	s25 =	sld [smem:$0x7F9]  }
0x2dc: {  	[sflag:s20] =	ssyncset.done $0x0  }
0x2dd: {  	[sflag:s20] =	ssyncadd.s32 $0xFFFFD800  }
0x2de: {  	[spmem:s2] =	stream.indirect.scatter.add.f32 [tilespmem:s29], [sflag:$0x8], $0x80, s25, s24, $0xb8;
	[tilespmem:$0x1E820] =	vst v63  }
0x2df: {  	_ =	swait.ge [sflag:s30], $0x2800  }
0x2e0: {  	s14 =	sld [smem:$0x7FA]  }
0x2e1: {  	[sflag:s30] =	ssyncset.done $0x0  }
0x2e2: {  	[sflag:s30] =	ssyncadd.s32 $0xFFFFD800  }
0x2e3: {  	[tilespmem:s16], [sflag:$0x1] =	stream.indirect.gather [hbm4b:s5+s24], $0x80, s14, s24, $0xb8;
	[tilespmem:$0x1E820] =	vst v63  }
0x2e4: {  	_ =	swait.ge [sflag:s31], $0x2800  }
0x2e5: {  	s15 =	sld [smem:$0x7FB]  }
0x2e6: {  	[sflag:s31] =	ssyncset.done $0x0  }
0x2e7: {  	[sflag:s31] =	ssyncadd.s32 $0xFFFFD800  }
0x2e8: {  	[tilespmem:s26], [sflag:$0x2] =	stream.indirect.gather [hbm4b:s5+s24], $0x80, s15, s24, $0xb8;
	[tilespmem:$0x1E820] =	vst v63  }
0x2e9: {  	_ =	swait.ge [sflag:s1], $0x2800  }
0x2ea: {  	s25 =	sld [smem:$0x7FC]  }
0x2eb: {  	[sflag:s1] =	ssyncset.done $0x0  }
0x2ec: {  	[sflag:s1] =	ssyncadd.s32 $0xFFFFD800  }
0x2ed: {  	[tilespmem:s28], [sflag:$0x3] =	stream.indirect.gather [hbm4b:s5+s24], $0x80, s25, s24, $0xb8;
	[tilespmem:$0x1E820] =	vst v63  }
0x2ee: {  	_ =	swait.ge [sflag:s0], $0x2800  }
0x2ef: {  	[sflag:s0] =	ssyncset.done $0x0  }
0x2f0: {  	[sflag:s0] =	ssyncadd.s32 $0xFFFFD800  }
0x2f1: {  	[tilespmem:s29], [sflag:$0x4] =	stream.indirect.gather [hbm4b:s5+s24], $0x80, s6, s24, $0xb8;
	[tilespmem:$0x1E820] =	vst v63  }
0x2f2: {  	_ =	swait.ge [sflag:s17], $0x2800  }
0x2f3: {  	[sflag:s17] =	ssyncset.done $0x0  }
0x2f4: {  	[sflag:s17] =	ssyncadd.s32 $0xFFFFD800  }
0x2f5: {  	[spmem:s2] =	stream.indirect.scatter.add.f32 [tilespmem:s16], [sflag:$0x5], $0x80, s7, s24, $0xb8;
	[tilespmem:$0x1E820] =	vst v63  }
0x2f6: {  	_ =	swait.ge [sflag:s18], $0x2800  }
0x2f7: {  	[sflag:s18] =	ssyncset.done $0x0  }
0x2f8: {  	[sflag:s18] =	ssyncadd.s32 $0xFFFFD800  }
0x2f9: {  	[spmem:s2] =	stream.indirect.scatter.add.f32 [tilespmem:s26], [sflag:$0x6], $0x80, s9, s24, $0xb8;
	[tilespmem:$0x1E820] =	vst v63  }
0x2fa: {  	_ =	swait.ge [sflag:s19], $0x2800  }
0x2fb: {  	[sflag:s19] =	ssyncset.done $0x0  }
0x2fc: {  	[sflag:s19] =	ssyncadd.s32 $0xFFFFD800  }
0x2fd: {  	[spmem:s2] =	stream.indirect.scatter.add.f32 [tilespmem:s28], [sflag:$0x7], $0x80, s10, s24, $0xb8;
	[tilespmem:$0x1E820] =	vst v63  }
0x2fe: {  	_ =	swait.ge [sflag:s20], $0x2800  }
0x2ff: {  	[sflag:s20] =	ssyncset.done $0x0  }
0x300: {  	[sflag:s20] =	ssyncadd.s32 $0xFFFFD800  }
0x301: {  	[spmem:s2] =	stream.indirect.scatter.add.f32 [tilespmem:s29], [sflag:$0x8], $0x80, s11, s24, $0xb8;
	[tilespmem:$0x1E820] =	vst v63  }
0x302: {  	_ =	swait.ge [sflag:s30], $0x2800  }
0x303: {  	[sflag:s30] =	ssyncset.done $0x0  }
0x304: {  	[sflag:s30] =	ssyncadd.s32 $0xFFFFD800  }
0x305: {  	[tilespmem:s16], [sflag:$0x1] =	stream.indirect.gather [hbm4b:s5+s24], $0x80, s12, s24, $0xb8;
	[tilespmem:$0x1E820] =	vst v63  }
0x306: {  	_ =	swait.ge [sflag:s31], $0x2800  }
0x307: {  	[sflag:s31] =	ssyncset.done $0x0  }
0x308: {  	[sflag:s31] =	ssyncadd.s32 $0xFFFFD800  }
0x309: {  	_ =	swait.ge [sflag:s1], $0x2800  }
0x30a: {  	[sflag:s1] =	ssyncset.done $0x0  }
0x30b: {  	[sflag:s1] =	ssyncadd.s32 $0xFFFFD800  }
0x30c: {  	_ =	swait.ge [sflag:s0], $0x2800  }
0x30d: {  	[sflag:s0] =	ssyncset.done $0x0  }
0x30e: {  	[sflag:s0] =	ssyncadd.s32 $0xFFFFD800  }
0x30f: {  	_ =	swait.ge [sflag:s17], $0x2800  }
0x310: {  	[sflag:s17] =	ssyncset.done $0x0  }
0x311: {  	[sflag:s17] =	ssyncadd.s32 $0xFFFFD800  }
0x312: {  	[spmem:s2] =	stream.indirect.scatter.add.f32 [tilespmem:s16], [sflag:$0x9], $0x80, s13, s24, $0xb8;
	[tilespmem:$0x1E820] =	vst v63  }
0x313: {  	_ =	swait.ge [sflag:s22], $0x2800  }
0x314: {  	[sflag:s22] =	ssyncset.done $0x0  }
0x315: {  	[sflag:s22] =	ssyncadd.s32 $0xFFFFD800  }
0x316: {  	[bflag:$0x0] =	sbarrier.arrive $0xFFFF  }
0x317: {  	s15 =	sld [smem:$0x7E6]  }
0x318: {  	s14 =	stileid.u32;
	s25 =	sld [smem:$0x7FD]  }
0x319: {  	s8 =	sshll.u32 s14, $0x6  }
0x31a: {  	s8 =	sor.u32 $0x1C09, s8  }
0x31b: {  	[hbm:s15], [sflag:s8] =	dma.local [spmem:s25], $0x2710  }
0x31c: {  	_ =	swait.ge [sflag:s22], $0x2710  }
0x31d: {  	s15 =	sld [smem:$0x7E5]  }
0x31e: {  	s25 =	sld [smem:$0x7E7];
	_ =	sdelay $0x1  }
0x31f: {  	s14 =	sadd.s32 $0x1, s15  }
0x320: {  	p1 =	sne.s32 s14, s25  }
.Ltmp2:
0x321: {  	_ = 	snop;
	(pc) =	sbr.rel @p1 .LBB2_1-.Ltmp2, $3  }
0x322: {  	_ =	sdelay $0x1  }
0x323: {  	[sflag:s22] =	ssyncset.done $0x0  }
0x324: {  	[sflag:s22] =	ssyncadd.s32 $0xFFFFD8F0  }
0x325: {  	_ =	sfence.sel $0x180000  }
0x326: {  	[bflag:$0x0] =	sbarrier.arrive $0xFFFF  }
0x327: {  	_ =	strace $0x90000047  }
0x328: {  	s0 =	stileid.u32;
	[bflag:$0x2] =	sbarrier.arrive $0xFFFF  }
0x329: {  	p0 =	sne.s32 s0, $0x0;
	s0 =	rddreg [dreg:$0x2]  }
0x32a: {  	s0 =	sadd.s32 @!p0 $0x100000, s0  }
0x32b: {  	[sflag:s0] =	ssyncadd.tile.s32 @!p0 $0x1;
	_ =	shalt  }
.Lfunc_end2:
_tile_overlayer_lowered:
.L_overlay_start_2:
0x32c: {  	(tag) =	ssettag $0x2  }
0x32d: {  	s0 =	rddreg [dreg:$0x0];
	s2 =	stileid.u32  }
0x32e: {  	s1 =	rddreg [dreg:$0x1];
	p0 =	sne.s32 s2, $0x0  }
0x32f: {  	s3 =	rddreg [dreg:$0x2];
	[bflag:$0x3] =	sbarrier.arrive $0xFFFF;
	s2 =	simm.s32 @!p0 $0x1C09  }
0x330: {  	[timem:s3], [sflag:s2] =	dma.local @!p0 [hbm:s0], s1  }
0x331: {  	s0 =	simm.s32 @!p0 $0x9  }
0x332: {  	_ =	swait.ge @!p0 [sflag:s0], s1  }
0x333: {  	s1 =	ssub.s32 @!p0 $0x0, s1;
	[sflag:s0] =	ssyncset.done @!p0 $0x0  }
0x334: {  	[sflag:s0] =	ssyncadd.s32 @!p0 s1  }
0x335: {  	[bflag:$0x3] =	sbarrier.arrive $0xFFFF  }
0x336: {  	_ =	shalt  }

</sc_bundles>
